<compile_context>
chip_gen: v7x
topology: tpu7x:2x2x1
jax: 0.10.2.dev20260603
libtpu: 0.0.44.dev20260713+nightly
codegen_flags: <defaults>
</compile_context>

<pallas_src>
import functools
import jax
import jax.numpy as jnp
from jax import lax
from jax.experimental import pallas as pl
from jax.experimental.pallas import tpu as pltpu
from jax.experimental.pallas import tpu_sc as plsc

VOCAB = 1000000
DIM = 32
BATCH = 16384
HIST = 50

NC = 2
NS = 16
NW = NC * NS

B_PER_W = BATCH // NW
GB = 8
GROUPS = B_PER_W // GB

TBLK = 8192
QBLK = TBLK // 4
NBLK = -(-VOCAB // TBLK)
PROWS = NBLK * TBLK


def _relayout(wt):

    def kern(x_ref, y_ref):
        x = x_ref[...]
        y_ref[...] = jnp.concatenate(
            [x[:, q * QBLK:(q + 1) * QBLK].T for q in range(4)], axis=1)

    return pl.pallas_call(
        kern,
        grid=(NBLK,),
        in_specs=[pl.BlockSpec((DIM, TBLK), lambda i: (0, i))],
        out_specs=pl.BlockSpec((QBLK, 4 * DIM), lambda i: (i, 0)),
        out_shape=jax.ShapeDtypeStruct((PROWS // 4, 4 * DIM), jnp.float32),
    )(wt)


def _make_gather():
    mesh = plsc.VectorSubcoreMesh(core_axis_name="c", subcore_axis_name="s")

    @functools.partial(
        pl.kernel,
        mesh=mesh,
        out_type=jax.ShapeDtypeStruct((BATCH, HIST, DIM), jnp.float32),
        scratch_types=[
            pltpu.VMEM((B_PER_W, HIST), jnp.int32),
            pltpu.VMEM((2, GB, HIST, DIM), jnp.float32),
            pltpu.SemaphoreType.DMA,
            pltpu.SemaphoreType.DMA,
        ],
        compiler_params=pltpu.CompilerParams(use_tc_tiling_on_sc=False),
    )
    def gather1(idx_hbm, tab_hbm, out, idx_v, buf, sem_g, sem_o):
        wid = lax.axis_index("s") * NC + lax.axis_index("c")
        b0 = wid * B_PER_W

        pltpu.sync_copy(idx_hbm.at[pl.ds(b0, B_PER_W)], idx_v)

        def fire_gathers(grp, slot):
            for j in range(GB):
                b = grp * GB + j
                pltpu.async_copy(tab_hbm.at[idx_v.at[b]],
                                 buf.at[slot].at[j], sem_g)

        def drain_gathers():
            for j in range(GB):
                pltpu.make_async_copy(tab_hbm.at[idx_v.at[0]],
                                      buf.at[0].at[j], sem_g).wait()

        def fire_writes(grp, slot):
            d = pl.ds(b0 + grp * GB, GB)
            pltpu.async_copy(buf.at[slot], out.at[d], sem_o)

        def drain_writes():
            pltpu.make_async_copy(buf.at[0], out.at[pl.ds(0, GB)],
                                  sem_o).wait()

        fire_gathers(0, 0)

        def body(g, carry):
            slot = lax.rem(g, 2)
            nslot = lax.rem(g + 1, 2)

            @pl.when(g >= 1)
            def _():
                drain_writes()

            @pl.when(g + 1 < GROUPS)
            def _():
                fire_gathers(g + 1, nslot)

            drain_gathers()
            fire_writes(g, slot)
            return carry

        lax.fori_loop(0, GROUPS, body, 0)
        drain_writes()

    return gather1


_gather1 = _make_gather()


@jax.jit
def kernel(text, W_word, W_ctx):
    v = text.astype(jnp.int32)
    idx = (v & ~(TBLK - 1)) + 4 * (v % QBLK) + (v // QBLK) % 4
    Cp = _relayout(W_ctx.T).reshape(PROWS, DIM)
    Wp = _relayout(W_word.T).reshape(PROWS, DIM)
    contextMatrix = _gather1(idx, Cp)
    wordMatrix = _gather1(idx, Wp)
    return (contextMatrix, wordMatrix)

# --- scband reference (transcript-rebuilt; emitter-appended) ---
"""Pipeline reference for scband-word-vec-42906723287293 (READ-ONLY COPY).

The authoritative reference and input builder live on the scoring server;
editing this copy changes nothing except your own understanding.
"""

import jax, jax.numpy as jnp
import numpy as np

VOCAB = 1000000
DIM = 32
BATCH = 16384
HIST = 50

def setup_inputs(seed: int = 0) -> dict:
    key = jax.random.key(seed)
    k1, k2, k3 = jax.random.split(key, 3)
    text = jax.random.randint(k1, (BATCH, HIST), 0, VOCAB, dtype=jnp.int64)
    W_word = jax.random.normal(k2, (VOCAB, DIM), dtype=jnp.float32) * 0.02
    W_ctx = jax.random.normal(k3, (VOCAB, DIM), dtype=jnp.float32) * 0.02
    return {"text": text, "W_word": W_word, "W_ctx": W_ctx}

def reference(text, W_word, W_ctx):
    # Faithful translation of WordVec.forward:
    #   contextMatrix = contextVec(text)  -> embedding gather from context table
    #   wordMatrix    = wordvec(text)     -> embedding gather from word table
    contextMatrix = jnp.take(W_ctx, text, axis=0)
    wordMatrix = jnp.take(W_word, text, axis=0)
    return (contextMatrix, wordMatrix)

if __name__ == "__main__":
    import jax
    _d = setup_inputs()
    print(jax.jit(kernel)(*tuple(_d.values())))

</pallas_src>

<mosaic_0001>
#map = affine_map<(d0, d1) -> (0, 0)>
#map1 = affine_map<(d0, d1) -> (0, 0, 0)>
module attributes {stable_mosaic.version = 14 : i64} {
  func.func @gather1(%arg0: i32, %arg1: i32, %arg2: memref<16384x50xi32, #tpu.memory_space<hbm>>, %arg3: memref<1007616x32xf32, #tpu.memory_space<hbm>>, %arg4: memref<16384x50x32xf32, #tpu.memory_space<hbm>>, %arg5: memref<512x50xi32, #tpu.memory_space<vmem>>, %arg6: memref<2x8x50x32xf32, #tpu.memory_space<vmem>>, %arg7: memref<!tpu.dma_semaphore, #tpu.memory_space<semaphore_mem>>, %arg8: memref<!tpu.dma_semaphore, #tpu.memory_space<semaphore_mem>>) attributes {dimension_semantics = [#tpu.dimension_semantics<core_parallel>, #tpu.dimension_semantics<subcore_parallel>], iteration_bounds = array<i64: 2, 16>, scalar_prefetch = 0 : i64, scratch_operands = 4 : i64, tpu.core_type = #tpu.core_type<sc_vector_subcore>, window_params = [{transform_indices = #map}, {transform_indices = #map}, {transform_indices = #map1}]} {
    %mul3A = arith.constant 2 : i32
    %mul3A_0 = arith.muli %arg1, %mul3A : i32
    %add3A = arith.addi %mul3A_0, %arg0 : i32
    %mul3A_1 = arith.constant 512 : i32
    %mul3A_2 = arith.muli %add3A, %mul3A_1 : i32
    "tpu.region"() ({
      %run_scoped3A = tpu.sem_alloc : memref<!tpu.dma_semaphore, #tpu.memory_space<semaphore_mem>>
      %dma_start3A_169 = arith.constant 0 : i32
      %dma_start3A_170 = tpu.memref_slice %arg2[%mul3A_2, %dma_start3A_169] : memref<16384x50xi32, #tpu.memory_space<hbm>> -> memref<512x50xi32, #tpu.memory_space<hbm>>
      %dma_start3A_171 = arith.constant 0 : i32
      %dma_start3A_172 = tpu.memref_slice %arg2[%mul3A_2, %dma_start3A_171] : memref<16384x50xi32, #tpu.memory_space<hbm>> -> memref<512x50xi32, #tpu.memory_space<hbm>>
      tpu.enqueue_dma source(%dma_start3A_172 : memref<512x50xi32, #tpu.memory_space<hbm>>) target(%arg5 : memref<512x50xi32, #tpu.memory_space<vmem>>) target_semaphore(%run_scoped3A : memref<!tpu.dma_semaphore, #tpu.memory_space<semaphore_mem>>)
      %dma_wait3A_173 = arith.constant 0 : i32
      %dma_wait3A_174 = tpu.memref_slice %arg2[%mul3A_2, %dma_wait3A_173] : memref<16384x50xi32, #tpu.memory_space<hbm>> -> memref<512x50xi32, #tpu.memory_space<hbm>>
      %dma_wait3A_175 = arith.constant 0 : i32
      %dma_wait3A_176 = tpu.memref_slice %arg2[%mul3A_2, %dma_wait3A_175] : memref<16384x50xi32, #tpu.memory_space<hbm>> -> memref<512x50xi32, #tpu.memory_space<hbm>>
      tpu.wait_dma2 semaphore(%run_scoped3A : memref<!tpu.dma_semaphore, #tpu.memory_space<semaphore_mem>>) src(%dma_wait3A_176 : memref<512x50xi32, #tpu.memory_space<hbm>>) dst(%arg5 : memref<512x50xi32, #tpu.memory_space<vmem>>)
      tpu.yield
    }) : () -> ()
    %dma_start3A = arith.constant 0 : i32
    %dma_start3A_3 = arith.constant 0 : i32
    %dma_start3A_4 = arith.constant 0 : i32
    %dma_start3A_5 = arith.constant 0 : i32
    %dma_start3A_6 = arith.constant 0 : i32
    %dma_start3A_7 = arith.constant 0 : i32
    %dma_start3A_8 = tpu.memref_slice %arg6[%dma_start3A_3, %dma_start3A_5, %dma_start3A_6, %dma_start3A_7] : memref<2x8x50x32xf32, #tpu.memory_space<vmem>> -> memref<1x8x50x32xf32, #tpu.memory_space<vmem>>
    %dma_start3A_9 = tpu.memref_squeeze %dma_start3A_8 : memref<1x8x50x32xf32, #tpu.memory_space<vmem>> -> memref<8x50x32xf32, #tpu.memory_space<vmem>>
    %dma_start3A_10 = arith.constant 0 : i32
    %dma_start3A_11 = arith.constant 0 : i32
    %dma_start3A_12 = tpu.memref_slice %dma_start3A_9[%dma_start3A_4, %dma_start3A_10, %dma_start3A_11] : memref<8x50x32xf32, #tpu.memory_space<vmem>> -> memref<1x50x32xf32, #tpu.memory_space<vmem>>
    %dma_start3A_13 = tpu.memref_squeeze %dma_start3A_12 : memref<1x50x32xf32, #tpu.memory_space<vmem>> -> memref<50x32xf32, #tpu.memory_space<vmem>>
    %dma_start3A_14 = arith.constant 0 : i32
    %dma_start3A_15 = tpu.memref_slice %arg5[%dma_start3A, %dma_start3A_14] : memref<512x50xi32, #tpu.memory_space<vmem>> -> memref<1x50xi32, #tpu.memory_space<vmem>>
    %dma_start3A_16 = tpu.memref_squeeze %dma_start3A_15 : memref<1x50xi32, #tpu.memory_space<vmem>> -> memref<50xi32, #tpu.memory_space<vmem>>
    %dma_start3A_17 = arith.constant 0 : i32
    %dma_start3A_18 = arith.constant 0 : i32
    %dma_start3A_19 = tpu.memref_slice %arg3[%dma_start3A_17, %dma_start3A_18] : memref<1007616x32xf32, #tpu.memory_space<hbm>> -> memref<1007616x32xf32, #tpu.memory_space<hbm>>
    tpu.enqueue_indirect_dma source(%dma_start3A_19 : memref<1007616x32xf32, #tpu.memory_space<hbm>>) target(%dma_start3A_13 : memref<50x32xf32, #tpu.memory_space<vmem>>) offsets(%dma_start3A_16 : memref<50xi32, #tpu.memory_space<vmem>>) semaphore(%arg7 : memref<!tpu.dma_semaphore, #tpu.memory_space<semaphore_mem>>)
    %dma_start3A_20 = arith.constant 1 : i32
    %dma_start3A_21 = arith.constant 0 : i32
    %dma_start3A_22 = arith.constant 1 : i32
    %dma_start3A_23 = arith.constant 0 : i32
    %dma_start3A_24 = arith.constant 0 : i32
    %dma_start3A_25 = arith.constant 0 : i32
    %dma_start3A_26 = tpu.memref_slice %arg6[%dma_start3A_21, %dma_start3A_23, %dma_start3A_24, %dma_start3A_25] : memref<2x8x50x32xf32, #tpu.memory_space<vmem>> -> memref<1x8x50x32xf32, #tpu.memory_space<vmem>>
    %dma_start3A_27 = tpu.memref_squeeze %dma_start3A_26 : memref<1x8x50x32xf32, #tpu.memory_space<vmem>> -> memref<8x50x32xf32, #tpu.memory_space<vmem>>
    %dma_start3A_28 = arith.constant 0 : i32
    %dma_start3A_29 = arith.constant 0 : i32
    %dma_start3A_30 = tpu.memref_slice %dma_start3A_27[%dma_start3A_22, %dma_start3A_28, %dma_start3A_29] : memref<8x50x32xf32, #tpu.memory_space<vmem>> -> memref<1x50x32xf32, #tpu.memory_space<vmem>>
    %dma_start3A_31 = tpu.memref_squeeze %dma_start3A_30 : memref<1x50x32xf32, #tpu.memory_space<vmem>> -> memref<50x32xf32, #tpu.memory_space<vmem>>
    %dma_start3A_32 = arith.constant 0 : i32
    %dma_start3A_33 = tpu.memref_slice %arg5[%dma_start3A_20, %dma_start3A_32] : memref<512x50xi32, #tpu.memory_space<vmem>> -> memref<1x50xi32, #tpu.memory_space<vmem>>
    %dma_start3A_34 = tpu.memref_squeeze %dma_start3A_33 : memref<1x50xi32, #tpu.memory_space<vmem>> -> memref<50xi32, #tpu.memory_space<vmem>>
    %dma_start3A_35 = arith.constant 0 : i32
    %dma_start3A_36 = arith.constant 0 : i32
    %dma_start3A_37 = tpu.memref_slice %arg3[%dma_start3A_35, %dma_start3A_36] : memref<1007616x32xf32, #tpu.memory_space<hbm>> -> memref<1007616x32xf32, #tpu.memory_space<hbm>>
    tpu.enqueue_indirect_dma source(%dma_start3A_37 : memref<1007616x32xf32, #tpu.memory_space<hbm>>) target(%dma_start3A_31 : memref<50x32xf32, #tpu.memory_space<vmem>>) offsets(%dma_start3A_34 : memref<50xi32, #tpu.memory_space<vmem>>) semaphore(%arg7 : memref<!tpu.dma_semaphore, #tpu.memory_space<semaphore_mem>>)
    %dma_start3A_38 = arith.constant 2 : i32
    %dma_start3A_39 = arith.constant 0 : i32
    %dma_start3A_40 = arith.constant 2 : i32
    %dma_start3A_41 = arith.constant 0 : i32
    %dma_start3A_42 = arith.constant 0 : i32
    %dma_start3A_43 = arith.constant 0 : i32
    %dma_start3A_44 = tpu.memref_slice %arg6[%dma_start3A_39, %dma_start3A_41, %dma_start3A_42, %dma_start3A_43] : memref<2x8x50x32xf32, #tpu.memory_space<vmem>> -> memref<1x8x50x32xf32, #tpu.memory_space<vmem>>
    %dma_start3A_45 = tpu.memref_squeeze %dma_start3A_44 : memref<1x8x50x32xf32, #tpu.memory_space<vmem>> -> memref<8x50x32xf32, #tpu.memory_space<vmem>>
    %dma_start3A_46 = arith.constant 0 : i32
    %dma_start3A_47 = arith.constant 0 : i32
    %dma_start3A_48 = tpu.memref_slice %dma_start3A_45[%dma_start3A_40, %dma_start3A_46, %dma_start3A_47] : memref<8x50x32xf32, #tpu.memory_space<vmem>> -> memref<1x50x32xf32, #tpu.memory_space<vmem>>
    %dma_start3A_49 = tpu.memref_squeeze %dma_start3A_48 : memref<1x50x32xf32, #tpu.memory_space<vmem>> -> memref<50x32xf32, #tpu.memory_space<vmem>>
    %dma_start3A_50 = arith.constant 0 : i32
    %dma_start3A_51 = tpu.memref_slice %arg5[%dma_start3A_38, %dma_start3A_50] : memref<512x50xi32, #tpu.memory_space<vmem>> -> memref<1x50xi32, #tpu.memory_space<vmem>>
    %dma_start3A_52 = tpu.memref_squeeze %dma_start3A_51 : memref<1x50xi32, #tpu.memory_space<vmem>> -> memref<50xi32, #tpu.memory_space<vmem>>
    %dma_start3A_53 = arith.constant 0 : i32
    %dma_start3A_54 = arith.constant 0 : i32
    %dma_start3A_55 = tpu.memref_slice %arg3[%dma_start3A_53, %dma_start3A_54] : memref<1007616x32xf32, #tpu.memory_space<hbm>> -> memref<1007616x32xf32, #tpu.memory_space<hbm>>
    tpu.enqueue_indirect_dma source(%dma_start3A_55 : memref<1007616x32xf32, #tpu.memory_space<hbm>>) target(%dma_start3A_49 : memref<50x32xf32, #tpu.memory_space<vmem>>) offsets(%dma_start3A_52 : memref<50xi32, #tpu.memory_space<vmem>>) semaphore(%arg7 : memref<!tpu.dma_semaphore, #tpu.memory_space<semaphore_mem>>)
    %dma_start3A_56 = arith.constant 3 : i32
    %dma_start3A_57 = arith.constant 0 : i32
    %dma_start3A_58 = arith.constant 3 : i32
    %dma_start3A_59 = arith.constant 0 : i32
    %dma_start3A_60 = arith.constant 0 : i32
    %dma_start3A_61 = arith.constant 0 : i32
    %dma_start3A_62 = tpu.memref_slice %arg6[%dma_start3A_57, %dma_start3A_59, %dma_start3A_60, %dma_start3A_61] : memref<2x8x50x32xf32, #tpu.memory_space<vmem>> -> memref<1x8x50x32xf32, #tpu.memory_space<vmem>>
    %dma_start3A_63 = tpu.memref_squeeze %dma_start3A_62 : memref<1x8x50x32xf32, #tpu.memory_space<vmem>> -> memref<8x50x32xf32, #tpu.memory_space<vmem>>
    %dma_start3A_64 = arith.constant 0 : i32
    %dma_start3A_65 = arith.constant 0 : i32
    %dma_start3A_66 = tpu.memref_slice %dma_start3A_63[%dma_start3A_58, %dma_start3A_64, %dma_start3A_65] : memref<8x50x32xf32, #tpu.memory_space<vmem>> -> memref<1x50x32xf32, #tpu.memory_space<vmem>>
    %dma_start3A_67 = tpu.memref_squeeze %dma_start3A_66 : memref<1x50x32xf32, #tpu.memory_space<vmem>> -> memref<50x32xf32, #tpu.memory_space<vmem>>
    %dma_start3A_68 = arith.constant 0 : i32
    %dma_start3A_69 = tpu.memref_slice %arg5[%dma_start3A_56, %dma_start3A_68] : memref<512x50xi32, #tpu.memory_space<vmem>> -> memref<1x50xi32, #tpu.memory_space<vmem>>
    %dma_start3A_70 = tpu.memref_squeeze %dma_start3A_69 : memref<1x50xi32, #tpu.memory_space<vmem>> -> memref<50xi32, #tpu.memory_space<vmem>>
    %dma_start3A_71 = arith.constant 0 : i32
    %dma_start3A_72 = arith.constant 0 : i32
    %dma_start3A_73 = tpu.memref_slice %arg3[%dma_start3A_71, %dma_start3A_72] : memref<1007616x32xf32, #tpu.memory_space<hbm>> -> memref<1007616x32xf32, #tpu.memory_space<hbm>>
    tpu.enqueue_indirect_dma source(%dma_start3A_73 : memref<1007616x32xf32, #tpu.memory_space<hbm>>) target(%dma_start3A_67 : memref<50x32xf32, #tpu.memory_space<vmem>>) offsets(%dma_start3A_70 : memref<50xi32, #tpu.memory_space<vmem>>) semaphore(%arg7 : memref<!tpu.dma_semaphore, #tpu.memory_space<semaphore_mem>>)
    %dma_start3A_74 = arith.constant 4 : i32
    %dma_start3A_75 = arith.constant 0 : i32
    %dma_start3A_76 = arith.constant 4 : i32
    %dma_start3A_77 = arith.constant 0 : i32
    %dma_start3A_78 = arith.constant 0 : i32
    %dma_start3A_79 = arith.constant 0 : i32
    %dma_start3A_80 = tpu.memref_slice %arg6[%dma_start3A_75, %dma_start3A_77, %dma_start3A_78, %dma_start3A_79] : memref<2x8x50x32xf32, #tpu.memory_space<vmem>> -> memref<1x8x50x32xf32, #tpu.memory_space<vmem>>
    %dma_start3A_81 = tpu.memref_squeeze %dma_start3A_80 : memref<1x8x50x32xf32, #tpu.memory_space<vmem>> -> memref<8x50x32xf32, #tpu.memory_space<vmem>>
    %dma_start3A_82 = arith.constant 0 : i32
    %dma_start3A_83 = arith.constant 0 : i32
    %dma_start3A_84 = tpu.memref_slice %dma_start3A_81[%dma_start3A_76, %dma_start3A_82, %dma_start3A_83] : memref<8x50x32xf32, #tpu.memory_space<vmem>> -> memref<1x50x32xf32, #tpu.memory_space<vmem>>
    %dma_start3A_85 = tpu.memref_squeeze %dma_start3A_84 : memref<1x50x32xf32, #tpu.memory_space<vmem>> -> memref<50x32xf32, #tpu.memory_space<vmem>>
    %dma_start3A_86 = arith.constant 0 : i32
    %dma_start3A_87 = tpu.memref_slice %arg5[%dma_start3A_74, %dma_start3A_86] : memref<512x50xi32, #tpu.memory_space<vmem>> -> memref<1x50xi32, #tpu.memory_space<vmem>>
    %dma_start3A_88 = tpu.memref_squeeze %dma_start3A_87 : memref<1x50xi32, #tpu.memory_space<vmem>> -> memref<50xi32, #tpu.memory_space<vmem>>
    %dma_start3A_89 = arith.constant 0 : i32
    %dma_start3A_90 = arith.constant 0 : i32
    %dma_start3A_91 = tpu.memref_slice %arg3[%dma_start3A_89, %dma_start3A_90] : memref<1007616x32xf32, #tpu.memory_space<hbm>> -> memref<1007616x32xf32, #tpu.memory_space<hbm>>
    tpu.enqueue_indirect_dma source(%dma_start3A_91 : memref<1007616x32xf32, #tpu.memory_space<hbm>>) target(%dma_start3A_85 : memref<50x32xf32, #tpu.memory_space<vmem>>) offsets(%dma_start3A_88 : memref<50xi32, #tpu.memory_space<vmem>>) semaphore(%arg7 : memref<!tpu.dma_semaphore, #tpu.memory_space<semaphore_mem>>)
    %dma_start3A_92 = arith.constant 5 : i32
    %dma_start3A_93 = arith.constant 0 : i32
    %dma_start3A_94 = arith.constant 5 : i32
    %dma_start3A_95 = arith.constant 0 : i32
    %dma_start3A_96 = arith.constant 0 : i32
    %dma_start3A_97 = arith.constant 0 : i32
    %dma_start3A_98 = tpu.memref_slice %arg6[%dma_start3A_93, %dma_start3A_95, %dma_start3A_96, %dma_start3A_97] : memref<2x8x50x32xf32, #tpu.memory_space<vmem>> -> memref<1x8x50x32xf32, #tpu.memory_space<vmem>>
    %dma_start3A_99 = tpu.memref_squeeze %dma_start3A_98 : memref<1x8x50x32xf32, #tpu.memory_space<vmem>> -> memref<8x50x32xf32, #tpu.memory_space<vmem>>
    %dma_start3A_100 = arith.constant 0 : i32
    %dma_start3A_101 = arith.constant 0 : i32
    %dma_start3A_102 = tpu.memref_slice %dma_start3A_99[%dma_start3A_94, %dma_start3A_100, %dma_start3A_101] : memref<8x50x32xf32, #tpu.memory_space<vmem>> -> memref<1x50x32xf32, #tpu.memory_space<vmem>>
    %dma_start3A_103 = tpu.memref_squeeze %dma_start3A_102 : memref<1x50x32xf32, #tpu.memory_space<vmem>> -> memref<50x32xf32, #tpu.memory_space<vmem>>
    %dma_start3A_104 = arith.constant 0 : i32
    %dma_start3A_105 = tpu.memref_slice %arg5[%dma_start3A_92, %dma_start3A_104] : memref<512x50xi32, #tpu.memory_space<vmem>> -> memref<1x50xi32, #tpu.memory_space<vmem>>
    %dma_start3A_106 = tpu.memref_squeeze %dma_start3A_105 : memref<1x50xi32, #tpu.memory_space<vmem>> -> memref<50xi32, #tpu.memory_space<vmem>>
    %dma_start3A_107 = arith.constant 0 : i32
    %dma_start3A_108 = arith.constant 0 : i32
    %dma_start3A_109 = tpu.memref_slice %arg3[%dma_start3A_107, %dma_start3A_108] : memref<1007616x32xf32, #tpu.memory_space<hbm>> -> memref<1007616x32xf32, #tpu.memory_space<hbm>>
    tpu.enqueue_indirect_dma source(%dma_start3A_109 : memref<1007616x32xf32, #tpu.memory_space<hbm>>) target(%dma_start3A_103 : memref<50x32xf32, #tpu.memory_space<vmem>>) offsets(%dma_start3A_106 : memref<50xi32, #tpu.memory_space<vmem>>) semaphore(%arg7 : memref<!tpu.dma_semaphore, #tpu.memory_space<semaphore_mem>>)
    %dma_start3A_110 = arith.constant 6 : i32
    %dma_start3A_111 = arith.constant 0 : i32
    %dma_start3A_112 = arith.constant 6 : i32
    %dma_start3A_113 = arith.constant 0 : i32
    %dma_start3A_114 = arith.constant 0 : i32
    %dma_start3A_115 = arith.constant 0 : i32
    %dma_start3A_116 = tpu.memref_slice %arg6[%dma_start3A_111, %dma_start3A_113, %dma_start3A_114, %dma_start3A_115] : memref<2x8x50x32xf32, #tpu.memory_space<vmem>> -> memref<1x8x50x32xf32, #tpu.memory_space<vmem>>
    %dma_start3A_117 = tpu.memref_squeeze %dma_start3A_116 : memref<1x8x50x32xf32, #tpu.memory_space<vmem>> -> memref<8x50x32xf32, #tpu.memory_space<vmem>>
    %dma_start3A_118 = arith.constant 0 : i32
    %dma_start3A_119 = arith.constant 0 : i32
    %dma_start3A_120 = tpu.memref_slice %dma_start3A_117[%dma_start3A_112, %dma_start3A_118, %dma_start3A_119] : memref<8x50x32xf32, #tpu.memory_space<vmem>> -> memref<1x50x32xf32, #tpu.memory_space<vmem>>
    %dma_start3A_121 = tpu.memref_squeeze %dma_start3A_120 : memref<1x50x32xf32, #tpu.memory_space<vmem>> -> memref<50x32xf32, #tpu.memory_space<vmem>>
    %dma_start3A_122 = arith.constant 0 : i32
    %dma_start3A_123 = tpu.memref_slice %arg5[%dma_start3A_110, %dma_start3A_122] : memref<512x50xi32, #tpu.memory_space<vmem>> -> memref<1x50xi32, #tpu.memory_space<vmem>>
    %dma_start3A_124 = tpu.memref_squeeze %dma_start3A_123 : memref<1x50xi32, #tpu.memory_space<vmem>> -> memref<50xi32, #tpu.memory_space<vmem>>
    %dma_start3A_125 = arith.constant 0 : i32
    %dma_start3A_126 = arith.constant 0 : i32
    %dma_start3A_127 = tpu.memref_slice %arg3[%dma_start3A_125, %dma_start3A_126] : memref<1007616x32xf32, #tpu.memory_space<hbm>> -> memref<1007616x32xf32, #tpu.memory_space<hbm>>
    tpu.enqueue_indirect_dma source(%dma_start3A_127 : memref<1007616x32xf32, #tpu.memory_space<hbm>>) target(%dma_start3A_121 : memref<50x32xf32, #tpu.memory_space<vmem>>) offsets(%dma_start3A_124 : memref<50xi32, #tpu.memory_space<vmem>>) semaphore(%arg7 : memref<!tpu.dma_semaphore, #tpu.memory_space<semaphore_mem>>)
    %dma_start3A_128 = arith.constant 7 : i32
    %dma_start3A_129 = arith.constant 0 : i32
    %dma_start3A_130 = arith.constant 7 : i32
    %dma_start3A_131 = arith.constant 0 : i32
    %dma_start3A_132 = arith.constant 0 : i32
    %dma_start3A_133 = arith.constant 0 : i32
    %dma_start3A_134 = tpu.memref_slice %arg6[%dma_start3A_129, %dma_start3A_131, %dma_start3A_132, %dma_start3A_133] : memref<2x8x50x32xf32, #tpu.memory_space<vmem>> -> memref<1x8x50x32xf32, #tpu.memory_space<vmem>>
    %dma_start3A_135 = tpu.memref_squeeze %dma_start3A_134 : memref<1x8x50x32xf32, #tpu.memory_space<vmem>> -> memref<8x50x32xf32, #tpu.memory_space<vmem>>
    %dma_start3A_136 = arith.constant 0 : i32
    %dma_start3A_137 = arith.constant 0 : i32
    %dma_start3A_138 = tpu.memref_slice %dma_start3A_135[%dma_start3A_130, %dma_start3A_136, %dma_start3A_137] : memref<8x50x32xf32, #tpu.memory_space<vmem>> -> memref<1x50x32xf32, #tpu.memory_space<vmem>>
    %dma_start3A_139 = tpu.memref_squeeze %dma_start3A_138 : memref<1x50x32xf32, #tpu.memory_space<vmem>> -> memref<50x32xf32, #tpu.memory_space<vmem>>
    %dma_start3A_140 = arith.constant 0 : i32
    %dma_start3A_141 = tpu.memref_slice %arg5[%dma_start3A_128, %dma_start3A_140] : memref<512x50xi32, #tpu.memory_space<vmem>> -> memref<1x50xi32, #tpu.memory_space<vmem>>
    %dma_start3A_142 = tpu.memref_squeeze %dma_start3A_141 : memref<1x50xi32, #tpu.memory_space<vmem>> -> memref<50xi32, #tpu.memory_space<vmem>>
    %dma_start3A_143 = arith.constant 0 : i32
    %dma_start3A_144 = arith.constant 0 : i32
    %dma_start3A_145 = tpu.memref_slice %arg3[%dma_start3A_143, %dma_start3A_144] : memref<1007616x32xf32, #tpu.memory_space<hbm>> -> memref<1007616x32xf32, #tpu.memory_space<hbm>>
    tpu.enqueue_indirect_dma source(%dma_start3A_145 : memref<1007616x32xf32, #tpu.memory_space<hbm>>) target(%dma_start3A_139 : memref<50x32xf32, #tpu.memory_space<vmem>>) offsets(%dma_start3A_142 : memref<50xi32, #tpu.memory_space<vmem>>) semaphore(%arg7 : memref<!tpu.dma_semaphore, #tpu.memory_space<semaphore_mem>>)
    %scan3A = arith.constant 0 : i32
    %scan3A_146 = arith.constant 0 : i32
    %scan3A_147 = arith.constant 64 : i32
    %scan3A_148 = arith.addi %scan3A_146, %scan3A_147 : i32
    %scan3A_149 = arith.constant 1 : i32
    scf.for %scan3A_169 = %scan3A_146 to %scan3A_148 step %scan3A_149  : i32 {
      %rem3A = arith.constant 2 : i32
      %rem3A_170 = arith.remsi %scan3A_169, %rem3A : i32
      %add3A_171 = arith.constant 1 : i32
      %add3A_172 = arith.addi %scan3A_169, %add3A_171 : i32
      %rem3A_173 = arith.constant 2 : i32
      %rem3A_174 = arith.remsi %add3A_172, %rem3A_173 : i32
      %ge3A = arith.constant 1 : i32
      %ge3A_175 = arith.cmpi sge, %scan3A_169, %ge3A : i32
      %convert_element_type3A = arith.extui %ge3A_175 : i1 to i32
      %cond3A = arith.constant 0 : i32
      %cond3A_176 = arith.cmpi ne, %convert_element_type3A, %cond3A : i32
      scf.if %cond3A_176 {
        %dma_wait3A_346 = arith.constant 0 : i32
        %dma_wait3A_347 = arith.constant 0 : i32
        %dma_wait3A_348 = arith.constant 0 : i32
        %dma_wait3A_349 = arith.constant 0 : i32
        %dma_wait3A_350 = tpu.memref_slice %arg6[%dma_wait3A_346, %dma_wait3A_347, %dma_wait3A_348, %dma_wait3A_349] : memref<2x8x50x32xf32, #tpu.memory_space<vmem>> -> memref<1x8x50x32xf32, #tpu.memory_space<vmem>>
        %dma_wait3A_351 = tpu.memref_squeeze %dma_wait3A_350 : memref<1x8x50x32xf32, #tpu.memory_space<vmem>> -> memref<8x50x32xf32, #tpu.memory_space<vmem>>
        %dma_wait3A_352 = arith.constant 0 : i32
        %dma_wait3A_353 = arith.constant 0 : i32
        %dma_wait3A_354 = arith.constant 0 : i32
        %dma_wait3A_355 = tpu.memref_slice %arg4[%dma_wait3A_352, %dma_wait3A_353, %dma_wait3A_354] : memref<16384x50x32xf32, #tpu.memory_space<hbm>> -> memref<8x50x32xf32, #tpu.memory_space<hbm>>
        %dma_wait3A_356 = arith.constant 0 : i32
        %dma_wait3A_357 = arith.constant 0 : i32
        %dma_wait3A_358 = arith.constant 0 : i32
        %dma_wait3A_359 = tpu.memref_slice %arg4[%dma_wait3A_356, %dma_wait3A_357, %dma_wait3A_358] : memref<16384x50x32xf32, #tpu.memory_space<hbm>> -> memref<8x50x32xf32, #tpu.memory_space<hbm>>
        %dma_wait3A_360 = arith.constant 0 : i32
        %dma_wait3A_361 = arith.constant 0 : i32
        %dma_wait3A_362 = arith.constant 0 : i32
        %dma_wait3A_363 = tpu.memref_slice %arg6[%dma_wait3A_346, %dma_wait3A_360, %dma_wait3A_361, %dma_wait3A_362] : memref<2x8x50x32xf32, #tpu.memory_space<vmem>> -> memref<1x8x50x32xf32, #tpu.memory_space<vmem>>
        %dma_wait3A_364 = tpu.memref_squeeze %dma_wait3A_363 : memref<1x8x50x32xf32, #tpu.memory_space<vmem>> -> memref<8x50x32xf32, #tpu.memory_space<vmem>>
        tpu.wait_dma2 semaphore(%arg8 : memref<!tpu.dma_semaphore, #tpu.memory_space<semaphore_mem>>) src(%dma_wait3A_364 : memref<8x50x32xf32, #tpu.memory_space<vmem>>) dst(%dma_wait3A_359 : memref<8x50x32xf32, #tpu.memory_space<hbm>>)
      } else {
      }
      %add3A_177 = arith.constant 1 : i32
      %add3A_178 = arith.addi %scan3A_169, %add3A_177 : i32
      %lt3A = arith.constant 64 : i32
      %lt3A_179 = arith.cmpi slt, %add3A_178, %lt3A : i32
      %convert_element_type3A_180 = arith.extui %lt3A_179 : i1 to i32
      %cond3A_181 = arith.constant 0 : i32
      %cond3A_182 = arith.cmpi ne, %convert_element_type3A_180, %cond3A_181 : i32
      scf.if %cond3A_182 {
        %add3A_346 = arith.constant 1 : i32
        %add3A_347 = arith.addi %scan3A_169, %add3A_346 : i32
        %mul3A_348 = arith.constant 8 : i32
        %mul3A_349 = arith.muli %add3A_347, %mul3A_348 : i32
        %add3A_350 = arith.constant 0 : i32
        %add3A_351 = arith.addi %mul3A_349, %add3A_350 : i32
        %dma_start3A_352 = arith.constant 0 : i32
        %dma_start3A_353 = arith.constant 0 : i32
        %dma_start3A_354 = arith.constant 0 : i32
        %dma_start3A_355 = arith.constant 0 : i32
        %dma_start3A_356 = tpu.memref_slice %arg6[%rem3A_174, %dma_start3A_353, %dma_start3A_354, %dma_start3A_355] : memref<2x8x50x32xf32, #tpu.memory_space<vmem>> -> memref<1x8x50x32xf32, #tpu.memory_space<vmem>>
        %dma_start3A_357 = tpu.memref_squeeze %dma_start3A_356 : memref<1x8x50x32xf32, #tpu.memory_space<vmem>> -> memref<8x50x32xf32, #tpu.memory_space<vmem>>
        %dma_start3A_358 = arith.constant 0 : i32
        %dma_start3A_359 = arith.constant 0 : i32
        %dma_start3A_360 = tpu.memref_slice %dma_start3A_357[%dma_start3A_352, %dma_start3A_358, %dma_start3A_359] : memref<8x50x32xf32, #tpu.memory_space<vmem>> -> memref<1x50x32xf32, #tpu.memory_space<vmem>>
        %dma_start3A_361 = tpu.memref_squeeze %dma_start3A_360 : memref<1x50x32xf32, #tpu.memory_space<vmem>> -> memref<50x32xf32, #tpu.memory_space<vmem>>
        %dma_start3A_362 = arith.constant 0 : i32
        %dma_start3A_363 = tpu.memref_slice %arg5[%add3A_351, %dma_start3A_362] : memref<512x50xi32, #tpu.memory_space<vmem>> -> memref<1x50xi32, #tpu.memory_space<vmem>>
        %dma_start3A_364 = tpu.memref_squeeze %dma_start3A_363 : memref<1x50xi32, #tpu.memory_space<vmem>> -> memref<50xi32, #tpu.memory_space<vmem>>
        %dma_start3A_365 = arith.constant 0 : i32
        %dma_start3A_366 = arith.constant 0 : i32
        %dma_start3A_367 = tpu.memref_slice %arg3[%dma_start3A_365, %dma_start3A_366] : memref<1007616x32xf32, #tpu.memory_space<hbm>> -> memref<1007616x32xf32, #tpu.memory_space<hbm>>
        tpu.enqueue_indirect_dma source(%dma_start3A_367 : memref<1007616x32xf32, #tpu.memory_space<hbm>>) target(%dma_start3A_361 : memref<50x32xf32, #tpu.memory_space<vmem>>) offsets(%dma_start3A_364 : memref<50xi32, #tpu.memory_space<vmem>>) semaphore(%arg7 : memref<!tpu.dma_semaphore, #tpu.memory_space<semaphore_mem>>)
        %mul3A_368 = arith.constant 8 : i32
        %mul3A_369 = arith.muli %add3A_347, %mul3A_368 : i32
        %add3A_370 = arith.constant 1 : i32
        %add3A_371 = arith.addi %mul3A_369, %add3A_370 : i32
        %dma_start3A_372 = arith.constant 1 : i32
        %dma_start3A_373 = arith.constant 0 : i32
        %dma_start3A_374 = arith.constant 0 : i32
        %dma_start3A_375 = arith.constant 0 : i32
        %dma_start3A_376 = tpu.memref_slice %arg6[%rem3A_174, %dma_start3A_373, %dma_start3A_374, %dma_start3A_375] : memref<2x8x50x32xf32, #tpu.memory_space<vmem>> -> memref<1x8x50x32xf32, #tpu.memory_space<vmem>>
        %dma_start3A_377 = tpu.memref_squeeze %dma_start3A_376 : memref<1x8x50x32xf32, #tpu.memory_space<vmem>> -> memref<8x50x32xf32, #tpu.memory_space<vmem>>
        %dma_start3A_378 = arith.constant 0 : i32
        %dma_start3A_379 = arith.constant 0 : i32
        %dma_start3A_380 = tpu.memref_slice %dma_start3A_377[%dma_start3A_372, %dma_start3A_378, %dma_start3A_379] : memref<8x50x32xf32, #tpu.memory_space<vmem>> -> memref<1x50x32xf32, #tpu.memory_space<vmem>>
        %dma_start3A_381 = tpu.memref_squeeze %dma_start3A_380 : memref<1x50x32xf32, #tpu.memory_space<vmem>> -> memref<50x32xf32, #tpu.memory_space<vmem>>
        %dma_start3A_382 = arith.constant 0 : i32
        %dma_start3A_383 = tpu.memref_slice %arg5[%add3A_371, %dma_start3A_382] : memref<512x50xi32, #tpu.memory_space<vmem>> -> memref<1x50xi32, #tpu.memory_space<vmem>>
        %dma_start3A_384 = tpu.memref_squeeze %dma_start3A_383 : memref<1x50xi32, #tpu.memory_space<vmem>> -> memref<50xi32, #tpu.memory_space<vmem>>
        %dma_start3A_385 = arith.constant 0 : i32
        %dma_start3A_386 = arith.constant 0 : i32
        %dma_start3A_387 = tpu.memref_slice %arg3[%dma_start3A_385, %dma_start3A_386] : memref<1007616x32xf32, #tpu.memory_space<hbm>> -> memref<1007616x32xf32, #tpu.memory_space<hbm>>
        tpu.enqueue_indirect_dma source(%dma_start3A_387 : memref<1007616x32xf32, #tpu.memory_space<hbm>>) target(%dma_start3A_381 : memref<50x32xf32, #tpu.memory_space<vmem>>) offsets(%dma_start3A_384 : memref<50xi32, #tpu.memory_space<vmem>>) semaphore(%arg7 : memref<!tpu.dma_semaphore, #tpu.memory_space<semaphore_mem>>)
        %mul3A_388 = arith.constant 8 : i32
        %mul3A_389 = arith.muli %add3A_347, %mul3A_388 : i32
        %add3A_390 = arith.constant 2 : i32
        %add3A_391 = arith.addi %mul3A_389, %add3A_390 : i32
        %dma_start3A_392 = arith.constant 2 : i32
        %dma_start3A_393 = arith.constant 0 : i32
        %dma_start3A_394 = arith.constant 0 : i32
        %dma_start3A_395 = arith.constant 0 : i32
        %dma_start3A_396 = tpu.memref_slice %arg6[%rem3A_174, %dma_start3A_393, %dma_start3A_394, %dma_start3A_395] : memref<2x8x50x32xf32, #tpu.memory_space<vmem>> -> memref<1x8x50x32xf32, #tpu.memory_space<vmem>>
        %dma_start3A_397 = tpu.memref_squeeze %dma_start3A_396 : memref<1x8x50x32xf32, #tpu.memory_space<vmem>> -> memref<8x50x32xf32, #tpu.memory_space<vmem>>
        %dma_start3A_398 = arith.constant 0 : i32
        %dma_start3A_399 = arith.constant 0 : i32
        %dma_start3A_400 = tpu.memref_slice %dma_start3A_397[%dma_start3A_392, %dma_start3A_398, %dma_start3A_399] : memref<8x50x32xf32, #tpu.memory_space<vmem>> -> memref<1x50x32xf32, #tpu.memory_space<vmem>>
        %dma_start3A_401 = tpu.memref_squeeze %dma_start3A_400 : memref<1x50x32xf32, #tpu.memory_space<vmem>> -> memref<50x32xf32, #tpu.memory_space<vmem>>
        %dma_start3A_402 = arith.constant 0 : i32
        %dma_start3A_403 = tpu.memref_slice %arg5[%add3A_391, %dma_start3A_402] : memref<512x50xi32, #tpu.memory_space<vmem>> -> memref<1x50xi32, #tpu.memory_space<vmem>>
        %dma_start3A_404 = tpu.memref_squeeze %dma_start3A_403 : memref<1x50xi32, #tpu.memory_space<vmem>> -> memref<50xi32, #tpu.memory_space<vmem>>
        %dma_start3A_405 = arith.constant 0 : i32
        %dma_start3A_406 = arith.constant 0 : i32
        %dma_start3A_407 = tpu.memref_slice %arg3[%dma_start3A_405, %dma_start3A_406] : memref<1007616x32xf32, #tpu.memory_space<hbm>> -> memref<1007616x32xf32, #tpu.memory_space<hbm>>
        tpu.enqueue_indirect_dma source(%dma_start3A_407 : memref<1007616x32xf32, #tpu.memory_space<hbm>>) target(%dma_start3A_401 : memref<50x32xf32, #tpu.memory_space<vmem>>) offsets(%dma_start3A_404 : memref<50xi32, #tpu.memory_space<vmem>>) semaphore(%arg7 : memref<!tpu.dma_semaphore, #tpu.memory_space<semaphore_mem>>)
        %mul3A_408 = arith.constant 8 : i32
        %mul3A_409 = arith.muli %add3A_347, %mul3A_408 : i32
        %add3A_410 = arith.constant 3 : i32
        %add3A_411 = arith.addi %mul3A_409, %add3A_410 : i32
        %dma_start3A_412 = arith.constant 3 : i32
        %dma_start3A_413 = arith.constant 0 : i32
        %dma_start3A_414 = arith.constant 0 : i32
        %dma_start3A_415 = arith.constant 0 : i32
        %dma_start3A_416 = tpu.memref_slice %arg6[%rem3A_174, %dma_start3A_413, %dma_start3A_414, %dma_start3A_415] : memref<2x8x50x32xf32, #tpu.memory_space<vmem>> -> memref<1x8x50x32xf32, #tpu.memory_space<vmem>>
        %dma_start3A_417 = tpu.memref_squeeze %dma_start3A_416 : memref<1x8x50x32xf32, #tpu.memory_space<vmem>> -> memref<8x50x32xf32, #tpu.memory_space<vmem>>
        %dma_start3A_418 = arith.constant 0 : i32
        %dma_start3A_419 = arith.constant 0 : i32
        %dma_start3A_420 = tpu.memref_slice %dma_start3A_417[%dma_start3A_412, %dma_start3A_418, %dma_start3A_419] : memref<8x50x32xf32, #tpu.memory_space<vmem>> -> memref<1x50x32xf32, #tpu.memory_space<vmem>>
        %dma_start3A_421 = tpu.memref_squeeze %dma_start3A_420 : memref<1x50x32xf32, #tpu.memory_space<vmem>> -> memref<50x32xf32, #tpu.memory_space<vmem>>
        %dma_start3A_422 = arith.constant 0 : i32
        %dma_start3A_423 = tpu.memref_slice %arg5[%add3A_411, %dma_start3A_422] : memref<512x50xi32, #tpu.memory_space<vmem>> -> memref<1x50xi32, #tpu.memory_space<vmem>>
        %dma_start3A_424 = tpu.memref_squeeze %dma_start3A_423 : memref<1x50xi32, #tpu.memory_space<vmem>> -> memref<50xi32, #tpu.memory_space<vmem>>
        %dma_start3A_425 = arith.constant 0 : i32
        %dma_start3A_426 = arith.constant 0 : i32
        %dma_start3A_427 = tpu.memref_slice %arg3[%dma_start3A_425, %dma_start3A_426] : memref<1007616x32xf32, #tpu.memory_space<hbm>> -> memref<1007616x32xf32, #tpu.memory_space<hbm>>
        tpu.enqueue_indirect_dma source(%dma_start3A_427 : memref<1007616x32xf32, #tpu.memory_space<hbm>>) target(%dma_start3A_421 : memref<50x32xf32, #tpu.memory_space<vmem>>) offsets(%dma_start3A_424 : memref<50xi32, #tpu.memory_space<vmem>>) semaphore(%arg7 : memref<!tpu.dma_semaphore, #tpu.memory_space<semaphore_mem>>)
        %mul3A_428 = arith.constant 8 : i32
        %mul3A_429 = arith.muli %add3A_347, %mul3A_428 : i32
        %add3A_430 = arith.constant 4 : i32
        %add3A_431 = arith.addi %mul3A_429, %add3A_430 : i32
        %dma_start3A_432 = arith.constant 4 : i32
        %dma_start3A_433 = arith.constant 0 : i32
        %dma_start3A_434 = arith.constant 0 : i32
        %dma_start3A_435 = arith.constant 0 : i32
        %dma_start3A_436 = tpu.memref_slice %arg6[%rem3A_174, %dma_start3A_433, %dma_start3A_434, %dma_start3A_435] : memref<2x8x50x32xf32, #tpu.memory_space<vmem>> -> memref<1x8x50x32xf32, #tpu.memory_space<vmem>>
        %dma_start3A_437 = tpu.memref_squeeze %dma_start3A_436 : memref<1x8x50x32xf32, #tpu.memory_space<vmem>> -> memref<8x50x32xf32, #tpu.memory_space<vmem>>
        %dma_start3A_438 = arith.constant 0 : i32
        %dma_start3A_439 = arith.constant 0 : i32
        %dma_start3A_440 = tpu.memref_slice %dma_start3A_437[%dma_start3A_432, %dma_start3A_438, %dma_start3A_439] : memref<8x50x32xf32, #tpu.memory_space<vmem>> -> memref<1x50x32xf32, #tpu.memory_space<vmem>>
        %dma_start3A_441 = tpu.memref_squeeze %dma_start3A_440 : memref<1x50x32xf32, #tpu.memory_space<vmem>> -> memref<50x32xf32, #tpu.memory_space<vmem>>
        %dma_start3A_442 = arith.constant 0 : i32
        %dma_start3A_443 = tpu.memref_slice %arg5[%add3A_431, %dma_start3A_442] : memref<512x50xi32, #tpu.memory_space<vmem>> -> memref<1x50xi32, #tpu.memory_space<vmem>>
        %dma_start3A_444 = tpu.memref_squeeze %dma_start3A_443 : memref<1x50xi32, #tpu.memory_space<vmem>> -> memref<50xi32, #tpu.memory_space<vmem>>
        %dma_start3A_445 = arith.constant 0 : i32
        %dma_start3A_446 = arith.constant 0 : i32
        %dma_start3A_447 = tpu.memref_slice %arg3[%dma_start3A_445, %dma_start3A_446] : memref<1007616x32xf32, #tpu.memory_space<hbm>> -> memref<1007616x32xf32, #tpu.memory_space<hbm>>
        tpu.enqueue_indirect_dma source(%dma_start3A_447 : memref<1007616x32xf32, #tpu.memory_space<hbm>>) target(%dma_start3A_441 : memref<50x32xf32, #tpu.memory_space<vmem>>) offsets(%dma_start3A_444 : memref<50xi32, #tpu.memory_space<vmem>>) semaphore(%arg7 : memref<!tpu.dma_semaphore, #tpu.memory_space<semaphore_mem>>)
        %mul3A_448 = arith.constant 8 : i32
        %mul3A_449 = arith.muli %add3A_347, %mul3A_448 : i32
        %add3A_450 = arith.constant 5 : i32
        %add3A_451 = arith.addi %mul3A_449, %add3A_450 : i32
        %dma_start3A_452 = arith.constant 5 : i32
        %dma_start3A_453 = arith.constant 0 : i32
        %dma_start3A_454 = arith.constant 0 : i32
        %dma_start3A_455 = arith.constant 0 : i32
        %dma_start3A_456 = tpu.memref_slice %arg6[%rem3A_174, %dma_start3A_453, %dma_start3A_454, %dma_start3A_455] : memref<2x8x50x32xf32, #tpu.memory_space<vmem>> -> memref<1x8x50x32xf32, #tpu.memory_space<vmem>>
        %dma_start3A_457 = tpu.memref_squeeze %dma_start3A_456 : memref<1x8x50x32xf32, #tpu.memory_space<vmem>> -> memref<8x50x32xf32, #tpu.memory_space<vmem>>
        %dma_start3A_458 = arith.constant 0 : i32
        %dma_start3A_459 = arith.constant 0 : i32
        %dma_start3A_460 = tpu.memref_slice %dma_start3A_457[%dma_start3A_452, %dma_start3A_458, %dma_start3A_459] : memref<8x50x32xf32, #tpu.memory_space<vmem>> -> memref<1x50x32xf32, #tpu.memory_space<vmem>>
        %dma_start3A_461 = tpu.memref_squeeze %dma_start3A_460 : memref<1x50x32xf32, #tpu.memory_space<vmem>> -> memref<50x32xf32, #tpu.memory_space<vmem>>
        %dma_start3A_462 = arith.constant 0 : i32
        %dma_start3A_463 = tpu.memref_slice %arg5[%add3A_451, %dma_start3A_462] : memref<512x50xi32, #tpu.memory_space<vmem>> -> memref<1x50xi32, #tpu.memory_space<vmem>>
        %dma_start3A_464 = tpu.memref_squeeze %dma_start3A_463 : memref<1x50xi32, #tpu.memory_space<vmem>> -> memref<50xi32, #tpu.memory_space<vmem>>
        %dma_start3A_465 = arith.constant 0 : i32
        %dma_start3A_466 = arith.constant 0 : i32
        %dma_start3A_467 = tpu.memref_slice %arg3[%dma_start3A_465, %dma_start3A_466] : memref<1007616x32xf32, #tpu.memory_space<hbm>> -> memref<1007616x32xf32, #tpu.memory_space<hbm>>
        tpu.enqueue_indirect_dma source(%dma_start3A_467 : memref<1007616x32xf32, #tpu.memory_space<hbm>>) target(%dma_start3A_461 : memref<50x32xf32, #tpu.memory_space<vmem>>) offsets(%dma_start3A_464 : memref<50xi32, #tpu.memory_space<vmem>>) semaphore(%arg7 : memref<!tpu.dma_semaphore, #tpu.memory_space<semaphore_mem>>)
        %mul3A_468 = arith.constant 8 : i32
        %mul3A_469 = arith.muli %add3A_347, %mul3A_468 : i32
        %add3A_470 = arith.constant 6 : i32
        %add3A_471 = arith.addi %mul3A_469, %add3A_470 : i32
        %dma_start3A_472 = arith.constant 6 : i32
        %dma_start3A_473 = arith.constant 0 : i32
        %dma_start3A_474 = arith.constant 0 : i32
        %dma_start3A_475 = arith.constant 0 : i32
        %dma_start3A_476 = tpu.memref_slice %arg6[%rem3A_174, %dma_start3A_473, %dma_start3A_474, %dma_start3A_475] : memref<2x8x50x32xf32, #tpu.memory_space<vmem>> -> memref<1x8x50x32xf32, #tpu.memory_space<vmem>>
        %dma_start3A_477 = tpu.memref_squeeze %dma_start3A_476 : memref<1x8x50x32xf32, #tpu.memory_space<vmem>> -> memref<8x50x32xf32, #tpu.memory_space<vmem>>
        %dma_start3A_478 = arith.constant 0 : i32
        %dma_start3A_479 = arith.constant 0 : i32
        %dma_start3A_480 = tpu.memref_slice %dma_start3A_477[%dma_start3A_472, %dma_start3A_478, %dma_start3A_479] : memref<8x50x32xf32, #tpu.memory_space<vmem>> -> memref<1x50x32xf32, #tpu.memory_space<vmem>>
        %dma_start3A_481 = tpu.memref_squeeze %dma_start3A_480 : memref<1x50x32xf32, #tpu.memory_space<vmem>> -> memref<50x32xf32, #tpu.memory_space<vmem>>
        %dma_start3A_482 = arith.constant 0 : i32
        %dma_start3A_483 = tpu.memref_slice %arg5[%add3A_471, %dma_start3A_482] : memref<512x50xi32, #tpu.memory_space<vmem>> -> memref<1x50xi32, #tpu.memory_space<vmem>>
        %dma_start3A_484 = tpu.memref_squeeze %dma_start3A_483 : memref<1x50xi32, #tpu.memory_space<vmem>> -> memref<50xi32, #tpu.memory_space<vmem>>
        %dma_start3A_485 = arith.constant 0 : i32
        %dma_start3A_486 = arith.constant 0 : i32
        %dma_start3A_487 = tpu.memref_slice %arg3[%dma_start3A_485, %dma_start3A_486] : memref<1007616x32xf32, #tpu.memory_space<hbm>> -> memref<1007616x32xf32, #tpu.memory_space<hbm>>
        tpu.enqueue_indirect_dma source(%dma_start3A_487 : memref<1007616x32xf32, #tpu.memory_space<hbm>>) target(%dma_start3A_481 : memref<50x32xf32, #tpu.memory_space<vmem>>) offsets(%dma_start3A_484 : memref<50xi32, #tpu.memory_space<vmem>>) semaphore(%arg7 : memref<!tpu.dma_semaphore, #tpu.memory_space<semaphore_mem>>)
        %mul3A_488 = arith.constant 8 : i32
        %mul3A_489 = arith.muli %add3A_347, %mul3A_488 : i32
        %add3A_490 = arith.constant 7 : i32
        %add3A_491 = arith.addi %mul3A_489, %add3A_490 : i32
        %dma_start3A_492 = arith.constant 7 : i32
        %dma_start3A_493 = arith.constant 0 : i32
        %dma_start3A_494 = arith.constant 0 : i32
        %dma_start3A_495 = arith.constant 0 : i32
        %dma_start3A_496 = tpu.memref_slice %arg6[%rem3A_174, %dma_start3A_493, %dma_start3A_494, %dma_start3A_495] : memref<2x8x50x32xf32, #tpu.memory_space<vmem>> -> memref<1x8x50x32xf32, #tpu.memory_space<vmem>>
        %dma_start3A_497 = tpu.memref_squeeze %dma_start3A_496 : memref<1x8x50x32xf32, #tpu.memory_space<vmem>> -> memref<8x50x32xf32, #tpu.memory_space<vmem>>
        %dma_start3A_498 = arith.constant 0 : i32
        %dma_start3A_499 = arith.constant 0 : i32
        %dma_start3A_500 = tpu.memref_slice %dma_start3A_497[%dma_start3A_492, %dma_start3A_498, %dma_start3A_499] : memref<8x50x32xf32, #tpu.memory_space<vmem>> -> memref<1x50x32xf32, #tpu.memory_space<vmem>>
        %dma_start3A_501 = tpu.memref_squeeze %dma_start3A_500 : memref<1x50x32xf32, #tpu.memory_space<vmem>> -> memref<50x32xf32, #tpu.memory_space<vmem>>
        %dma_start3A_502 = arith.constant 0 : i32
        %dma_start3A_503 = tpu.memref_slice %arg5[%add3A_491, %dma_start3A_502] : memref<512x50xi32, #tpu.memory_space<vmem>> -> memref<1x50xi32, #tpu.memory_space<vmem>>
        %dma_start3A_504 = tpu.memref_squeeze %dma_start3A_503 : memref<1x50xi32, #tpu.memory_space<vmem>> -> memref<50xi32, #tpu.memory_space<vmem>>
        %dma_start3A_505 = arith.constant 0 : i32
        %dma_start3A_506 = arith.constant 0 : i32
        %dma_start3A_507 = tpu.memref_slice %arg3[%dma_start3A_505, %dma_start3A_506] : memref<1007616x32xf32, #tpu.memory_space<hbm>> -> memref<1007616x32xf32, #tpu.memory_space<hbm>>
        tpu.enqueue_indirect_dma source(%dma_start3A_507 : memref<1007616x32xf32, #tpu.memory_space<hbm>>) target(%dma_start3A_501 : memref<50x32xf32, #tpu.memory_space<vmem>>) offsets(%dma_start3A_504 : memref<50xi32, #tpu.memory_space<vmem>>) semaphore(%arg7 : memref<!tpu.dma_semaphore, #tpu.memory_space<semaphore_mem>>)
      } else {
      }
      %dma_wait3A_183 = arith.constant 0 : i32
      %dma_wait3A_184 = arith.constant 0 : i32
      %dma_wait3A_185 = arith.constant 0 : i32
      %dma_wait3A_186 = arith.constant 0 : i32
      %dma_wait3A_187 = arith.constant 0 : i32
      %dma_wait3A_188 = arith.constant 0 : i32
      %dma_wait3A_189 = tpu.memref_slice %arg6[%dma_wait3A_184, %dma_wait3A_186, %dma_wait3A_187, %dma_wait3A_188] : memref<2x8x50x32xf32, #tpu.memory_space<vmem>> -> memref<1x8x50x32xf32, #tpu.memory_space<vmem>>
      %dma_wait3A_190 = tpu.memref_squeeze %dma_wait3A_189 : memref<1x8x50x32xf32, #tpu.memory_space<vmem>> -> memref<8x50x32xf32, #tpu.memory_space<vmem>>
      %dma_wait3A_191 = arith.constant 0 : i32
      %dma_wait3A_192 = arith.constant 0 : i32
      %dma_wait3A_193 = tpu.memref_slice %dma_wait3A_190[%dma_wait3A_185, %dma_wait3A_191, %dma_wait3A_192] : memref<8x50x32xf32, #tpu.memory_space<vmem>> -> memref<1x50x32xf32, #tpu.memory_space<vmem>>
      %dma_wait3A_194 = tpu.memref_squeeze %dma_wait3A_193 : memref<1x50x32xf32, #tpu.memory_space<vmem>> -> memref<50x32xf32, #tpu.memory_space<vmem>>
      %dma_wait3A_195 = arith.constant 0 : i32
      %dma_wait3A_196 = tpu.memref_slice %arg5[%dma_wait3A_183, %dma_wait3A_195] : memref<512x50xi32, #tpu.memory_space<vmem>> -> memref<1x50xi32, #tpu.memory_space<vmem>>
      %dma_wait3A_197 = tpu.memref_squeeze %dma_wait3A_196 : memref<1x50xi32, #tpu.memory_space<vmem>> -> memref<50xi32, #tpu.memory_space<vmem>>
      %dma_wait3A_198 = arith.constant 0 : i32
      %dma_wait3A_199 = arith.constant 0 : i32
      %dma_wait3A_200 = tpu.memref_slice %arg3[%dma_wait3A_198, %dma_wait3A_199] : memref<1007616x32xf32, #tpu.memory_space<hbm>> -> memref<1007616x32xf32, #tpu.memory_space<hbm>>
      tpu.wait_indirect_dma semaphore(%arg7 : memref<!tpu.dma_semaphore, #tpu.memory_space<semaphore_mem>>) src(%dma_wait3A_200 : memref<1007616x32xf32, #tpu.memory_space<hbm>>) dst(%dma_wait3A_194 : memref<50x32xf32, #tpu.memory_space<vmem>>)
      %dma_wait3A_201 = arith.constant 0 : i32
      %dma_wait3A_202 = arith.constant 0 : i32
      %dma_wait3A_203 = arith.constant 1 : i32
      %dma_wait3A_204 = arith.constant 0 : i32
      %dma_wait3A_205 = arith.constant 0 : i32
      %dma_wait3A_206 = arith.constant 0 : i32
      %dma_wait3A_207 = tpu.memref_slice %arg6[%dma_wait3A_202, %dma_wait3A_204, %dma_wait3A_205, %dma_wait3A_206] : memref<2x8x50x32xf32, #tpu.memory_space<vmem>> -> memref<1x8x50x32xf32, #tpu.memory_space<vmem>>
      %dma_wait3A_208 = tpu.memref_squeeze %dma_wait3A_207 : memref<1x8x50x32xf32, #tpu.memory_space<vmem>> -> memref<8x50x32xf32, #tpu.memory_space<vmem>>
      %dma_wait3A_209 = arith.constant 0 : i32
      %dma_wait3A_210 = arith.constant 0 : i32
      %dma_wait3A_211 = tpu.memref_slice %dma_wait3A_208[%dma_wait3A_203, %dma_wait3A_209, %dma_wait3A_210] : memref<8x50x32xf32, #tpu.memory_space<vmem>> -> memref<1x50x32xf32, #tpu.memory_space<vmem>>
      %dma_wait3A_212 = tpu.memref_squeeze %dma_wait3A_211 : memref<1x50x32xf32, #tpu.memory_space<vmem>> -> memref<50x32xf32, #tpu.memory_space<vmem>>
      %dma_wait3A_213 = arith.constant 0 : i32
      %dma_wait3A_214 = tpu.memref_slice %arg5[%dma_wait3A_201, %dma_wait3A_213] : memref<512x50xi32, #tpu.memory_space<vmem>> -> memref<1x50xi32, #tpu.memory_space<vmem>>
      %dma_wait3A_215 = tpu.memref_squeeze %dma_wait3A_214 : memref<1x50xi32, #tpu.memory_space<vmem>> -> memref<50xi32, #tpu.memory_space<vmem>>
      %dma_wait3A_216 = arith.constant 0 : i32
      %dma_wait3A_217 = arith.constant 0 : i32
      %dma_wait3A_218 = tpu.memref_slice %arg3[%dma_wait3A_216, %dma_wait3A_217] : memref<1007616x32xf32, #tpu.memory_space<hbm>> -> memref<1007616x32xf32, #tpu.memory_space<hbm>>
      tpu.wait_indirect_dma semaphore(%arg7 : memref<!tpu.dma_semaphore, #tpu.memory_space<semaphore_mem>>) src(%dma_wait3A_218 : memref<1007616x32xf32, #tpu.memory_space<hbm>>) dst(%dma_wait3A_212 : memref<50x32xf32, #tpu.memory_space<vmem>>)
      %dma_wait3A_219 = arith.constant 0 : i32
      %dma_wait3A_220 = arith.constant 0 : i32
      %dma_wait3A_221 = arith.constant 2 : i32
      %dma_wait3A_222 = arith.constant 0 : i32
      %dma_wait3A_223 = arith.constant 0 : i32
      %dma_wait3A_224 = arith.constant 0 : i32
      %dma_wait3A_225 = tpu.memref_slice %arg6[%dma_wait3A_220, %dma_wait3A_222, %dma_wait3A_223, %dma_wait3A_224] : memref<2x8x50x32xf32, #tpu.memory_space<vmem>> -> memref<1x8x50x32xf32, #tpu.memory_space<vmem>>
      %dma_wait3A_226 = tpu.memref_squeeze %dma_wait3A_225 : memref<1x8x50x32xf32, #tpu.memory_space<vmem>> -> memref<8x50x32xf32, #tpu.memory_space<vmem>>
      %dma_wait3A_227 = arith.constant 0 : i32
      %dma_wait3A_228 = arith.constant 0 : i32
      %dma_wait3A_229 = tpu.memref_slice %dma_wait3A_226[%dma_wait3A_221, %dma_wait3A_227, %dma_wait3A_228] : memref<8x50x32xf32, #tpu.memory_space<vmem>> -> memref<1x50x32xf32, #tpu.memory_space<vmem>>
      %dma_wait3A_230 = tpu.memref_squeeze %dma_wait3A_229 : memref<1x50x32xf32, #tpu.memory_space<vmem>> -> memref<50x32xf32, #tpu.memory_space<vmem>>
      %dma_wait3A_231 = arith.constant 0 : i32
      %dma_wait3A_232 = tpu.memref_slice %arg5[%dma_wait3A_219, %dma_wait3A_231] : memref<512x50xi32, #tpu.memory_space<vmem>> -> memref<1x50xi32, #tpu.memory_space<vmem>>
      %dma_wait3A_233 = tpu.memref_squeeze %dma_wait3A_232 : memref<1x50xi32, #tpu.memory_space<vmem>> -> memref<50xi32, #tpu.memory_space<vmem>>
      %dma_wait3A_234 = arith.constant 0 : i32
      %dma_wait3A_235 = arith.constant 0 : i32
      %dma_wait3A_236 = tpu.memref_slice %arg3[%dma_wait3A_234, %dma_wait3A_235] : memref<1007616x32xf32, #tpu.memory_space<hbm>> -> memref<1007616x32xf32, #tpu.memory_space<hbm>>
      tpu.wait_indirect_dma semaphore(%arg7 : memref<!tpu.dma_semaphore, #tpu.memory_space<semaphore_mem>>) src(%dma_wait3A_236 : memref<1007616x32xf32, #tpu.memory_space<hbm>>) dst(%dma_wait3A_230 : memref<50x32xf32, #tpu.memory_space<vmem>>)
      %dma_wait3A_237 = arith.constant 0 : i32
      %dma_wait3A_238 = arith.constant 0 : i32
      %dma_wait3A_239 = arith.constant 3 : i32
      %dma_wait3A_240 = arith.constant 0 : i32
      %dma_wait3A_241 = arith.constant 0 : i32
      %dma_wait3A_242 = arith.constant 0 : i32
      %dma_wait3A_243 = tpu.memref_slice %arg6[%dma_wait3A_238, %dma_wait3A_240, %dma_wait3A_241, %dma_wait3A_242] : memref<2x8x50x32xf32, #tpu.memory_space<vmem>> -> memref<1x8x50x32xf32, #tpu.memory_space<vmem>>
      %dma_wait3A_244 = tpu.memref_squeeze %dma_wait3A_243 : memref<1x8x50x32xf32, #tpu.memory_space<vmem>> -> memref<8x50x32xf32, #tpu.memory_space<vmem>>
      %dma_wait3A_245 = arith.constant 0 : i32
      %dma_wait3A_246 = arith.constant 0 : i32
      %dma_wait3A_247 = tpu.memref_slice %dma_wait3A_244[%dma_wait3A_239, %dma_wait3A_245, %dma_wait3A_246] : memref<8x50x32xf32, #tpu.memory_space<vmem>> -> memref<1x50x32xf32, #tpu.memory_space<vmem>>
      %dma_wait3A_248 = tpu.memref_squeeze %dma_wait3A_247 : memref<1x50x32xf32, #tpu.memory_space<vmem>> -> memref<50x32xf32, #tpu.memory_space<vmem>>
      %dma_wait3A_249 = arith.constant 0 : i32
      %dma_wait3A_250 = tpu.memref_slice %arg5[%dma_wait3A_237, %dma_wait3A_249] : memref<512x50xi32, #tpu.memory_space<vmem>> -> memref<1x50xi32, #tpu.memory_space<vmem>>
      %dma_wait3A_251 = tpu.memref_squeeze %dma_wait3A_250 : memref<1x50xi32, #tpu.memory_space<vmem>> -> memref<50xi32, #tpu.memory_space<vmem>>
      %dma_wait3A_252 = arith.constant 0 : i32
      %dma_wait3A_253 = arith.constant 0 : i32
      %dma_wait3A_254 = tpu.memref_slice %arg3[%dma_wait3A_252, %dma_wait3A_253] : memref<1007616x32xf32, #tpu.memory_space<hbm>> -> memref<1007616x32xf32, #tpu.memory_space<hbm>>
      tpu.wait_indirect_dma semaphore(%arg7 : memref<!tpu.dma_semaphore, #tpu.memory_space<semaphore_mem>>) src(%dma_wait3A_254 : memref<1007616x32xf32, #tpu.memory_space<hbm>>) dst(%dma_wait3A_248 : memref<50x32xf32, #tpu.memory_space<vmem>>)
      %dma_wait3A_255 = arith.constant 0 : i32
      %dma_wait3A_256 = arith.constant 0 : i32
      %dma_wait3A_257 = arith.constant 4 : i32
      %dma_wait3A_258 = arith.constant 0 : i32
      %dma_wait3A_259 = arith.constant 0 : i32
      %dma_wait3A_260 = arith.constant 0 : i32
      %dma_wait3A_261 = tpu.memref_slice %arg6[%dma_wait3A_256, %dma_wait3A_258, %dma_wait3A_259, %dma_wait3A_260] : memref<2x8x50x32xf32, #tpu.memory_space<vmem>> -> memref<1x8x50x32xf32, #tpu.memory_space<vmem>>
      %dma_wait3A_262 = tpu.memref_squeeze %dma_wait3A_261 : memref<1x8x50x32xf32, #tpu.memory_space<vmem>> -> memref<8x50x32xf32, #tpu.memory_space<vmem>>
      %dma_wait3A_263 = arith.constant 0 : i32
      %dma_wait3A_264 = arith.constant 0 : i32
      %dma_wait3A_265 = tpu.memref_slice %dma_wait3A_262[%dma_wait3A_257, %dma_wait3A_263, %dma_wait3A_264] : memref<8x50x32xf32, #tpu.memory_space<vmem>> -> memref<1x50x32xf32, #tpu.memory_space<vmem>>
      %dma_wait3A_266 = tpu.memref_squeeze %dma_wait3A_265 : memref<1x50x32xf32, #tpu.memory_space<vmem>> -> memref<50x32xf32, #tpu.memory_space<vmem>>
      %dma_wait3A_267 = arith.constant 0 : i32
      %dma_wait3A_268 = tpu.memref_slice %arg5[%dma_wait3A_255, %dma_wait3A_267] : memref<512x50xi32, #tpu.memory_space<vmem>> -> memref<1x50xi32, #tpu.memory_space<vmem>>
      %dma_wait3A_269 = tpu.memref_squeeze %dma_wait3A_268 : memref<1x50xi32, #tpu.memory_space<vmem>> -> memref<50xi32, #tpu.memory_space<vmem>>
      %dma_wait3A_270 = arith.constant 0 : i32
      %dma_wait3A_271 = arith.constant 0 : i32
      %dma_wait3A_272 = tpu.memref_slice %arg3[%dma_wait3A_270, %dma_wait3A_271] : memref<1007616x32xf32, #tpu.memory_space<hbm>> -> memref<1007616x32xf32, #tpu.memory_space<hbm>>
      tpu.wait_indirect_dma semaphore(%arg7 : memref<!tpu.dma_semaphore, #tpu.memory_space<semaphore_mem>>) src(%dma_wait3A_272 : memref<1007616x32xf32, #tpu.memory_space<hbm>>) dst(%dma_wait3A_266 : memref<50x32xf32, #tpu.memory_space<vmem>>)
      %dma_wait3A_273 = arith.constant 0 : i32
      %dma_wait3A_274 = arith.constant 0 : i32
      %dma_wait3A_275 = arith.constant 5 : i32
      %dma_wait3A_276 = arith.constant 0 : i32
      %dma_wait3A_277 = arith.constant 0 : i32
      %dma_wait3A_278 = arith.constant 0 : i32
      %dma_wait3A_279 = tpu.memref_slice %arg6[%dma_wait3A_274, %dma_wait3A_276, %dma_wait3A_277, %dma_wait3A_278] : memref<2x8x50x32xf32, #tpu.memory_space<vmem>> -> memref<1x8x50x32xf32, #tpu.memory_space<vmem>>
      %dma_wait3A_280 = tpu.memref_squeeze %dma_wait3A_279 : memref<1x8x50x32xf32, #tpu.memory_space<vmem>> -> memref<8x50x32xf32, #tpu.memory_space<vmem>>
      %dma_wait3A_281 = arith.constant 0 : i32
      %dma_wait3A_282 = arith.constant 0 : i32
      %dma_wait3A_283 = tpu.memref_slice %dma_wait3A_280[%dma_wait3A_275, %dma_wait3A_281, %dma_wait3A_282] : memref<8x50x32xf32, #tpu.memory_space<vmem>> -> memref<1x50x32xf32, #tpu.memory_space<vmem>>
      %dma_wait3A_284 = tpu.memref_squeeze %dma_wait3A_283 : memref<1x50x32xf32, #tpu.memory_space<vmem>> -> memref<50x32xf32, #tpu.memory_space<vmem>>
      %dma_wait3A_285 = arith.constant 0 : i32
      %dma_wait3A_286 = tpu.memref_slice %arg5[%dma_wait3A_273, %dma_wait3A_285] : memref<512x50xi32, #tpu.memory_space<vmem>> -> memref<1x50xi32, #tpu.memory_space<vmem>>
      %dma_wait3A_287 = tpu.memref_squeeze %dma_wait3A_286 : memref<1x50xi32, #tpu.memory_space<vmem>> -> memref<50xi32, #tpu.memory_space<vmem>>
      %dma_wait3A_288 = arith.constant 0 : i32
      %dma_wait3A_289 = arith.constant 0 : i32
      %dma_wait3A_290 = tpu.memref_slice %arg3[%dma_wait3A_288, %dma_wait3A_289] : memref<1007616x32xf32, #tpu.memory_space<hbm>> -> memref<1007616x32xf32, #tpu.memory_space<hbm>>
      tpu.wait_indirect_dma semaphore(%arg7 : memref<!tpu.dma_semaphore, #tpu.memory_space<semaphore_mem>>) src(%dma_wait3A_290 : memref<1007616x32xf32, #tpu.memory_space<hbm>>) dst(%dma_wait3A_284 : memref<50x32xf32, #tpu.memory_space<vmem>>)
      %dma_wait3A_291 = arith.constant 0 : i32
      %dma_wait3A_292 = arith.constant 0 : i32
      %dma_wait3A_293 = arith.constant 6 : i32
      %dma_wait3A_294 = arith.constant 0 : i32
      %dma_wait3A_295 = arith.constant 0 : i32
      %dma_wait3A_296 = arith.constant 0 : i32
      %dma_wait3A_297 = tpu.memref_slice %arg6[%dma_wait3A_292, %dma_wait3A_294, %dma_wait3A_295, %dma_wait3A_296] : memref<2x8x50x32xf32, #tpu.memory_space<vmem>> -> memref<1x8x50x32xf32, #tpu.memory_space<vmem>>
      %dma_wait3A_298 = tpu.memref_squeeze %dma_wait3A_297 : memref<1x8x50x32xf32, #tpu.memory_space<vmem>> -> memref<8x50x32xf32, #tpu.memory_space<vmem>>
      %dma_wait3A_299 = arith.constant 0 : i32
      %dma_wait3A_300 = arith.constant 0 : i32
      %dma_wait3A_301 = tpu.memref_slice %dma_wait3A_298[%dma_wait3A_293, %dma_wait3A_299, %dma_wait3A_300] : memref<8x50x32xf32, #tpu.memory_space<vmem>> -> memref<1x50x32xf32, #tpu.memory_space<vmem>>
      %dma_wait3A_302 = tpu.memref_squeeze %dma_wait3A_301 : memref<1x50x32xf32, #tpu.memory_space<vmem>> -> memref<50x32xf32, #tpu.memory_space<vmem>>
      %dma_wait3A_303 = arith.constant 0 : i32
      %dma_wait3A_304 = tpu.memref_slice %arg5[%dma_wait3A_291, %dma_wait3A_303] : memref<512x50xi32, #tpu.memory_space<vmem>> -> memref<1x50xi32, #tpu.memory_space<vmem>>
      %dma_wait3A_305 = tpu.memref_squeeze %dma_wait3A_304 : memref<1x50xi32, #tpu.memory_space<vmem>> -> memref<50xi32, #tpu.memory_space<vmem>>
      %dma_wait3A_306 = arith.constant 0 : i32
      %dma_wait3A_307 = arith.constant 0 : i32
      %dma_wait3A_308 = tpu.memref_slice %arg3[%dma_wait3A_306, %dma_wait3A_307] : memref<1007616x32xf32, #tpu.memory_space<hbm>> -> memref<1007616x32xf32, #tpu.memory_space<hbm>>
      tpu.wait_indirect_dma semaphore(%arg7 : memref<!tpu.dma_semaphore, #tpu.memory_space<semaphore_mem>>) src(%dma_wait3A_308 : memref<1007616x32xf32, #tpu.memory_space<hbm>>) dst(%dma_wait3A_302 : memref<50x32xf32, #tpu.memory_space<vmem>>)
      %dma_wait3A_309 = arith.constant 0 : i32
      %dma_wait3A_310 = arith.constant 0 : i32
      %dma_wait3A_311 = arith.constant 7 : i32
      %dma_wait3A_312 = arith.constant 0 : i32
      %dma_wait3A_313 = arith.constant 0 : i32
      %dma_wait3A_314 = arith.constant 0 : i32
      %dma_wait3A_315 = tpu.memref_slice %arg6[%dma_wait3A_310, %dma_wait3A_312, %dma_wait3A_313, %dma_wait3A_314] : memref<2x8x50x32xf32, #tpu.memory_space<vmem>> -> memref<1x8x50x32xf32, #tpu.memory_space<vmem>>
      %dma_wait3A_316 = tpu.memref_squeeze %dma_wait3A_315 : memref<1x8x50x32xf32, #tpu.memory_space<vmem>> -> memref<8x50x32xf32, #tpu.memory_space<vmem>>
      %dma_wait3A_317 = arith.constant 0 : i32
      %dma_wait3A_318 = arith.constant 0 : i32
      %dma_wait3A_319 = tpu.memref_slice %dma_wait3A_316[%dma_wait3A_311, %dma_wait3A_317, %dma_wait3A_318] : memref<8x50x32xf32, #tpu.memory_space<vmem>> -> memref<1x50x32xf32, #tpu.memory_space<vmem>>
      %dma_wait3A_320 = tpu.memref_squeeze %dma_wait3A_319 : memref<1x50x32xf32, #tpu.memory_space<vmem>> -> memref<50x32xf32, #tpu.memory_space<vmem>>
      %dma_wait3A_321 = arith.constant 0 : i32
      %dma_wait3A_322 = tpu.memref_slice %arg5[%dma_wait3A_309, %dma_wait3A_321] : memref<512x50xi32, #tpu.memory_space<vmem>> -> memref<1x50xi32, #tpu.memory_space<vmem>>
      %dma_wait3A_323 = tpu.memref_squeeze %dma_wait3A_322 : memref<1x50xi32, #tpu.memory_space<vmem>> -> memref<50xi32, #tpu.memory_space<vmem>>
      %dma_wait3A_324 = arith.constant 0 : i32
      %dma_wait3A_325 = arith.constant 0 : i32
      %dma_wait3A_326 = tpu.memref_slice %arg3[%dma_wait3A_324, %dma_wait3A_325] : memref<1007616x32xf32, #tpu.memory_space<hbm>> -> memref<1007616x32xf32, #tpu.memory_space<hbm>>
      tpu.wait_indirect_dma semaphore(%arg7 : memref<!tpu.dma_semaphore, #tpu.memory_space<semaphore_mem>>) src(%dma_wait3A_326 : memref<1007616x32xf32, #tpu.memory_space<hbm>>) dst(%dma_wait3A_320 : memref<50x32xf32, #tpu.memory_space<vmem>>)
      %mul3A_327 = arith.constant 8 : i32
      %mul3A_328 = arith.muli %scan3A_169, %mul3A_327 : i32
      %add3A_329 = arith.addi %mul3A_2, %mul3A_328 : i32
      %dma_start3A_330 = arith.constant 0 : i32
      %dma_start3A_331 = arith.constant 0 : i32
      %dma_start3A_332 = arith.constant 0 : i32
      %dma_start3A_333 = tpu.memref_slice %arg6[%rem3A_170, %dma_start3A_330, %dma_start3A_331, %dma_start3A_332] : memref<2x8x50x32xf32, #tpu.memory_space<vmem>> -> memref<1x8x50x32xf32, #tpu.memory_space<vmem>>
      %dma_start3A_334 = tpu.memref_squeeze %dma_start3A_333 : memref<1x8x50x32xf32, #tpu.memory_space<vmem>> -> memref<8x50x32xf32, #tpu.memory_space<vmem>>
      %dma_start3A_335 = arith.constant 0 : i32
      %dma_start3A_336 = arith.constant 0 : i32
      %dma_start3A_337 = tpu.memref_slice %arg4[%add3A_329, %dma_start3A_335, %dma_start3A_336] : memref<16384x50x32xf32, #tpu.memory_space<hbm>> -> memref<8x50x32xf32, #tpu.memory_space<hbm>>
      %dma_start3A_338 = arith.constant 0 : i32
      %dma_start3A_339 = arith.constant 0 : i32
      %dma_start3A_340 = tpu.memref_slice %arg4[%add3A_329, %dma_start3A_338, %dma_start3A_339] : memref<16384x50x32xf32, #tpu.memory_space<hbm>> -> memref<8x50x32xf32, #tpu.memory_space<hbm>>
      %dma_start3A_341 = arith.constant 0 : i32
      %dma_start3A_342 = arith.constant 0 : i32
      %dma_start3A_343 = arith.constant 0 : i32
      %dma_start3A_344 = tpu.memref_slice %arg6[%rem3A_170, %dma_start3A_341, %dma_start3A_342, %dma_start3A_343] : memref<2x8x50x32xf32, #tpu.memory_space<vmem>> -> memref<1x8x50x32xf32, #tpu.memory_space<vmem>>
      %dma_start3A_345 = tpu.memref_squeeze %dma_start3A_344 : memref<1x8x50x32xf32, #tpu.memory_space<vmem>> -> memref<8x50x32xf32, #tpu.memory_space<vmem>>
      tpu.enqueue_dma source(%dma_start3A_345 : memref<8x50x32xf32, #tpu.memory_space<vmem>>) target(%dma_start3A_340 : memref<8x50x32xf32, #tpu.memory_space<hbm>>) target_semaphore(%arg8 : memref<!tpu.dma_semaphore, #tpu.memory_space<semaphore_mem>>)
    }
    %scan3A_150 = arith.constant 64 : i32
    %dma_wait3A = arith.constant 0 : i32
    %dma_wait3A_151 = arith.constant 0 : i32
    %dma_wait3A_152 = arith.constant 0 : i32
    %dma_wait3A_153 = arith.constant 0 : i32
    %dma_wait3A_154 = tpu.memref_slice %arg6[%dma_wait3A, %dma_wait3A_151, %dma_wait3A_152, %dma_wait3A_153] : memref<2x8x50x32xf32, #tpu.memory_space<vmem>> -> memref<1x8x50x32xf32, #tpu.memory_space<vmem>>
    %dma_wait3A_155 = tpu.memref_squeeze %dma_wait3A_154 : memref<1x8x50x32xf32, #tpu.memory_space<vmem>> -> memref<8x50x32xf32, #tpu.memory_space<vmem>>
    %dma_wait3A_156 = arith.constant 0 : i32
    %dma_wait3A_157 = arith.constant 0 : i32
    %dma_wait3A_158 = arith.constant 0 : i32
    %dma_wait3A_159 = tpu.memref_slice %arg4[%dma_wait3A_156, %dma_wait3A_157, %dma_wait3A_158] : memref<16384x50x32xf32, #tpu.memory_space<hbm>> -> memref<8x50x32xf32, #tpu.memory_space<hbm>>
    %dma_wait3A_160 = arith.constant 0 : i32
    %dma_wait3A_161 = arith.constant 0 : i32
    %dma_wait3A_162 = arith.constant 0 : i32
    %dma_wait3A_163 = tpu.memref_slice %arg4[%dma_wait3A_160, %dma_wait3A_161, %dma_wait3A_162] : memref<16384x50x32xf32, #tpu.memory_space<hbm>> -> memref<8x50x32xf32, #tpu.memory_space<hbm>>
    %dma_wait3A_164 = arith.constant 0 : i32
    %dma_wait3A_165 = arith.constant 0 : i32
    %dma_wait3A_166 = arith.constant 0 : i32
    %dma_wait3A_167 = tpu.memref_slice %arg6[%dma_wait3A, %dma_wait3A_164, %dma_wait3A_165, %dma_wait3A_166] : memref<2x8x50x32xf32, #tpu.memory_space<vmem>> -> memref<1x8x50x32xf32, #tpu.memory_space<vmem>>
    %dma_wait3A_168 = tpu.memref_squeeze %dma_wait3A_167 : memref<1x8x50x32xf32, #tpu.memory_space<vmem>> -> memref<8x50x32xf32, #tpu.memory_space<vmem>>
    tpu.wait_dma2 semaphore(%arg8 : memref<!tpu.dma_semaphore, #tpu.memory_space<semaphore_mem>>) src(%dma_wait3A_168 : memref<8x50x32xf32, #tpu.memory_space<vmem>>) dst(%dma_wait3A_163 : memref<8x50x32xf32, #tpu.memory_space<hbm>>)
    return
  }
}

#map = affine_map<(d0, d1) -> (0, 0)>
#map1 = affine_map<(d0, d1) -> (0, 0, 0)>
module attributes {stable_mosaic.version = 14 : i64} {
  func.func @gather1(%arg0: i32, %arg1: i32, %arg2: memref<16384x50xi32, #tpu.memory_space<hbm>>, %arg3: memref<1007616x32xf32, #tpu.memory_space<hbm>>, %arg4: memref<16384x50x32xf32, #tpu.memory_space<hbm>>, %arg5: memref<512x50xi32, #tpu.memory_space<vmem>>, %arg6: memref<2x8x50x32xf32, #tpu.memory_space<vmem>>, %arg7: memref<!tpu.dma_semaphore, #tpu.memory_space<semaphore_mem>>, %arg8: memref<!tpu.dma_semaphore, #tpu.memory_space<semaphore_mem>>) attributes {dimension_semantics = [#tpu.dimension_semantics<core_parallel>, #tpu.dimension_semantics<subcore_parallel>], iteration_bounds = array<i64: 2, 16>, scalar_prefetch = 0 : i64, scratch_operands = 4 : i64, tpu.core_type = #tpu.core_type<sc_vector_subcore>, window_params = [{transform_indices = #map}, {transform_indices = #map}, {transform_indices = #map1}]} {
    %mul3A = arith.constant 2 : i32
    %mul3A_0 = arith.muli %arg1, %mul3A : i32
    %add3A = arith.addi %mul3A_0, %arg0 : i32
    %mul3A_1 = arith.constant 512 : i32
    %mul3A_2 = arith.muli %add3A, %mul3A_1 : i32
    "tpu.region"() ({
      %run_scoped3A = tpu.sem_alloc : memref<!tpu.dma_semaphore, #tpu.memory_space<semaphore_mem>>
      %dma_start3A_169 = arith.constant 0 : i32
      %dma_start3A_170 = tpu.memref_slice %arg2[%mul3A_2, %dma_start3A_169] : memref<16384x50xi32, #tpu.memory_space<hbm>> -> memref<512x50xi32, #tpu.memory_space<hbm>>
      %dma_start3A_171 = arith.constant 0 : i32
      %dma_start3A_172 = tpu.memref_slice %arg2[%mul3A_2, %dma_start3A_171] : memref<16384x50xi32, #tpu.memory_space<hbm>> -> memref<512x50xi32, #tpu.memory_space<hbm>>
      tpu.enqueue_dma source(%dma_start3A_172 : memref<512x50xi32, #tpu.memory_space<hbm>>) target(%arg5 : memref<512x50xi32, #tpu.memory_space<vmem>>) target_semaphore(%run_scoped3A : memref<!tpu.dma_semaphore, #tpu.memory_space<semaphore_mem>>)
      %dma_wait3A_173 = arith.constant 0 : i32
      %dma_wait3A_174 = tpu.memref_slice %arg2[%mul3A_2, %dma_wait3A_173] : memref<16384x50xi32, #tpu.memory_space<hbm>> -> memref<512x50xi32, #tpu.memory_space<hbm>>
      %dma_wait3A_175 = arith.constant 0 : i32
      %dma_wait3A_176 = tpu.memref_slice %arg2[%mul3A_2, %dma_wait3A_175] : memref<16384x50xi32, #tpu.memory_space<hbm>> -> memref<512x50xi32, #tpu.memory_space<hbm>>
      tpu.wait_dma2 semaphore(%run_scoped3A : memref<!tpu.dma_semaphore, #tpu.memory_space<semaphore_mem>>) src(%dma_wait3A_176 : memref<512x50xi32, #tpu.memory_space<hbm>>) dst(%arg5 : memref<512x50xi32, #tpu.memory_space<vmem>>)
      tpu.yield
    }) : () -> ()
    %dma_start3A = arith.constant 0 : i32
    %dma_start3A_3 = arith.constant 0 : i32
    %dma_start3A_4 = arith.constant 0 : i32
    %dma_start3A_5 = arith.constant 0 : i32
    %dma_start3A_6 = arith.constant 0 : i32
    %dma_start3A_7 = arith.constant 0 : i32
    %dma_start3A_8 = tpu.memref_slice %arg6[%dma_start3A_3, %dma_start3A_5, %dma_start3A_6, %dma_start3A_7] : memref<2x8x50x32xf32, #tpu.memory_space<vmem>> -> memref<1x8x50x32xf32, #tpu.memory_space<vmem>>
    %dma_start3A_9 = tpu.memref_squeeze %dma_start3A_8 : memref<1x8x50x32xf32, #tpu.memory_space<vmem>> -> memref<8x50x32xf32, #tpu.memory_space<vmem>>
    %dma_start3A_10 = arith.constant 0 : i32
    %dma_start3A_11 = arith.constant 0 : i32
    %dma_start3A_12 = tpu.memref_slice %dma_start3A_9[%dma_start3A_4, %dma_start3A_10, %dma_start3A_11] : memref<8x50x32xf32, #tpu.memory_space<vmem>> -> memref<1x50x32xf32, #tpu.memory_space<vmem>>
    %dma_start3A_13 = tpu.memref_squeeze %dma_start3A_12 : memref<1x50x32xf32, #tpu.memory_space<vmem>> -> memref<50x32xf32, #tpu.memory_space<vmem>>
    %dma_start3A_14 = arith.constant 0 : i32
    %dma_start3A_15 = tpu.memref_slice %arg5[%dma_start3A, %dma_start3A_14] : memref<512x50xi32, #tpu.memory_space<vmem>> -> memref<1x50xi32, #tpu.memory_space<vmem>>
    %dma_start3A_16 = tpu.memref_squeeze %dma_start3A_15 : memref<1x50xi32, #tpu.memory_space<vmem>> -> memref<50xi32, #tpu.memory_space<vmem>>
    %dma_start3A_17 = arith.constant 0 : i32
    %dma_start3A_18 = arith.constant 0 : i32
    %dma_start3A_19 = tpu.memref_slice %arg3[%dma_start3A_17, %dma_start3A_18] : memref<1007616x32xf32, #tpu.memory_space<hbm>> -> memref<1007616x32xf32, #tpu.memory_space<hbm>>
    tpu.enqueue_indirect_dma source(%dma_start3A_19 : memref<1007616x32xf32, #tpu.memory_space<hbm>>) target(%dma_start3A_13 : memref<50x32xf32, #tpu.memory_space<vmem>>) offsets(%dma_start3A_16 : memref<50xi32, #tpu.memory_space<vmem>>) semaphore(%arg7 : memref<!tpu.dma_semaphore, #tpu.memory_space<semaphore_mem>>)
    %dma_start3A_20 = arith.constant 1 : i32
    %dma_start3A_21 = arith.constant 0 : i32
    %dma_start3A_22 = arith.constant 1 : i32
    %dma_start3A_23 = arith.constant 0 : i32
    %dma_start3A_24 = arith.constant 0 : i32
    %dma_start3A_25 = arith.constant 0 : i32
    %dma_start3A_26 = tpu.memref_slice %arg6[%dma_start3A_21, %dma_start3A_23, %dma_start3A_24, %dma_start3A_25] : memref<2x8x50x32xf32, #tpu.memory_space<vmem>> -> memref<1x8x50x32xf32, #tpu.memory_space<vmem>>
    %dma_start3A_27 = tpu.memref_squeeze %dma_start3A_26 : memref<1x8x50x32xf32, #tpu.memory_space<vmem>> -> memref<8x50x32xf32, #tpu.memory_space<vmem>>
    %dma_start3A_28 = arith.constant 0 : i32
    %dma_start3A_29 = arith.constant 0 : i32
    %dma_start3A_30 = tpu.memref_slice %dma_start3A_27[%dma_start3A_22, %dma_start3A_28, %dma_start3A_29] : memref<8x50x32xf32, #tpu.memory_space<vmem>> -> memref<1x50x32xf32, #tpu.memory_space<vmem>>
    %dma_start3A_31 = tpu.memref_squeeze %dma_start3A_30 : memref<1x50x32xf32, #tpu.memory_space<vmem>> -> memref<50x32xf32, #tpu.memory_space<vmem>>
    %dma_start3A_32 = arith.constant 0 : i32
    %dma_start3A_33 = tpu.memref_slice %arg5[%dma_start3A_20, %dma_start3A_32] : memref<512x50xi32, #tpu.memory_space<vmem>> -> memref<1x50xi32, #tpu.memory_space<vmem>>
    %dma_start3A_34 = tpu.memref_squeeze %dma_start3A_33 : memref<1x50xi32, #tpu.memory_space<vmem>> -> memref<50xi32, #tpu.memory_space<vmem>>
    %dma_start3A_35 = arith.constant 0 : i32
    %dma_start3A_36 = arith.constant 0 : i32
    %dma_start3A_37 = tpu.memref_slice %arg3[%dma_start3A_35, %dma_start3A_36] : memref<1007616x32xf32, #tpu.memory_space<hbm>> -> memref<1007616x32xf32, #tpu.memory_space<hbm>>
    tpu.enqueue_indirect_dma source(%dma_start3A_37 : memref<1007616x32xf32, #tpu.memory_space<hbm>>) target(%dma_start3A_31 : memref<50x32xf32, #tpu.memory_space<vmem>>) offsets(%dma_start3A_34 : memref<50xi32, #tpu.memory_space<vmem>>) semaphore(%arg7 : memref<!tpu.dma_semaphore, #tpu.memory_space<semaphore_mem>>)
    %dma_start3A_38 = arith.constant 2 : i32
    %dma_start3A_39 = arith.constant 0 : i32
    %dma_start3A_40 = arith.constant 2 : i32
    %dma_start3A_41 = arith.constant 0 : i32
    %dma_start3A_42 = arith.constant 0 : i32
    %dma_start3A_43 = arith.constant 0 : i32
    %dma_start3A_44 = tpu.memref_slice %arg6[%dma_start3A_39, %dma_start3A_41, %dma_start3A_42, %dma_start3A_43] : memref<2x8x50x32xf32, #tpu.memory_space<vmem>> -> memref<1x8x50x32xf32, #tpu.memory_space<vmem>>
    %dma_start3A_45 = tpu.memref_squeeze %dma_start3A_44 : memref<1x8x50x32xf32, #tpu.memory_space<vmem>> -> memref<8x50x32xf32, #tpu.memory_space<vmem>>
    %dma_start3A_46 = arith.constant 0 : i32
    %dma_start3A_47 = arith.constant 0 : i32
    %dma_start3A_48 = tpu.memref_slice %dma_start3A_45[%dma_start3A_40, %dma_start3A_46, %dma_start3A_47] : memref<8x50x32xf32, #tpu.memory_space<vmem>> -> memref<1x50x32xf32, #tpu.memory_space<vmem>>
    %dma_start3A_49 = tpu.memref_squeeze %dma_start3A_48 : memref<1x50x32xf32, #tpu.memory_space<vmem>> -> memref<50x32xf32, #tpu.memory_space<vmem>>
    %dma_start3A_50 = arith.constant 0 : i32
    %dma_start3A_51 = tpu.memref_slice %arg5[%dma_start3A_38, %dma_start3A_50] : memref<512x50xi32, #tpu.memory_space<vmem>> -> memref<1x50xi32, #tpu.memory_space<vmem>>
    %dma_start3A_52 = tpu.memref_squeeze %dma_start3A_51 : memref<1x50xi32, #tpu.memory_space<vmem>> -> memref<50xi32, #tpu.memory_space<vmem>>
    %dma_start3A_53 = arith.constant 0 : i32
    %dma_start3A_54 = arith.constant 0 : i32
    %dma_start3A_55 = tpu.memref_slice %arg3[%dma_start3A_53, %dma_start3A_54] : memref<1007616x32xf32, #tpu.memory_space<hbm>> -> memref<1007616x32xf32, #tpu.memory_space<hbm>>
    tpu.enqueue_indirect_dma source(%dma_start3A_55 : memref<1007616x32xf32, #tpu.memory_space<hbm>>) target(%dma_start3A_49 : memref<50x32xf32, #tpu.memory_space<vmem>>) offsets(%dma_start3A_52 : memref<50xi32, #tpu.memory_space<vmem>>) semaphore(%arg7 : memref<!tpu.dma_semaphore, #tpu.memory_space<semaphore_mem>>)
    %dma_start3A_56 = arith.constant 3 : i32
    %dma_start3A_57 = arith.constant 0 : i32
    %dma_start3A_58 = arith.constant 3 : i32
    %dma_start3A_59 = arith.constant 0 : i32
    %dma_start3A_60 = arith.constant 0 : i32
    %dma_start3A_61 = arith.constant 0 : i32
    %dma_start3A_62 = tpu.memref_slice %arg6[%dma_start3A_57, %dma_start3A_59, %dma_start3A_60, %dma_start3A_61] : memref<2x8x50x32xf32, #tpu.memory_space<vmem>> -> memref<1x8x50x32xf32, #tpu.memory_space<vmem>>
    %dma_start3A_63 = tpu.memref_squeeze %dma_start3A_62 : memref<1x8x50x32xf32, #tpu.memory_space<vmem>> -> memref<8x50x32xf32, #tpu.memory_space<vmem>>
    %dma_start3A_64 = arith.constant 0 : i32
    %dma_start3A_65 = arith.constant 0 : i32
    %dma_start3A_66 = tpu.memref_slice %dma_start3A_63[%dma_start3A_58, %dma_start3A_64, %dma_start3A_65] : memref<8x50x32xf32, #tpu.memory_space<vmem>> -> memref<1x50x32xf32, #tpu.memory_space<vmem>>
    %dma_start3A_67 = tpu.memref_squeeze %dma_start3A_66 : memref<1x50x32xf32, #tpu.memory_space<vmem>> -> memref<50x32xf32, #tpu.memory_space<vmem>>
    %dma_start3A_68 = arith.constant 0 : i32
    %dma_start3A_69 = tpu.memref_slice %arg5[%dma_start3A_56, %dma_start3A_68] : memref<512x50xi32, #tpu.memory_space<vmem>> -> memref<1x50xi32, #tpu.memory_space<vmem>>
    %dma_start3A_70 = tpu.memref_squeeze %dma_start3A_69 : memref<1x50xi32, #tpu.memory_space<vmem>> -> memref<50xi32, #tpu.memory_space<vmem>>
    %dma_start3A_71 = arith.constant 0 : i32
    %dma_start3A_72 = arith.constant 0 : i32
    %dma_start3A_73 = tpu.memref_slice %arg3[%dma_start3A_71, %dma_start3A_72] : memref<1007616x32xf32, #tpu.memory_space<hbm>> -> memref<1007616x32xf32, #tpu.memory_space<hbm>>
    tpu.enqueue_indirect_dma source(%dma_start3A_73 : memref<1007616x32xf32, #tpu.memory_space<hbm>>) target(%dma_start3A_67 : memref<50x32xf32, #tpu.memory_space<vmem>>) offsets(%dma_start3A_70 : memref<50xi32, #tpu.memory_space<vmem>>) semaphore(%arg7 : memref<!tpu.dma_semaphore, #tpu.memory_space<semaphore_mem>>)
    %dma_start3A_74 = arith.constant 4 : i32
    %dma_start3A_75 = arith.constant 0 : i32
    %dma_start3A_76 = arith.constant 4 : i32
    %dma_start3A_77 = arith.constant 0 : i32
    %dma_start3A_78 = arith.constant 0 : i32
    %dma_start3A_79 = arith.constant 0 : i32
    %dma_start3A_80 = tpu.memref_slice %arg6[%dma_start3A_75, %dma_start3A_77, %dma_start3A_78, %dma_start3A_79] : memref<2x8x50x32xf32, #tpu.memory_space<vmem>> -> memref<1x8x50x32xf32, #tpu.memory_space<vmem>>
    %dma_start3A_81 = tpu.memref_squeeze %dma_start3A_80 : memref<1x8x50x32xf32, #tpu.memory_space<vmem>> -> memref<8x50x32xf32, #tpu.memory_space<vmem>>
    %dma_start3A_82 = arith.constant 0 : i32
    %dma_start3A_83 = arith.constant 0 : i32
    %dma_start3A_84 = tpu.memref_slice %dma_start3A_81[%dma_start3A_76, %dma_start3A_82, %dma_start3A_83] : memref<8x50x32xf32, #tpu.memory_space<vmem>> -> memref<1x50x32xf32, #tpu.memory_space<vmem>>
    %dma_start3A_85 = tpu.memref_squeeze %dma_start3A_84 : memref<1x50x32xf32, #tpu.memory_space<vmem>> -> memref<50x32xf32, #tpu.memory_space<vmem>>
    %dma_start3A_86 = arith.constant 0 : i32
    %dma_start3A_87 = tpu.memref_slice %arg5[%dma_start3A_74, %dma_start3A_86] : memref<512x50xi32, #tpu.memory_space<vmem>> -> memref<1x50xi32, #tpu.memory_space<vmem>>
    %dma_start3A_88 = tpu.memref_squeeze %dma_start3A_87 : memref<1x50xi32, #tpu.memory_space<vmem>> -> memref<50xi32, #tpu.memory_space<vmem>>
    %dma_start3A_89 = arith.constant 0 : i32
    %dma_start3A_90 = arith.constant 0 : i32
    %dma_start3A_91 = tpu.memref_slice %arg3[%dma_start3A_89, %dma_start3A_90] : memref<1007616x32xf32, #tpu.memory_space<hbm>> -> memref<1007616x32xf32, #tpu.memory_space<hbm>>
    tpu.enqueue_indirect_dma source(%dma_start3A_91 : memref<1007616x32xf32, #tpu.memory_space<hbm>>) target(%dma_start3A_85 : memref<50x32xf32, #tpu.memory_space<vmem>>) offsets(%dma_start3A_88 : memref<50xi32, #tpu.memory_space<vmem>>) semaphore(%arg7 : memref<!tpu.dma_semaphore, #tpu.memory_space<semaphore_mem>>)
    %dma_start3A_92 = arith.constant 5 : i32
    %dma_start3A_93 = arith.constant 0 : i32
    %dma_start3A_94 = arith.constant 5 : i32
    %dma_start3A_95 = arith.constant 0 : i32
    %dma_start3A_96 = arith.constant 0 : i32
    %dma_start3A_97 = arith.constant 0 : i32
    %dma_start3A_98 = tpu.memref_slice %arg6[%dma_start3A_93, %dma_start3A_95, %dma_start3A_96, %dma_start3A_97] : memref<2x8x50x32xf32, #tpu.memory_space<vmem>> -> memref<1x8x50x32xf32, #tpu.memory_space<vmem>>
    %dma_start3A_99 = tpu.memref_squeeze %dma_start3A_98 : memref<1x8x50x32xf32, #tpu.memory_space<vmem>> -> memref<8x50x32xf32, #tpu.memory_space<vmem>>
    %dma_start3A_100 = arith.constant 0 : i32
    %dma_start3A_101 = arith.constant 0 : i32
    %dma_start3A_102 = tpu.memref_slice %dma_start3A_99[%dma_start3A_94, %dma_start3A_100, %dma_start3A_101] : memref<8x50x32xf32, #tpu.memory_space<vmem>> -> memref<1x50x32xf32, #tpu.memory_space<vmem>>
    %dma_start3A_103 = tpu.memref_squeeze %dma_start3A_102 : memref<1x50x32xf32, #tpu.memory_space<vmem>> -> memref<50x32xf32, #tpu.memory_space<vmem>>
    %dma_start3A_104 = arith.constant 0 : i32
    %dma_start3A_105 = tpu.memref_slice %arg5[%dma_start3A_92, %dma_start3A_104] : memref<512x50xi32, #tpu.memory_space<vmem>> -> memref<1x50xi32, #tpu.memory_space<vmem>>
    %dma_start3A_106 = tpu.memref_squeeze %dma_start3A_105 : memref<1x50xi32, #tpu.memory_space<vmem>> -> memref<50xi32, #tpu.memory_space<vmem>>
    %dma_start3A_107 = arith.constant 0 : i32
    %dma_start3A_108 = arith.constant 0 : i32
    %dma_start3A_109 = tpu.memref_slice %arg3[%dma_start3A_107, %dma_start3A_108] : memref<1007616x32xf32, #tpu.memory_space<hbm>> -> memref<1007616x32xf32, #tpu.memory_space<hbm>>
    tpu.enqueue_indirect_dma source(%dma_start3A_109 : memref<1007616x32xf32, #tpu.memory_space<hbm>>) target(%dma_start3A_103 : memref<50x32xf32, #tpu.memory_space<vmem>>) offsets(%dma_start3A_106 : memref<50xi32, #tpu.memory_space<vmem>>) semaphore(%arg7 : memref<!tpu.dma_semaphore, #tpu.memory_space<semaphore_mem>>)
    %dma_start3A_110 = arith.constant 6 : i32
    %dma_start3A_111 = arith.constant 0 : i32
    %dma_start3A_112 = arith.constant 6 : i32
    %dma_start3A_113 = arith.constant 0 : i32
    %dma_start3A_114 = arith.constant 0 : i32
    %dma_start3A_115 = arith.constant 0 : i32
    %dma_start3A_116 = tpu.memref_slice %arg6[%dma_start3A_111, %dma_start3A_113, %dma_start3A_114, %dma_start3A_115] : memref<2x8x50x32xf32, #tpu.memory_space<vmem>> -> memref<1x8x50x32xf32, #tpu.memory_space<vmem>>
    %dma_start3A_117 = tpu.memref_squeeze %dma_start3A_116 : memref<1x8x50x32xf32, #tpu.memory_space<vmem>> -> memref<8x50x32xf32, #tpu.memory_space<vmem>>
    %dma_start3A_118 = arith.constant 0 : i32
    %dma_start3A_119 = arith.constant 0 : i32
    %dma_start3A_120 = tpu.memref_slice %dma_start3A_117[%dma_start3A_112, %dma_start3A_118, %dma_start3A_119] : memref<8x50x32xf32, #tpu.memory_space<vmem>> -> memref<1x50x32xf32, #tpu.memory_space<vmem>>
    %dma_start3A_121 = tpu.memref_squeeze %dma_start3A_120 : memref<1x50x32xf32, #tpu.memory_space<vmem>> -> memref<50x32xf32, #tpu.memory_space<vmem>>
    %dma_start3A_122 = arith.constant 0 : i32
    %dma_start3A_123 = tpu.memref_slice %arg5[%dma_start3A_110, %dma_start3A_122] : memref<512x50xi32, #tpu.memory_space<vmem>> -> memref<1x50xi32, #tpu.memory_space<vmem>>
    %dma_start3A_124 = tpu.memref_squeeze %dma_start3A_123 : memref<1x50xi32, #tpu.memory_space<vmem>> -> memref<50xi32, #tpu.memory_space<vmem>>
    %dma_start3A_125 = arith.constant 0 : i32
    %dma_start3A_126 = arith.constant 0 : i32
    %dma_start3A_127 = tpu.memref_slice %arg3[%dma_start3A_125, %dma_start3A_126] : memref<1007616x32xf32, #tpu.memory_space<hbm>> -> memref<1007616x32xf32, #tpu.memory_space<hbm>>
    tpu.enqueue_indirect_dma source(%dma_start3A_127 : memref<1007616x32xf32, #tpu.memory_space<hbm>>) target(%dma_start3A_121 : memref<50x32xf32, #tpu.memory_space<vmem>>) offsets(%dma_start3A_124 : memref<50xi32, #tpu.memory_space<vmem>>) semaphore(%arg7 : memref<!tpu.dma_semaphore, #tpu.memory_space<semaphore_mem>>)
    %dma_start3A_128 = arith.constant 7 : i32
    %dma_start3A_129 = arith.constant 0 : i32
    %dma_start3A_130 = arith.constant 7 : i32
    %dma_start3A_131 = arith.constant 0 : i32
    %dma_start3A_132 = arith.constant 0 : i32
    %dma_start3A_133 = arith.constant 0 : i32
    %dma_start3A_134 = tpu.memref_slice %arg6[%dma_start3A_129, %dma_start3A_131, %dma_start3A_132, %dma_start3A_133] : memref<2x8x50x32xf32, #tpu.memory_space<vmem>> -> memref<1x8x50x32xf32, #tpu.memory_space<vmem>>
    %dma_start3A_135 = tpu.memref_squeeze %dma_start3A_134 : memref<1x8x50x32xf32, #tpu.memory_space<vmem>> -> memref<8x50x32xf32, #tpu.memory_space<vmem>>
    %dma_start3A_136 = arith.constant 0 : i32
    %dma_start3A_137 = arith.constant 0 : i32
    %dma_start3A_138 = tpu.memref_slice %dma_start3A_135[%dma_start3A_130, %dma_start3A_136, %dma_start3A_137] : memref<8x50x32xf32, #tpu.memory_space<vmem>> -> memref<1x50x32xf32, #tpu.memory_space<vmem>>
    %dma_start3A_139 = tpu.memref_squeeze %dma_start3A_138 : memref<1x50x32xf32, #tpu.memory_space<vmem>> -> memref<50x32xf32, #tpu.memory_space<vmem>>
    %dma_start3A_140 = arith.constant 0 : i32
    %dma_start3A_141 = tpu.memref_slice %arg5[%dma_start3A_128, %dma_start3A_140] : memref<512x50xi32, #tpu.memory_space<vmem>> -> memref<1x50xi32, #tpu.memory_space<vmem>>
    %dma_start3A_142 = tpu.memref_squeeze %dma_start3A_141 : memref<1x50xi32, #tpu.memory_space<vmem>> -> memref<50xi32, #tpu.memory_space<vmem>>
    %dma_start3A_143 = arith.constant 0 : i32
    %dma_start3A_144 = arith.constant 0 : i32
    %dma_start3A_145 = tpu.memref_slice %arg3[%dma_start3A_143, %dma_start3A_144] : memref<1007616x32xf32, #tpu.memory_space<hbm>> -> memref<1007616x32xf32, #tpu.memory_space<hbm>>
    tpu.enqueue_indirect_dma source(%dma_start3A_145 : memref<1007616x32xf32, #tpu.memory_space<hbm>>) target(%dma_start3A_139 : memref<50x32xf32, #tpu.memory_space<vmem>>) offsets(%dma_start3A_142 : memref<50xi32, #tpu.memory_space<vmem>>) semaphore(%arg7 : memref<!tpu.dma_semaphore, #tpu.memory_space<semaphore_mem>>)
    %scan3A = arith.constant 0 : i32
    %scan3A_146 = arith.constant 0 : i32
    %scan3A_147 = arith.constant 64 : i32
    %scan3A_148 = arith.addi %scan3A_146, %scan3A_147 : i32
    %scan3A_149 = arith.constant 1 : i32
    scf.for %scan3A_169 = %scan3A_146 to %scan3A_148 step %scan3A_149  : i32 {
      %rem3A = arith.constant 2 : i32
      %rem3A_170 = arith.remsi %scan3A_169, %rem3A : i32
      %add3A_171 = arith.constant 1 : i32
      %add3A_172 = arith.addi %scan3A_169, %add3A_171 : i32
      %rem3A_173 = arith.constant 2 : i32
      %rem3A_174 = arith.remsi %add3A_172, %rem3A_173 : i32
      %ge3A = arith.constant 1 : i32
      %ge3A_175 = arith.cmpi sge, %scan3A_169, %ge3A : i32
      %convert_element_type3A = arith.extui %ge3A_175 : i1 to i32
      %cond3A = arith.constant 0 : i32
      %cond3A_176 = arith.cmpi ne, %convert_element_type3A, %cond3A : i32
      scf.if %cond3A_176 {
        %dma_wait3A_346 = arith.constant 0 : i32
        %dma_wait3A_347 = arith.constant 0 : i32
        %dma_wait3A_348 = arith.constant 0 : i32
        %dma_wait3A_349 = arith.constant 0 : i32
        %dma_wait3A_350 = tpu.memref_slice %arg6[%dma_wait3A_346, %dma_wait3A_347, %dma_wait3A_348, %dma_wait3A_349] : memref<2x8x50x32xf32, #tpu.memory_space<vmem>> -> memref<1x8x50x32xf32, #tpu.memory_space<vmem>>
        %dma_wait3A_351 = tpu.memref_squeeze %dma_wait3A_350 : memref<1x8x50x32xf32, #tpu.memory_space<vmem>> -> memref<8x50x32xf32, #tpu.memory_space<vmem>>
        %dma_wait3A_352 = arith.constant 0 : i32
        %dma_wait3A_353 = arith.constant 0 : i32
        %dma_wait3A_354 = arith.constant 0 : i32
        %dma_wait3A_355 = tpu.memref_slice %arg4[%dma_wait3A_352, %dma_wait3A_353, %dma_wait3A_354] : memref<16384x50x32xf32, #tpu.memory_space<hbm>> -> memref<8x50x32xf32, #tpu.memory_space<hbm>>
        %dma_wait3A_356 = arith.constant 0 : i32
        %dma_wait3A_357 = arith.constant 0 : i32
        %dma_wait3A_358 = arith.constant 0 : i32
        %dma_wait3A_359 = tpu.memref_slice %arg4[%dma_wait3A_356, %dma_wait3A_357, %dma_wait3A_358] : memref<16384x50x32xf32, #tpu.memory_space<hbm>> -> memref<8x50x32xf32, #tpu.memory_space<hbm>>
        %dma_wait3A_360 = arith.constant 0 : i32
        %dma_wait3A_361 = arith.constant 0 : i32
        %dma_wait3A_362 = arith.constant 0 : i32
        %dma_wait3A_363 = tpu.memref_slice %arg6[%dma_wait3A_346, %dma_wait3A_360, %dma_wait3A_361, %dma_wait3A_362] : memref<2x8x50x32xf32, #tpu.memory_space<vmem>> -> memref<1x8x50x32xf32, #tpu.memory_space<vmem>>
        %dma_wait3A_364 = tpu.memref_squeeze %dma_wait3A_363 : memref<1x8x50x32xf32, #tpu.memory_space<vmem>> -> memref<8x50x32xf32, #tpu.memory_space<vmem>>
        tpu.wait_dma2 semaphore(%arg8 : memref<!tpu.dma_semaphore, #tpu.memory_space<semaphore_mem>>) src(%dma_wait3A_364 : memref<8x50x32xf32, #tpu.memory_space<vmem>>) dst(%dma_wait3A_359 : memref<8x50x32xf32, #tpu.memory_space<hbm>>)
      } else {
      }
      %add3A_177 = arith.constant 1 : i32
      %add3A_178 = arith.addi %scan3A_169, %add3A_177 : i32
      %lt3A = arith.constant 64 : i32
      %lt3A_179 = arith.cmpi slt, %add3A_178, %lt3A : i32
      %convert_element_type3A_180 = arith.extui %lt3A_179 : i1 to i32
      %cond3A_181 = arith.constant 0 : i32
      %cond3A_182 = arith.cmpi ne, %convert_element_type3A_180, %cond3A_181 : i32
      scf.if %cond3A_182 {
        %add3A_346 = arith.constant 1 : i32
        %add3A_347 = arith.addi %scan3A_169, %add3A_346 : i32
        %mul3A_348 = arith.constant 8 : i32
        %mul3A_349 = arith.muli %add3A_347, %mul3A_348 : i32
        %add3A_350 = arith.constant 0 : i32
        %add3A_351 = arith.addi %mul3A_349, %add3A_350 : i32
        %dma_start3A_352 = arith.constant 0 : i32
        %dma_start3A_353 = arith.constant 0 : i32
        %dma_start3A_354 = arith.constant 0 : i32
        %dma_start3A_355 = arith.constant 0 : i32
        %dma_start3A_356 = tpu.memref_slice %arg6[%rem3A_174, %dma_start3A_353, %dma_start3A_354, %dma_start3A_355] : memref<2x8x50x32xf32, #tpu.memory_space<vmem>> -> memref<1x8x50x32xf32, #tpu.memory_space<vmem>>
        %dma_start3A_357 = tpu.memref_squeeze %dma_start3A_356 : memref<1x8x50x32xf32, #tpu.memory_space<vmem>> -> memref<8x50x32xf32, #tpu.memory_space<vmem>>
        %dma_start3A_358 = arith.constant 0 : i32
        %dma_start3A_359 = arith.constant 0 : i32
        %dma_start3A_360 = tpu.memref_slice %dma_start3A_357[%dma_start3A_352, %dma_start3A_358, %dma_start3A_359] : memref<8x50x32xf32, #tpu.memory_space<vmem>> -> memref<1x50x32xf32, #tpu.memory_space<vmem>>
        %dma_start3A_361 = tpu.memref_squeeze %dma_start3A_360 : memref<1x50x32xf32, #tpu.memory_space<vmem>> -> memref<50x32xf32, #tpu.memory_space<vmem>>
        %dma_start3A_362 = arith.constant 0 : i32
        %dma_start3A_363 = tpu.memref_slice %arg5[%add3A_351, %dma_start3A_362] : memref<512x50xi32, #tpu.memory_space<vmem>> -> memref<1x50xi32, #tpu.memory_space<vmem>>
        %dma_start3A_364 = tpu.memref_squeeze %dma_start3A_363 : memref<1x50xi32, #tpu.memory_space<vmem>> -> memref<50xi32, #tpu.memory_space<vmem>>
        %dma_start3A_365 = arith.constant 0 : i32
        %dma_start3A_366 = arith.constant 0 : i32
        %dma_start3A_367 = tpu.memref_slice %arg3[%dma_start3A_365, %dma_start3A_366] : memref<1007616x32xf32, #tpu.memory_space<hbm>> -> memref<1007616x32xf32, #tpu.memory_space<hbm>>
        tpu.enqueue_indirect_dma source(%dma_start3A_367 : memref<1007616x32xf32, #tpu.memory_space<hbm>>) target(%dma_start3A_361 : memref<50x32xf32, #tpu.memory_space<vmem>>) offsets(%dma_start3A_364 : memref<50xi32, #tpu.memory_space<vmem>>) semaphore(%arg7 : memref<!tpu.dma_semaphore, #tpu.memory_space<semaphore_mem>>)
        %mul3A_368 = arith.constant 8 : i32
        %mul3A_369 = arith.muli %add3A_347, %mul3A_368 : i32
        %add3A_370 = arith.constant 1 : i32
        %add3A_371 = arith.addi %mul3A_369, %add3A_370 : i32
        %dma_start3A_372 = arith.constant 1 : i32
        %dma_start3A_373 = arith.constant 0 : i32
        %dma_start3A_374 = arith.constant 0 : i32
        %dma_start3A_375 = arith.constant 0 : i32
        %dma_start3A_376 = tpu.memref_slice %arg6[%rem3A_174, %dma_start3A_373, %dma_start3A_374, %dma_start3A_375] : memref<2x8x50x32xf32, #tpu.memory_space<vmem>> -> memref<1x8x50x32xf32, #tpu.memory_space<vmem>>
        %dma_start3A_377 = tpu.memref_squeeze %dma_start3A_376 : memref<1x8x50x32xf32, #tpu.memory_space<vmem>> -> memref<8x50x32xf32, #tpu.memory_space<vmem>>
        %dma_start3A_378 = arith.constant 0 : i32
        %dma_start3A_379 = arith.constant 0 : i32
        %dma_start3A_380 = tpu.memref_slice %dma_start3A_377[%dma_start3A_372, %dma_start3A_378, %dma_start3A_379] : memref<8x50x32xf32, #tpu.memory_space<vmem>> -> memref<1x50x32xf32, #tpu.memory_space<vmem>>
        %dma_start3A_381 = tpu.memref_squeeze %dma_start3A_380 : memref<1x50x32xf32, #tpu.memory_space<vmem>> -> memref<50x32xf32, #tpu.memory_space<vmem>>
        %dma_start3A_382 = arith.constant 0 : i32
        %dma_start3A_383 = tpu.memref_slice %arg5[%add3A_371, %dma_start3A_382] : memref<512x50xi32, #tpu.memory_space<vmem>> -> memref<1x50xi32, #tpu.memory_space<vmem>>
        %dma_start3A_384 = tpu.memref_squeeze %dma_start3A_383 : memref<1x50xi32, #tpu.memory_space<vmem>> -> memref<50xi32, #tpu.memory_space<vmem>>
        %dma_start3A_385 = arith.constant 0 : i32
        %dma_start3A_386 = arith.constant 0 : i32
        %dma_start3A_387 = tpu.memref_slice %arg3[%dma_start3A_385, %dma_start3A_386] : memref<1007616x32xf32, #tpu.memory_space<hbm>> -> memref<1007616x32xf32, #tpu.memory_space<hbm>>
        tpu.enqueue_indirect_dma source(%dma_start3A_387 : memref<1007616x32xf32, #tpu.memory_space<hbm>>) target(%dma_start3A_381 : memref<50x32xf32, #tpu.memory_space<vmem>>) offsets(%dma_start3A_384 : memref<50xi32, #tpu.memory_space<vmem>>) semaphore(%arg7 : memref<!tpu.dma_semaphore, #tpu.memory_space<semaphore_mem>>)
        %mul3A_388 = arith.constant 8 : i32
        %mul3A_389 = arith.muli %add3A_347, %mul3A_388 : i32
        %add3A_390 = arith.constant 2 : i32
        %add3A_391 = arith.addi %mul3A_389, %add3A_390 : i32
        %dma_start3A_392 = arith.constant 2 : i32
        %dma_start3A_393 = arith.constant 0 : i32
        %dma_start3A_394 = arith.constant 0 : i32
        %dma_start3A_395 = arith.constant 0 : i32
        %dma_start3A_396 = tpu.memref_slice %arg6[%rem3A_174, %dma_start3A_393, %dma_start3A_394, %dma_start3A_395] : memref<2x8x50x32xf32, #tpu.memory_space<vmem>> -> memref<1x8x50x32xf32, #tpu.memory_space<vmem>>
        %dma_start3A_397 = tpu.memref_squeeze %dma_start3A_396 : memref<1x8x50x32xf32, #tpu.memory_space<vmem>> -> memref<8x50x32xf32, #tpu.memory_space<vmem>>
        %dma_start3A_398 = arith.constant 0 : i32
        %dma_start3A_399 = arith.constant 0 : i32
        %dma_start3A_400 = tpu.memref_slice %dma_start3A_397[%dma_start3A_392, %dma_start3A_398, %dma_start3A_399] : memref<8x50x32xf32, #tpu.memory_space<vmem>> -> memref<1x50x32xf32, #tpu.memory_space<vmem>>
        %dma_start3A_401 = tpu.memref_squeeze %dma_start3A_400 : memref<1x50x32xf32, #tpu.memory_space<vmem>> -> memref<50x32xf32, #tpu.memory_space<vmem>>
        %dma_start3A_402 = arith.constant 0 : i32
        %dma_start3A_403 = tpu.memref_slice %arg5[%add3A_391, %dma_start3A_402] : memref<512x50xi32, #tpu.memory_space<vmem>> -> memref<1x50xi32, #tpu.memory_space<vmem>>
        %dma_start3A_404 = tpu.memref_squeeze %dma_start3A_403 : memref<1x50xi32, #tpu.memory_space<vmem>> -> memref<50xi32, #tpu.memory_space<vmem>>
        %dma_start3A_405 = arith.constant 0 : i32
        %dma_start3A_406 = arith.constant 0 : i32
        %dma_start3A_407 = tpu.memref_slice %arg3[%dma_start3A_405, %dma_start3A_406] : memref<1007616x32xf32, #tpu.memory_space<hbm>> -> memref<1007616x32xf32, #tpu.memory_space<hbm>>
        tpu.enqueue_indirect_dma source(%dma_start3A_407 : memref<1007616x32xf32, #tpu.memory_space<hbm>>) target(%dma_start3A_401 : memref<50x32xf32, #tpu.memory_space<vmem>>) offsets(%dma_start3A_404 : memref<50xi32, #tpu.memory_space<vmem>>) semaphore(%arg7 : memref<!tpu.dma_semaphore, #tpu.memory_space<semaphore_mem>>)
        %mul3A_408 = arith.constant 8 : i32
        %mul3A_409 = arith.muli %add3A_347, %mul3A_408 : i32
        %add3A_410 = arith.constant 3 : i32
        %add3A_411 = arith.addi %mul3A_409, %add3A_410 : i32
        %dma_start3A_412 = arith.constant 3 : i32
        %dma_start3A_413 = arith.constant 0 : i32
        %dma_start3A_414 = arith.constant 0 : i32
        %dma_start3A_415 = arith.constant 0 : i32
        %dma_start3A_416 = tpu.memref_slice %arg6[%rem3A_174, %dma_start3A_413, %dma_start3A_414, %dma_start3A_415] : memref<2x8x50x32xf32, #tpu.memory_space<vmem>> -> memref<1x8x50x32xf32, #tpu.memory_space<vmem>>
        %dma_start3A_417 = tpu.memref_squeeze %dma_start3A_416 : memref<1x8x50x32xf32, #tpu.memory_space<vmem>> -> memref<8x50x32xf32, #tpu.memory_space<vmem>>
        %dma_start3A_418 = arith.constant 0 : i32
        %dma_start3A_419 = arith.constant 0 : i32
        %dma_start3A_420 = tpu.memref_slice %dma_start3A_417[%dma_start3A_412, %dma_start3A_418, %dma_start3A_419] : memref<8x50x32xf32, #tpu.memory_space<vmem>> -> memref<1x50x32xf32, #tpu.memory_space<vmem>>
        %dma_start3A_421 = tpu.memref_squeeze %dma_start3A_420 : memref<1x50x32xf32, #tpu.memory_space<vmem>> -> memref<50x32xf32, #tpu.memory_space<vmem>>
        %dma_start3A_422 = arith.constant 0 : i32
        %dma_start3A_423 = tpu.memref_slice %arg5[%add3A_411, %dma_start3A_422] : memref<512x50xi32, #tpu.memory_space<vmem>> -> memref<1x50xi32, #tpu.memory_space<vmem>>
        %dma_start3A_424 = tpu.memref_squeeze %dma_start3A_423 : memref<1x50xi32, #tpu.memory_space<vmem>> -> memref<50xi32, #tpu.memory_space<vmem>>
        %dma_start3A_425 = arith.constant 0 : i32
        %dma_start3A_426 = arith.constant 0 : i32
        %dma_start3A_427 = tpu.memref_slice %arg3[%dma_start3A_425, %dma_start3A_426] : memref<1007616x32xf32, #tpu.memory_space<hbm>> -> memref<1007616x32xf32, #tpu.memory_space<hbm>>
        tpu.enqueue_indirect_dma source(%dma_start3A_427 : memref<1007616x32xf32, #tpu.memory_space<hbm>>) target(%dma_start3A_421 : memref<50x32xf32, #tpu.memory_space<vmem>>) offsets(%dma_start3A_424 : memref<50xi32, #tpu.memory_space<vmem>>) semaphore(%arg7 : memref<!tpu.dma_semaphore, #tpu.memory_space<semaphore_mem>>)
        %mul3A_428 = arith.constant 8 : i32
        %mul3A_429 = arith.muli %add3A_347, %mul3A_428 : i32
        %add3A_430 = arith.constant 4 : i32
        %add3A_431 = arith.addi %mul3A_429, %add3A_430 : i32
        %dma_start3A_432 = arith.constant 4 : i32
        %dma_start3A_433 = arith.constant 0 : i32
        %dma_start3A_434 = arith.constant 0 : i32
        %dma_start3A_435 = arith.constant 0 : i32
        %dma_start3A_436 = tpu.memref_slice %arg6[%rem3A_174, %dma_start3A_433, %dma_start3A_434, %dma_start3A_435] : memref<2x8x50x32xf32, #tpu.memory_space<vmem>> -> memref<1x8x50x32xf32, #tpu.memory_space<vmem>>
        %dma_start3A_437 = tpu.memref_squeeze %dma_start3A_436 : memref<1x8x50x32xf32, #tpu.memory_space<vmem>> -> memref<8x50x32xf32, #tpu.memory_space<vmem>>
        %dma_start3A_438 = arith.constant 0 : i32
        %dma_start3A_439 = arith.constant 0 : i32
        %dma_start3A_440 = tpu.memref_slice %dma_start3A_437[%dma_start3A_432, %dma_start3A_438, %dma_start3A_439] : memref<8x50x32xf32, #tpu.memory_space<vmem>> -> memref<1x50x32xf32, #tpu.memory_space<vmem>>
        %dma_start3A_441 = tpu.memref_squeeze %dma_start3A_440 : memref<1x50x32xf32, #tpu.memory_space<vmem>> -> memref<50x32xf32, #tpu.memory_space<vmem>>
        %dma_start3A_442 = arith.constant 0 : i32
        %dma_start3A_443 = tpu.memref_slice %arg5[%add3A_431, %dma_start3A_442] : memref<512x50xi32, #tpu.memory_space<vmem>> -> memref<1x50xi32, #tpu.memory_space<vmem>>
        %dma_start3A_444 = tpu.memref_squeeze %dma_start3A_443 : memref<1x50xi32, #tpu.memory_space<vmem>> -> memref<50xi32, #tpu.memory_space<vmem>>
        %dma_start3A_445 = arith.constant 0 : i32
        %dma_start3A_446 = arith.constant 0 : i32
        %dma_start3A_447 = tpu.memref_slice %arg3[%dma_start3A_445, %dma_start3A_446] : memref<1007616x32xf32, #tpu.memory_space<hbm>> -> memref<1007616x32xf32, #tpu.memory_space<hbm>>
        tpu.enqueue_indirect_dma source(%dma_start3A_447 : memref<1007616x32xf32, #tpu.memory_space<hbm>>) target(%dma_start3A_441 : memref<50x32xf32, #tpu.memory_space<vmem>>) offsets(%dma_start3A_444 : memref<50xi32, #tpu.memory_space<vmem>>) semaphore(%arg7 : memref<!tpu.dma_semaphore, #tpu.memory_space<semaphore_mem>>)
        %mul3A_448 = arith.constant 8 : i32
        %mul3A_449 = arith.muli %add3A_347, %mul3A_448 : i32
        %add3A_450 = arith.constant 5 : i32
        %add3A_451 = arith.addi %mul3A_449, %add3A_450 : i32
        %dma_start3A_452 = arith.constant 5 : i32
        %dma_start3A_453 = arith.constant 0 : i32
        %dma_start3A_454 = arith.constant 0 : i32
        %dma_start3A_455 = arith.constant 0 : i32
        %dma_start3A_456 = tpu.memref_slice %arg6[%rem3A_174, %dma_start3A_453, %dma_start3A_454, %dma_start3A_455] : memref<2x8x50x32xf32, #tpu.memory_space<vmem>> -> memref<1x8x50x32xf32, #tpu.memory_space<vmem>>
        %dma_start3A_457 = tpu.memref_squeeze %dma_start3A_456 : memref<1x8x50x32xf32, #tpu.memory_space<vmem>> -> memref<8x50x32xf32, #tpu.memory_space<vmem>>
        %dma_start3A_458 = arith.constant 0 : i32
        %dma_start3A_459 = arith.constant 0 : i32
        %dma_start3A_460 = tpu.memref_slice %dma_start3A_457[%dma_start3A_452, %dma_start3A_458, %dma_start3A_459] : memref<8x50x32xf32, #tpu.memory_space<vmem>> -> memref<1x50x32xf32, #tpu.memory_space<vmem>>
        %dma_start3A_461 = tpu.memref_squeeze %dma_start3A_460 : memref<1x50x32xf32, #tpu.memory_space<vmem>> -> memref<50x32xf32, #tpu.memory_space<vmem>>
        %dma_start3A_462 = arith.constant 0 : i32
        %dma_start3A_463 = tpu.memref_slice %arg5[%add3A_451, %dma_start3A_462] : memref<512x50xi32, #tpu.memory_space<vmem>> -> memref<1x50xi32, #tpu.memory_space<vmem>>
        %dma_start3A_464 = tpu.memref_squeeze %dma_start3A_463 : memref<1x50xi32, #tpu.memory_space<vmem>> -> memref<50xi32, #tpu.memory_space<vmem>>
        %dma_start3A_465 = arith.constant 0 : i32
        %dma_start3A_466 = arith.constant 0 : i32
        %dma_start3A_467 = tpu.memref_slice %arg3[%dma_start3A_465, %dma_start3A_466] : memref<1007616x32xf32, #tpu.memory_space<hbm>> -> memref<1007616x32xf32, #tpu.memory_space<hbm>>
        tpu.enqueue_indirect_dma source(%dma_start3A_467 : memref<1007616x32xf32, #tpu.memory_space<hbm>>) target(%dma_start3A_461 : memref<50x32xf32, #tpu.memory_space<vmem>>) offsets(%dma_start3A_464 : memref<50xi32, #tpu.memory_space<vmem>>) semaphore(%arg7 : memref<!tpu.dma_semaphore, #tpu.memory_space<semaphore_mem>>)
        %mul3A_468 = arith.constant 8 : i32
        %mul3A_469 = arith.muli %add3A_347, %mul3A_468 : i32
        %add3A_470 = arith.constant 6 : i32
        %add3A_471 = arith.addi %mul3A_469, %add3A_470 : i32
        %dma_start3A_472 = arith.constant 6 : i32
        %dma_start3A_473 = arith.constant 0 : i32
        %dma_start3A_474 = arith.constant 0 : i32
        %dma_start3A_475 = arith.constant 0 : i32
        %dma_start3A_476 = tpu.memref_slice %arg6[%rem3A_174, %dma_start3A_473, %dma_start3A_474, %dma_start3A_475] : memref<2x8x50x32xf32, #tpu.memory_space<vmem>> -> memref<1x8x50x32xf32, #tpu.memory_space<vmem>>
        %dma_start3A_477 = tpu.memref_squeeze %dma_start3A_476 : memref<1x8x50x32xf32, #tpu.memory_space<vmem>> -> memref<8x50x32xf32, #tpu.memory_space<vmem>>
        %dma_start3A_478 = arith.constant 0 : i32
        %dma_start3A_479 = arith.constant 0 : i32
        %dma_start3A_480 = tpu.memref_slice %dma_start3A_477[%dma_start3A_472, %dma_start3A_478, %dma_start3A_479] : memref<8x50x32xf32, #tpu.memory_space<vmem>> -> memref<1x50x32xf32, #tpu.memory_space<vmem>>
        %dma_start3A_481 = tpu.memref_squeeze %dma_start3A_480 : memref<1x50x32xf32, #tpu.memory_space<vmem>> -> memref<50x32xf32, #tpu.memory_space<vmem>>
        %dma_start3A_482 = arith.constant 0 : i32
        %dma_start3A_483 = tpu.memref_slice %arg5[%add3A_471, %dma_start3A_482] : memref<512x50xi32, #tpu.memory_space<vmem>> -> memref<1x50xi32, #tpu.memory_space<vmem>>
        %dma_start3A_484 = tpu.memref_squeeze %dma_start3A_483 : memref<1x50xi32, #tpu.memory_space<vmem>> -> memref<50xi32, #tpu.memory_space<vmem>>
        %dma_start3A_485 = arith.constant 0 : i32
        %dma_start3A_486 = arith.constant 0 : i32
        %dma_start3A_487 = tpu.memref_slice %arg3[%dma_start3A_485, %dma_start3A_486] : memref<1007616x32xf32, #tpu.memory_space<hbm>> -> memref<1007616x32xf32, #tpu.memory_space<hbm>>
        tpu.enqueue_indirect_dma source(%dma_start3A_487 : memref<1007616x32xf32, #tpu.memory_space<hbm>>) target(%dma_start3A_481 : memref<50x32xf32, #tpu.memory_space<vmem>>) offsets(%dma_start3A_484 : memref<50xi32, #tpu.memory_space<vmem>>) semaphore(%arg7 : memref<!tpu.dma_semaphore, #tpu.memory_space<semaphore_mem>>)
        %mul3A_488 = arith.constant 8 : i32
        %mul3A_489 = arith.muli %add3A_347, %mul3A_488 : i32
        %add3A_490 = arith.constant 7 : i32
        %add3A_491 = arith.addi %mul3A_489, %add3A_490 : i32
        %dma_start3A_492 = arith.constant 7 : i32
        %dma_start3A_493 = arith.constant 0 : i32
        %dma_start3A_494 = arith.constant 0 : i32
        %dma_start3A_495 = arith.constant 0 : i32
        %dma_start3A_496 = tpu.memref_slice %arg6[%rem3A_174, %dma_start3A_493, %dma_start3A_494, %dma_start3A_495] : memref<2x8x50x32xf32, #tpu.memory_space<vmem>> -> memref<1x8x50x32xf32, #tpu.memory_space<vmem>>
        %dma_start3A_497 = tpu.memref_squeeze %dma_start3A_496 : memref<1x8x50x32xf32, #tpu.memory_space<vmem>> -> memref<8x50x32xf32, #tpu.memory_space<vmem>>
        %dma_start3A_498 = arith.constant 0 : i32
        %dma_start3A_499 = arith.constant 0 : i32
        %dma_start3A_500 = tpu.memref_slice %dma_start3A_497[%dma_start3A_492, %dma_start3A_498, %dma_start3A_499] : memref<8x50x32xf32, #tpu.memory_space<vmem>> -> memref<1x50x32xf32, #tpu.memory_space<vmem>>
        %dma_start3A_501 = tpu.memref_squeeze %dma_start3A_500 : memref<1x50x32xf32, #tpu.memory_space<vmem>> -> memref<50x32xf32, #tpu.memory_space<vmem>>
        %dma_start3A_502 = arith.constant 0 : i32
        %dma_start3A_503 = tpu.memref_slice %arg5[%add3A_491, %dma_start3A_502] : memref<512x50xi32, #tpu.memory_space<vmem>> -> memref<1x50xi32, #tpu.memory_space<vmem>>
        %dma_start3A_504 = tpu.memref_squeeze %dma_start3A_503 : memref<1x50xi32, #tpu.memory_space<vmem>> -> memref<50xi32, #tpu.memory_space<vmem>>
        %dma_start3A_505 = arith.constant 0 : i32
        %dma_start3A_506 = arith.constant 0 : i32
        %dma_start3A_507 = tpu.memref_slice %arg3[%dma_start3A_505, %dma_start3A_506] : memref<1007616x32xf32, #tpu.memory_space<hbm>> -> memref<1007616x32xf32, #tpu.memory_space<hbm>>
        tpu.enqueue_indirect_dma source(%dma_start3A_507 : memref<1007616x32xf32, #tpu.memory_space<hbm>>) target(%dma_start3A_501 : memref<50x32xf32, #tpu.memory_space<vmem>>) offsets(%dma_start3A_504 : memref<50xi32, #tpu.memory_space<vmem>>) semaphore(%arg7 : memref<!tpu.dma_semaphore, #tpu.memory_space<semaphore_mem>>)
      } else {
      }
      %dma_wait3A_183 = arith.constant 0 : i32
      %dma_wait3A_184 = arith.constant 0 : i32
      %dma_wait3A_185 = arith.constant 0 : i32
      %dma_wait3A_186 = arith.constant 0 : i32
      %dma_wait3A_187 = arith.constant 0 : i32
      %dma_wait3A_188 = arith.constant 0 : i32
      %dma_wait3A_189 = tpu.memref_slice %arg6[%dma_wait3A_184, %dma_wait3A_186, %dma_wait3A_187, %dma_wait3A_188] : memref<2x8x50x32xf32, #tpu.memory_space<vmem>> -> memref<1x8x50x32xf32, #tpu.memory_space<vmem>>
      %dma_wait3A_190 = tpu.memref_squeeze %dma_wait3A_189 : memref<1x8x50x32xf32, #tpu.memory_space<vmem>> -> memref<8x50x32xf32, #tpu.memory_space<vmem>>
      %dma_wait3A_191 = arith.constant 0 : i32
      %dma_wait3A_192 = arith.constant 0 : i32
      %dma_wait3A_193 = tpu.memref_slice %dma_wait3A_190[%dma_wait3A_185, %dma_wait3A_191, %dma_wait3A_192] : memref<8x50x32xf32, #tpu.memory_space<vmem>> -> memref<1x50x32xf32, #tpu.memory_space<vmem>>
      %dma_wait3A_194 = tpu.memref_squeeze %dma_wait3A_193 : memref<1x50x32xf32, #tpu.memory_space<vmem>> -> memref<50x32xf32, #tpu.memory_space<vmem>>
      %dma_wait3A_195 = arith.constant 0 : i32
      %dma_wait3A_196 = tpu.memref_slice %arg5[%dma_wait3A_183, %dma_wait3A_195] : memref<512x50xi32, #tpu.memory_space<vmem>> -> memref<1x50xi32, #tpu.memory_space<vmem>>
      %dma_wait3A_197 = tpu.memref_squeeze %dma_wait3A_196 : memref<1x50xi32, #tpu.memory_space<vmem>> -> memref<50xi32, #tpu.memory_space<vmem>>
      %dma_wait3A_198 = arith.constant 0 : i32
      %dma_wait3A_199 = arith.constant 0 : i32
      %dma_wait3A_200 = tpu.memref_slice %arg3[%dma_wait3A_198, %dma_wait3A_199] : memref<1007616x32xf32, #tpu.memory_space<hbm>> -> memref<1007616x32xf32, #tpu.memory_space<hbm>>
      tpu.wait_indirect_dma semaphore(%arg7 : memref<!tpu.dma_semaphore, #tpu.memory_space<semaphore_mem>>) src(%dma_wait3A_200 : memref<1007616x32xf32, #tpu.memory_space<hbm>>) dst(%dma_wait3A_194 : memref<50x32xf32, #tpu.memory_space<vmem>>)
      %dma_wait3A_201 = arith.constant 0 : i32
      %dma_wait3A_202 = arith.constant 0 : i32
      %dma_wait3A_203 = arith.constant 1 : i32
      %dma_wait3A_204 = arith.constant 0 : i32
      %dma_wait3A_205 = arith.constant 0 : i32
      %dma_wait3A_206 = arith.constant 0 : i32
      %dma_wait3A_207 = tpu.memref_slice %arg6[%dma_wait3A_202, %dma_wait3A_204, %dma_wait3A_205, %dma_wait3A_206] : memref<2x8x50x32xf32, #tpu.memory_space<vmem>> -> memref<1x8x50x32xf32, #tpu.memory_space<vmem>>
      %dma_wait3A_208 = tpu.memref_squeeze %dma_wait3A_207 : memref<1x8x50x32xf32, #tpu.memory_space<vmem>> -> memref<8x50x32xf32, #tpu.memory_space<vmem>>
      %dma_wait3A_209 = arith.constant 0 : i32
      %dma_wait3A_210 = arith.constant 0 : i32
      %dma_wait3A_211 = tpu.memref_slice %dma_wait3A_208[%dma_wait3A_203, %dma_wait3A_209, %dma_wait3A_210] : memref<8x50x32xf32, #tpu.memory_space<vmem>> -> memref<1x50x32xf32, #tpu.memory_space<vmem>>
      %dma_wait3A_212 = tpu.memref_squeeze %dma_wait3A_211 : memref<1x50x32xf32, #tpu.memory_space<vmem>> -> memref<50x32xf32, #tpu.memory_space<vmem>>
      %dma_wait3A_213 = arith.constant 0 : i32
      %dma_wait3A_214 = tpu.memref_slice %arg5[%dma_wait3A_201, %dma_wait3A_213] : memref<512x50xi32, #tpu.memory_space<vmem>> -> memref<1x50xi32, #tpu.memory_space<vmem>>
      %dma_wait3A_215 = tpu.memref_squeeze %dma_wait3A_214 : memref<1x50xi32, #tpu.memory_space<vmem>> -> memref<50xi32, #tpu.memory_space<vmem>>
      %dma_wait3A_216 = arith.constant 0 : i32
      %dma_wait3A_217 = arith.constant 0 : i32
      %dma_wait3A_218 = tpu.memref_slice %arg3[%dma_wait3A_216, %dma_wait3A_217] : memref<1007616x32xf32, #tpu.memory_space<hbm>> -> memref<1007616x32xf32, #tpu.memory_space<hbm>>
      tpu.wait_indirect_dma semaphore(%arg7 : memref<!tpu.dma_semaphore, #tpu.memory_space<semaphore_mem>>) src(%dma_wait3A_218 : memref<1007616x32xf32, #tpu.memory_space<hbm>>) dst(%dma_wait3A_212 : memref<50x32xf32, #tpu.memory_space<vmem>>)
      %dma_wait3A_219 = arith.constant 0 : i32
      %dma_wait3A_220 = arith.constant 0 : i32
      %dma_wait3A_221 = arith.constant 2 : i32
      %dma_wait3A_222 = arith.constant 0 : i32
      %dma_wait3A_223 = arith.constant 0 : i32
      %dma_wait3A_224 = arith.constant 0 : i32
      %dma_wait3A_225 = tpu.memref_slice %arg6[%dma_wait3A_220, %dma_wait3A_222, %dma_wait3A_223, %dma_wait3A_224] : memref<2x8x50x32xf32, #tpu.memory_space<vmem>> -> memref<1x8x50x32xf32, #tpu.memory_space<vmem>>
      %dma_wait3A_226 = tpu.memref_squeeze %dma_wait3A_225 : memref<1x8x50x32xf32, #tpu.memory_space<vmem>> -> memref<8x50x32xf32, #tpu.memory_space<vmem>>
      %dma_wait3A_227 = arith.constant 0 : i32
      %dma_wait3A_228 = arith.constant 0 : i32
      %dma_wait3A_229 = tpu.memref_slice %dma_wait3A_226[%dma_wait3A_221, %dma_wait3A_227, %dma_wait3A_228] : memref<8x50x32xf32, #tpu.memory_space<vmem>> -> memref<1x50x32xf32, #tpu.memory_space<vmem>>
      %dma_wait3A_230 = tpu.memref_squeeze %dma_wait3A_229 : memref<1x50x32xf32, #tpu.memory_space<vmem>> -> memref<50x32xf32, #tpu.memory_space<vmem>>
      %dma_wait3A_231 = arith.constant 0 : i32
      %dma_wait3A_232 = tpu.memref_slice %arg5[%dma_wait3A_219, %dma_wait3A_231] : memref<512x50xi32, #tpu.memory_space<vmem>> -> memref<1x50xi32, #tpu.memory_space<vmem>>
      %dma_wait3A_233 = tpu.memref_squeeze %dma_wait3A_232 : memref<1x50xi32, #tpu.memory_space<vmem>> -> memref<50xi32, #tpu.memory_space<vmem>>
      %dma_wait3A_234 = arith.constant 0 : i32
      %dma_wait3A_235 = arith.constant 0 : i32
      %dma_wait3A_236 = tpu.memref_slice %arg3[%dma_wait3A_234, %dma_wait3A_235] : memref<1007616x32xf32, #tpu.memory_space<hbm>> -> memref<1007616x32xf32, #tpu.memory_space<hbm>>
      tpu.wait_indirect_dma semaphore(%arg7 : memref<!tpu.dma_semaphore, #tpu.memory_space<semaphore_mem>>) src(%dma_wait3A_236 : memref<1007616x32xf32, #tpu.memory_space<hbm>>) dst(%dma_wait3A_230 : memref<50x32xf32, #tpu.memory_space<vmem>>)
      %dma_wait3A_237 = arith.constant 0 : i32
      %dma_wait3A_238 = arith.constant 0 : i32
      %dma_wait3A_239 = arith.constant 3 : i32
      %dma_wait3A_240 = arith.constant 0 : i32
      %dma_wait3A_241 = arith.constant 0 : i32
      %dma_wait3A_242 = arith.constant 0 : i32
      %dma_wait3A_243 = tpu.memref_slice %arg6[%dma_wait3A_238, %dma_wait3A_240, %dma_wait3A_241, %dma_wait3A_242] : memref<2x8x50x32xf32, #tpu.memory_space<vmem>> -> memref<1x8x50x32xf32, #tpu.memory_space<vmem>>
      %dma_wait3A_244 = tpu.memref_squeeze %dma_wait3A_243 : memref<1x8x50x32xf32, #tpu.memory_space<vmem>> -> memref<8x50x32xf32, #tpu.memory_space<vmem>>
      %dma_wait3A_245 = arith.constant 0 : i32
      %dma_wait3A_246 = arith.constant 0 : i32
      %dma_wait3A_247 = tpu.memref_slice %dma_wait3A_244[%dma_wait3A_239, %dma_wait3A_245, %dma_wait3A_246] : memref<8x50x32xf32, #tpu.memory_space<vmem>> -> memref<1x50x32xf32, #tpu.memory_space<vmem>>
      %dma_wait3A_248 = tpu.memref_squeeze %dma_wait3A_247 : memref<1x50x32xf32, #tpu.memory_space<vmem>> -> memref<50x32xf32, #tpu.memory_space<vmem>>
      %dma_wait3A_249 = arith.constant 0 : i32
      %dma_wait3A_250 = tpu.memref_slice %arg5[%dma_wait3A_237, %dma_wait3A_249] : memref<512x50xi32, #tpu.memory_space<vmem>> -> memref<1x50xi32, #tpu.memory_space<vmem>>
      %dma_wait3A_251 = tpu.memref_squeeze %dma_wait3A_250 : memref<1x50xi32, #tpu.memory_space<vmem>> -> memref<50xi32, #tpu.memory_space<vmem>>
      %dma_wait3A_252 = arith.constant 0 : i32
      %dma_wait3A_253 = arith.constant 0 : i32
      %dma_wait3A_254 = tpu.memref_slice %arg3[%dma_wait3A_252, %dma_wait3A_253] : memref<1007616x32xf32, #tpu.memory_space<hbm>> -> memref<1007616x32xf32, #tpu.memory_space<hbm>>
      tpu.wait_indirect_dma semaphore(%arg7 : memref<!tpu.dma_semaphore, #tpu.memory_space<semaphore_mem>>) src(%dma_wait3A_254 : memref<1007616x32xf32, #tpu.memory_space<hbm>>) dst(%dma_wait3A_248 : memref<50x32xf32, #tpu.memory_space<vmem>>)
      %dma_wait3A_255 = arith.constant 0 : i32
      %dma_wait3A_256 = arith.constant 0 : i32
      %dma_wait3A_257 = arith.constant 4 : i32
      %dma_wait3A_258 = arith.constant 0 : i32
      %dma_wait3A_259 = arith.constant 0 : i32
      %dma_wait3A_260 = arith.constant 0 : i32
      %dma_wait3A_261 = tpu.memref_slice %arg6[%dma_wait3A_256, %dma_wait3A_258, %dma_wait3A_259, %dma_wait3A_260] : memref<2x8x50x32xf32, #tpu.memory_space<vmem>> -> memref<1x8x50x32xf32, #tpu.memory_space<vmem>>
      %dma_wait3A_262 = tpu.memref_squeeze %dma_wait3A_261 : memref<1x8x50x32xf32, #tpu.memory_space<vmem>> -> memref<8x50x32xf32, #tpu.memory_space<vmem>>
      %dma_wait3A_263 = arith.constant 0 : i32
      %dma_wait3A_264 = arith.constant 0 : i32
      %dma_wait3A_265 = tpu.memref_slice %dma_wait3A_262[%dma_wait3A_257, %dma_wait3A_263, %dma_wait3A_264] : memref<8x50x32xf32, #tpu.memory_space<vmem>> -> memref<1x50x32xf32, #tpu.memory_space<vmem>>
      %dma_wait3A_266 = tpu.memref_squeeze %dma_wait3A_265 : memref<1x50x32xf32, #tpu.memory_space<vmem>> -> memref<50x32xf32, #tpu.memory_space<vmem>>
      %dma_wait3A_267 = arith.constant 0 : i32
      %dma_wait3A_268 = tpu.memref_slice %arg5[%dma_wait3A_255, %dma_wait3A_267] : memref<512x50xi32, #tpu.memory_space<vmem>> -> memref<1x50xi32, #tpu.memory_space<vmem>>
      %dma_wait3A_269 = tpu.memref_squeeze %dma_wait3A_268 : memref<1x50xi32, #tpu.memory_space<vmem>> -> memref<50xi32, #tpu.memory_space<vmem>>
      %dma_wait3A_270 = arith.constant 0 : i32
      %dma_wait3A_271 = arith.constant 0 : i32
      %dma_wait3A_272 = tpu.memref_slice %arg3[%dma_wait3A_270, %dma_wait3A_271] : memref<1007616x32xf32, #tpu.memory_space<hbm>> -> memref<1007616x32xf32, #tpu.memory_space<hbm>>
      tpu.wait_indirect_dma semaphore(%arg7 : memref<!tpu.dma_semaphore, #tpu.memory_space<semaphore_mem>>) src(%dma_wait3A_272 : memref<1007616x32xf32, #tpu.memory_space<hbm>>) dst(%dma_wait3A_266 : memref<50x32xf32, #tpu.memory_space<vmem>>)
      %dma_wait3A_273 = arith.constant 0 : i32
      %dma_wait3A_274 = arith.constant 0 : i32
      %dma_wait3A_275 = arith.constant 5 : i32
      %dma_wait3A_276 = arith.constant 0 : i32
      %dma_wait3A_277 = arith.constant 0 : i32
      %dma_wait3A_278 = arith.constant 0 : i32
      %dma_wait3A_279 = tpu.memref_slice %arg6[%dma_wait3A_274, %dma_wait3A_276, %dma_wait3A_277, %dma_wait3A_278] : memref<2x8x50x32xf32, #tpu.memory_space<vmem>> -> memref<1x8x50x32xf32, #tpu.memory_space<vmem>>
      %dma_wait3A_280 = tpu.memref_squeeze %dma_wait3A_279 : memref<1x8x50x32xf32, #tpu.memory_space<vmem>> -> memref<8x50x32xf32, #tpu.memory_space<vmem>>
      %dma_wait3A_281 = arith.constant 0 : i32
      %dma_wait3A_282 = arith.constant 0 : i32
      %dma_wait3A_283 = tpu.memref_slice %dma_wait3A_280[%dma_wait3A_275, %dma_wait3A_281, %dma_wait3A_282] : memref<8x50x32xf32, #tpu.memory_space<vmem>> -> memref<1x50x32xf32, #tpu.memory_space<vmem>>
      %dma_wait3A_284 = tpu.memref_squeeze %dma_wait3A_283 : memref<1x50x32xf32, #tpu.memory_space<vmem>> -> memref<50x32xf32, #tpu.memory_space<vmem>>
      %dma_wait3A_285 = arith.constant 0 : i32
      %dma_wait3A_286 = tpu.memref_slice %arg5[%dma_wait3A_273, %dma_wait3A_285] : memref<512x50xi32, #tpu.memory_space<vmem>> -> memref<1x50xi32, #tpu.memory_space<vmem>>
      %dma_wait3A_287 = tpu.memref_squeeze %dma_wait3A_286 : memref<1x50xi32, #tpu.memory_space<vmem>> -> memref<50xi32, #tpu.memory_space<vmem>>
      %dma_wait3A_288 = arith.constant 0 : i32
      %dma_wait3A_289 = arith.constant 0 : i32
      %dma_wait3A_290 = tpu.memref_slice %arg3[%dma_wait3A_288, %dma_wait3A_289] : memref<1007616x32xf32, #tpu.memory_space<hbm>> -> memref<1007616x32xf32, #tpu.memory_space<hbm>>
      tpu.wait_indirect_dma semaphore(%arg7 : memref<!tpu.dma_semaphore, #tpu.memory_space<semaphore_mem>>) src(%dma_wait3A_290 : memref<1007616x32xf32, #tpu.memory_space<hbm>>) dst(%dma_wait3A_284 : memref<50x32xf32, #tpu.memory_space<vmem>>)
      %dma_wait3A_291 = arith.constant 0 : i32
      %dma_wait3A_292 = arith.constant 0 : i32
      %dma_wait3A_293 = arith.constant 6 : i32
      %dma_wait3A_294 = arith.constant 0 : i32
      %dma_wait3A_295 = arith.constant 0 : i32
      %dma_wait3A_296 = arith.constant 0 : i32
      %dma_wait3A_297 = tpu.memref_slice %arg6[%dma_wait3A_292, %dma_wait3A_294, %dma_wait3A_295, %dma_wait3A_296] : memref<2x8x50x32xf32, #tpu.memory_space<vmem>> -> memref<1x8x50x32xf32, #tpu.memory_space<vmem>>
      %dma_wait3A_298 = tpu.memref_squeeze %dma_wait3A_297 : memref<1x8x50x32xf32, #tpu.memory_space<vmem>> -> memref<8x50x32xf32, #tpu.memory_space<vmem>>
      %dma_wait3A_299 = arith.constant 0 : i32
      %dma_wait3A_300 = arith.constant 0 : i32
      %dma_wait3A_301 = tpu.memref_slice %dma_wait3A_298[%dma_wait3A_293, %dma_wait3A_299, %dma_wait3A_300] : memref<8x50x32xf32, #tpu.memory_space<vmem>> -> memref<1x50x32xf32, #tpu.memory_space<vmem>>
      %dma_wait3A_302 = tpu.memref_squeeze %dma_wait3A_301 : memref<1x50x32xf32, #tpu.memory_space<vmem>> -> memref<50x32xf32, #tpu.memory_space<vmem>>
      %dma_wait3A_303 = arith.constant 0 : i32
      %dma_wait3A_304 = tpu.memref_slice %arg5[%dma_wait3A_291, %dma_wait3A_303] : memref<512x50xi32, #tpu.memory_space<vmem>> -> memref<1x50xi32, #tpu.memory_space<vmem>>
      %dma_wait3A_305 = tpu.memref_squeeze %dma_wait3A_304 : memref<1x50xi32, #tpu.memory_space<vmem>> -> memref<50xi32, #tpu.memory_space<vmem>>
      %dma_wait3A_306 = arith.constant 0 : i32
      %dma_wait3A_307 = arith.constant 0 : i32
      %dma_wait3A_308 = tpu.memref_slice %arg3[%dma_wait3A_306, %dma_wait3A_307] : memref<1007616x32xf32, #tpu.memory_space<hbm>> -> memref<1007616x32xf32, #tpu.memory_space<hbm>>
      tpu.wait_indirect_dma semaphore(%arg7 : memref<!tpu.dma_semaphore, #tpu.memory_space<semaphore_mem>>) src(%dma_wait3A_308 : memref<1007616x32xf32, #tpu.memory_space<hbm>>) dst(%dma_wait3A_302 : memref<50x32xf32, #tpu.memory_space<vmem>>)
      %dma_wait3A_309 = arith.constant 0 : i32
      %dma_wait3A_310 = arith.constant 0 : i32
      %dma_wait3A_311 = arith.constant 7 : i32
      %dma_wait3A_312 = arith.constant 0 : i32
      %dma_wait3A_313 = arith.constant 0 : i32
      %dma_wait3A_314 = arith.constant 0 : i32
      %dma_wait3A_315 = tpu.memref_slice %arg6[%dma_wait3A_310, %dma_wait3A_312, %dma_wait3A_313, %dma_wait3A_314] : memref<2x8x50x32xf32, #tpu.memory_space<vmem>> -> memref<1x8x50x32xf32, #tpu.memory_space<vmem>>
      %dma_wait3A_316 = tpu.memref_squeeze %dma_wait3A_315 : memref<1x8x50x32xf32, #tpu.memory_space<vmem>> -> memref<8x50x32xf32, #tpu.memory_space<vmem>>
      %dma_wait3A_317 = arith.constant 0 : i32
      %dma_wait3A_318 = arith.constant 0 : i32
      %dma_wait3A_319 = tpu.memref_slice %dma_wait3A_316[%dma_wait3A_311, %dma_wait3A_317, %dma_wait3A_318] : memref<8x50x32xf32, #tpu.memory_space<vmem>> -> memref<1x50x32xf32, #tpu.memory_space<vmem>>
      %dma_wait3A_320 = tpu.memref_squeeze %dma_wait3A_319 : memref<1x50x32xf32, #tpu.memory_space<vmem>> -> memref<50x32xf32, #tpu.memory_space<vmem>>
      %dma_wait3A_321 = arith.constant 0 : i32
      %dma_wait3A_322 = tpu.memref_slice %arg5[%dma_wait3A_309, %dma_wait3A_321] : memref<512x50xi32, #tpu.memory_space<vmem>> -> memref<1x50xi32, #tpu.memory_space<vmem>>
      %dma_wait3A_323 = tpu.memref_squeeze %dma_wait3A_322 : memref<1x50xi32, #tpu.memory_space<vmem>> -> memref<50xi32, #tpu.memory_space<vmem>>
      %dma_wait3A_324 = arith.constant 0 : i32
      %dma_wait3A_325 = arith.constant 0 : i32
      %dma_wait3A_326 = tpu.memref_slice %arg3[%dma_wait3A_324, %dma_wait3A_325] : memref<1007616x32xf32, #tpu.memory_space<hbm>> -> memref<1007616x32xf32, #tpu.memory_space<hbm>>
      tpu.wait_indirect_dma semaphore(%arg7 : memref<!tpu.dma_semaphore, #tpu.memory_space<semaphore_mem>>) src(%dma_wait3A_326 : memref<1007616x32xf32, #tpu.memory_space<hbm>>) dst(%dma_wait3A_320 : memref<50x32xf32, #tpu.memory_space<vmem>>)
      %mul3A_327 = arith.constant 8 : i32
      %mul3A_328 = arith.muli %scan3A_169, %mul3A_327 : i32
      %add3A_329 = arith.addi %mul3A_2, %mul3A_328 : i32
      %dma_start3A_330 = arith.constant 0 : i32
      %dma_start3A_331 = arith.constant 0 : i32
      %dma_start3A_332 = arith.constant 0 : i32
      %dma_start3A_333 = tpu.memref_slice %arg6[%rem3A_170, %dma_start3A_330, %dma_start3A_331, %dma_start3A_332] : memref<2x8x50x32xf32, #tpu.memory_space<vmem>> -> memref<1x8x50x32xf32, #tpu.memory_space<vmem>>
      %dma_start3A_334 = tpu.memref_squeeze %dma_start3A_333 : memref<1x8x50x32xf32, #tpu.memory_space<vmem>> -> memref<8x50x32xf32, #tpu.memory_space<vmem>>
      %dma_start3A_335 = arith.constant 0 : i32
      %dma_start3A_336 = arith.constant 0 : i32
      %dma_start3A_337 = tpu.memref_slice %arg4[%add3A_329, %dma_start3A_335, %dma_start3A_336] : memref<16384x50x32xf32, #tpu.memory_space<hbm>> -> memref<8x50x32xf32, #tpu.memory_space<hbm>>
      %dma_start3A_338 = arith.constant 0 : i32
      %dma_start3A_339 = arith.constant 0 : i32
      %dma_start3A_340 = tpu.memref_slice %arg4[%add3A_329, %dma_start3A_338, %dma_start3A_339] : memref<16384x50x32xf32, #tpu.memory_space<hbm>> -> memref<8x50x32xf32, #tpu.memory_space<hbm>>
      %dma_start3A_341 = arith.constant 0 : i32
      %dma_start3A_342 = arith.constant 0 : i32
      %dma_start3A_343 = arith.constant 0 : i32
      %dma_start3A_344 = tpu.memref_slice %arg6[%rem3A_170, %dma_start3A_341, %dma_start3A_342, %dma_start3A_343] : memref<2x8x50x32xf32, #tpu.memory_space<vmem>> -> memref<1x8x50x32xf32, #tpu.memory_space<vmem>>
      %dma_start3A_345 = tpu.memref_squeeze %dma_start3A_344 : memref<1x8x50x32xf32, #tpu.memory_space<vmem>> -> memref<8x50x32xf32, #tpu.memory_space<vmem>>
      tpu.enqueue_dma source(%dma_start3A_345 : memref<8x50x32xf32, #tpu.memory_space<vmem>>) target(%dma_start3A_340 : memref<8x50x32xf32, #tpu.memory_space<hbm>>) target_semaphore(%arg8 : memref<!tpu.dma_semaphore, #tpu.memory_space<semaphore_mem>>)
    }
    %scan3A_150 = arith.constant 64 : i32
    %dma_wait3A = arith.constant 0 : i32
    %dma_wait3A_151 = arith.constant 0 : i32
    %dma_wait3A_152 = arith.constant 0 : i32
    %dma_wait3A_153 = arith.constant 0 : i32
    %dma_wait3A_154 = tpu.memref_slice %arg6[%dma_wait3A, %dma_wait3A_151, %dma_wait3A_152, %dma_wait3A_153] : memref<2x8x50x32xf32, #tpu.memory_space<vmem>> -> memref<1x8x50x32xf32, #tpu.memory_space<vmem>>
    %dma_wait3A_155 = tpu.memref_squeeze %dma_wait3A_154 : memref<1x8x50x32xf32, #tpu.memory_space<vmem>> -> memref<8x50x32xf32, #tpu.memory_space<vmem>>
    %dma_wait3A_156 = arith.constant 0 : i32
    %dma_wait3A_157 = arith.constant 0 : i32
    %dma_wait3A_158 = arith.constant 0 : i32
    %dma_wait3A_159 = tpu.memref_slice %arg4[%dma_wait3A_156, %dma_wait3A_157, %dma_wait3A_158] : memref<16384x50x32xf32, #tpu.memory_space<hbm>> -> memref<8x50x32xf32, #tpu.memory_space<hbm>>
    %dma_wait3A_160 = arith.constant 0 : i32
    %dma_wait3A_161 = arith.constant 0 : i32
    %dma_wait3A_162 = arith.constant 0 : i32
    %dma_wait3A_163 = tpu.memref_slice %arg4[%dma_wait3A_160, %dma_wait3A_161, %dma_wait3A_162] : memref<16384x50x32xf32, #tpu.memory_space<hbm>> -> memref<8x50x32xf32, #tpu.memory_space<hbm>>
    %dma_wait3A_164 = arith.constant 0 : i32
    %dma_wait3A_165 = arith.constant 0 : i32
    %dma_wait3A_166 = arith.constant 0 : i32
    %dma_wait3A_167 = tpu.memref_slice %arg6[%dma_wait3A, %dma_wait3A_164, %dma_wait3A_165, %dma_wait3A_166] : memref<2x8x50x32xf32, #tpu.memory_space<vmem>> -> memref<1x8x50x32xf32, #tpu.memory_space<vmem>>
    %dma_wait3A_168 = tpu.memref_squeeze %dma_wait3A_167 : memref<1x8x50x32xf32, #tpu.memory_space<vmem>> -> memref<8x50x32xf32, #tpu.memory_space<vmem>>
    tpu.wait_dma2 semaphore(%arg8 : memref<!tpu.dma_semaphore, #tpu.memory_space<semaphore_mem>>) src(%dma_wait3A_168 : memref<8x50x32xf32, #tpu.memory_space<vmem>>) dst(%dma_wait3A_163 : memref<8x50x32xf32, #tpu.memory_space<hbm>>)
    return
  }
}

module attributes {stable_mosaic.version = 14 : i64} {
  func.func @kern(%arg0: i32, %arg1: memref<32x8192xf32, #tpu.memory_space<vmem>>, %arg2: memref<2048x128xf32, #tpu.memory_space<vmem>>) attributes {dimension_semantics = [#tpu.dimension_semantics<arbitrary>], iteration_bounds = array<i64: 123>, scalar_prefetch = 0 : i64, scratch_operands = 0 : i64, tpu.core_type = #tpu.core_type<tc>, window_params = [{transform_indices = @transform_0, window_bounds = array<i64: 32, 8192>}, {transform_indices = @transform_1, window_bounds = array<i64: 2048, 128>}]} {
    %get3A = arith.constant 0 : index
    %get3A_0 = arith.constant 0 : index
    %get3A_1 = vector.load %arg1[%get3A, %get3A_0] : memref<32x8192xf32, #tpu.memory_space<vmem>>, vector<32x8192xf32>
    %slice3A = vector.extract_strided_slice %get3A_1 {offsets = [0, 0], sizes = [32, 2048], strides = [1, 1]} : vector<32x8192xf32> to vector<32x2048xf32>
    %transpose3A = tpu.transpose %slice3A, [1, 0] : vector<32x2048xf32> -> vector<2048x32xf32>
    %slice3A_2 = vector.extract_strided_slice %get3A_1 {offsets = [0, 2048], sizes = [32, 2048], strides = [1, 1]} : vector<32x8192xf32> to vector<32x2048xf32>
    %transpose3A_3 = tpu.transpose %slice3A_2, [1, 0] : vector<32x2048xf32> -> vector<2048x32xf32>
    %slice3A_4 = vector.extract_strided_slice %get3A_1 {offsets = [0, 4096], sizes = [32, 2048], strides = [1, 1]} : vector<32x8192xf32> to vector<32x2048xf32>
    %transpose3A_5 = tpu.transpose %slice3A_4, [1, 0] : vector<32x2048xf32> -> vector<2048x32xf32>
    %slice3A_6 = vector.extract_strided_slice %get3A_1 {offsets = [0, 6144], sizes = [32, 2048], strides = [1, 1]} : vector<32x8192xf32> to vector<32x2048xf32>
    %transpose3A_7 = tpu.transpose %slice3A_6, [1, 0] : vector<32x2048xf32> -> vector<2048x32xf32>
    %concatenate3A = tpu.concatenate %transpose3A, %transpose3A_3, %transpose3A_5, %transpose3A_7 in 1 : vector<2048x32xf32>, vector<2048x32xf32>, vector<2048x32xf32>, vector<2048x32xf32> -> vector<2048x128xf32>
    %swap3A = arith.constant 0 : index
    %swap3A_8 = arith.constant 0 : index
    %swap3A_9 = vector.load %arg2[%swap3A, %swap3A_8] : memref<2048x128xf32, #tpu.memory_space<vmem>>, vector<2048x128xf32>
    tpu.vector_store %arg2[%swap3A, %swap3A_8], %concatenate3A {strides = array<i32>} : memref<2048x128xf32, #tpu.memory_space<vmem>>, vector<2048x128xf32>,
    return
  }
  func.func @transform_0(%arg0: i32) -> (i32, i32) {
    %c0_i32 = arith.constant 0 : i32
    %c0_i32_0 = arith.constant 0 : i32
    return %c0_i32, %arg0 : i32, i32
  }
  func.func @transform_1(%arg0: i32) -> (i32, i32) {
    %c0_i32 = arith.constant 0 : i32
    %c0_i32_0 = arith.constant 0 : i32
    return %arg0, %c0_i32 : i32, i32
  }
}

</mosaic_0001>

<sc_bundles>
// kernel: kernel.6.cloned.1.call-start
scs
__scs_entry_jumppad:
0x0: {  	(pc) =	sbr.rel $0x88, $3  }
0x1: {  	(tag) =	ssettag $0x0;
	lr =	simm.s32 $0x1  }
0x2: {  	[smem:$0x3F9E] =	sst lr;
	_ =	strace $0xD0000000  }
0x3: {  	_ = 	snop  }
0x4: {  	_ = 	snop  }
0x5: {  	_ = 	snop  }
0x6: {  	_ = 	snop  }
0x7: {  	_ = 	snop  }
__scs_overlays_trampoline_lowered:
0x8: {  	[smem:$0x3FAD] =	sst s0  }
0x9: {  	[smem:$0x3FAE] =	sst s1  }
0xa: {  	[smem:$0x3FAF] =	sst s2  }
0xb: {  	[smem:$0x3FB0] =	sst s3  }
0xc: {  	[smem:$0x3FB1] =	sst s4  }
0xd: {  	[smem:$0x3FB2] =	sst s5  }
0xe: {  	[smem:$0x3FB3] =	sst s6  }
0xf: {  	[smem:$0x3FB4] =	sst s7  }
0x10: {  	[smem:$0x3FB5] =	sst s8  }
0x11: {  	[smem:$0x3FB6] =	sst s9;
	s0 =	simm.s32 @!p0 $0x0  }
0x12: {  	s1 =	sld [smem:$0x3F9C];
	s0 =	simm.s32 @p0 $0x1  }
0x13: {  	[smem:$0x3FB7] =	sst s0;
	s0 =	simm.s32 @!p1 $0x0  }
0x14: {  	s2 =	sld [smem:$0x3F9B];
	s0 =	simm.s32 @p1 $0x1  }
0x15: {  	[smem:$0x3FB8] =	sst s0;
	s0 =	simm.s32 @!p2 $0x0  }
0x16: {  	s3 =	sld [smem:$0x3FDB];
	s0 =	simm.s32 @p2 $0x1  }
0x17: {  	s4 =	simm.s32 $0x1BF5;
	[smem:$0x3FBA] =	sst s0  }
0x18: {  	s0 =	sld [smem:$0x3F9D];
	_ =	swait.ge [sflag:s4], $0x0  }
0x19: {  	s7 =	sld [smem:$0x3F9E]  }
0x1a: {  	s8 =	sadd.s32 $0xFFFFE003, lr  }
0x1b: {  	s9 =	sadd.s32 $0xFFFFFEF7, lr;
	s5 =	simm.s32 $0xFFFFFFFF;
	p2 =	slt.u32 s8, $0xFFFFF086  }
0x1c: {  	p1 =	slt.u32 s9, $0xF7A;
	s5 =	simm.s32 @!p2 $0x0  }
0x1d: {  	s5 =	simm.s32 @p1 $0x1;
	p0 =	seq.s32 s7, s2  }
0x1e: {  	s7 =	smul.u32 @!p0 $0xF7A, s2;
	p2 =	seq.s32 @!p0 s5, $0x0  }
0x1f: {  	s9 =	smul.u32 $0xF7A, s1;
	s8 =	simm.s32 @!p0 $0x1BF5;
	p2 =	por !p2, p0  }
0x20: {  	[sflag:s8] =	ssyncset.s32 @!p0 $0xFFFFF086;
	s6 =	sadd.s32 @!p0 s3, s7;
	s7 =	simm.s32 @!p0 $0x108  }
0x21: {  	s3 =	sadd.s32 s3, s9;
	s6 =	sadd.s32 @!p0 $0x88, s6;
	s7 =	simm.s32 @p2 $0x1082  }
0x22: {  	[simem:s7], [sflag:s8] =	dma.local @!p0 [hbm:s6], $0xF7A  }
0x23: {  	s9 =	sor.u32 $0xD0000000, s2;
	s6 =	simm.s32 $0x108;
	_ =	swait.ge @!p0 [sflag:s8], $0x0  }
0x24: {  	s3 =	sadd.s32 $0x88, s3;
	s6 =	simm.s32 @!p1 $0x1082;
	[sflag:s4] =	ssyncset.s32 $0xFFFFF086  }
0x25: {  	[simem:s6], [sflag:s4] =	dma.local [hbm:s3], $0xF7A  }
0x26: {  	[smem:$0x3F9E] =	sst s1;
	(tag) =	ssettag s2;
	_ =	strace s9  }
0x27: {  	s1 =	sld [smem:$0x3FAE]  }
0x28: {  	s2 =	sld [smem:$0x3FAF]  }
0x29: {  	s4 =	sld [smem:$0x3FB1]  }
0x2a: {  	p0 =	seq.s32 s5, $0x0;
	s5 =	sld [smem:$0x3FB2]  }
0x2b: {  	s6 =	sld [smem:$0x3FB3]  }
0x2c: {  	s7 =	sld [smem:$0x3FB4]  }
0x2d: {  	s3 =	simm.s32 $0x108;
	s8 =	sld [smem:$0x3FB5]  }
0x2e: {  	s3 =	simm.s32 @!p0 $0x1082;
	s9 =	sld [smem:$0x3FB6]  }
0x2f: {  	lr =	sadd.s32 s0, s3;
	s0 =	sld [smem:$0x3FAD]  }
0x30: {  	s3 =	sld [smem:$0x3FB0]  }
0x31: {  	[smem:$0x3FB9] =	sst s10  }
0x32: {  	s10 =	sld [smem:$0x3FB7];
	_ =	sdelay $0x3  }
0x33: {  	p0 =	seq.s32 s10, $0x1;
	s10 =	sld [smem:$0x3FB9];
	_ =	sdelay $0x3  }
0x34: {  	[smem:$0x3FB9] =	sst s10  }
0x35: {  	s10 =	sld [smem:$0x3FB8];
	_ =	sdelay $0x3  }
0x36: {  	p1 =	seq.s32 s10, $0x1;
	s10 =	sld [smem:$0x3FB9];
	_ =	sdelay $0x3  }
0x37: {  	[smem:$0x3FB9] =	sst s10  }
0x38: {  	s10 =	sld [smem:$0x3FBA]  }
0x39: {  	_ = 	snop;
	(pc) =	sbr.ind lr, $3  }
0x3a: {  	_ = 	snop  }
0x3b: {  	_ = 	snop  }
0x3c: {  	p2 =	seq.s32 s10, $0x1;
	s10 =	sld [smem:$0x3FB9]  }
0x3d: {  	_ =	shalt  }
0x3e: {  	_ =	shalt  }
0x3f: {  	_ =	shalt  }
0x40: {  	_ =	shalt  }
0x41: {  	_ =	shalt  }
0x42: {  	_ =	shalt  }
0x43: {  	_ =	shalt  }
0x44: {  	_ =	shalt  }
0x45: {  	_ =	shalt  }
0x46: {  	_ =	shalt  }
0x47: {  	_ =	shalt  }
0x48: {  	_ =	shalt  }
0x49: {  	_ =	shalt  }
0x4a: {  	_ =	shalt  }
0x4b: {  	_ =	shalt  }
0x4c: {  	_ =	shalt  }
0x4d: {  	_ =	shalt  }
0x4e: {  	_ =	shalt  }
0x4f: {  	_ =	shalt  }
0x50: {  	_ =	shalt  }
0x51: {  	_ =	shalt  }
0x52: {  	_ =	shalt  }
0x53: {  	_ =	shalt  }
0x54: {  	_ =	shalt  }
0x55: {  	_ =	shalt  }
0x56: {  	_ =	shalt  }
0x57: {  	_ =	shalt  }
0x58: {  	_ =	shalt  }
0x59: {  	_ =	shalt  }
0x5a: {  	_ =	shalt  }
0x5b: {  	_ =	shalt  }
0x5c: {  	_ =	shalt  }
0x5d: {  	_ =	shalt  }
0x5e: {  	_ =	shalt  }
0x5f: {  	_ =	shalt  }
0x60: {  	_ =	shalt  }
0x61: {  	_ =	shalt  }
0x62: {  	_ =	shalt  }
0x63: {  	_ =	shalt  }
0x64: {  	_ =	shalt  }
0x65: {  	_ =	shalt  }
0x66: {  	_ =	shalt  }
0x67: {  	_ =	shalt  }
0x68: {  	_ =	shalt  }
0x69: {  	_ =	shalt  }
0x6a: {  	_ =	shalt  }
0x6b: {  	_ =	shalt  }
0x6c: {  	_ =	shalt  }
0x6d: {  	_ =	shalt  }
0x6e: {  	_ =	shalt  }
0x6f: {  	_ =	shalt  }
0x70: {  	_ =	shalt  }
0x71: {  	_ =	shalt  }
0x72: {  	_ =	shalt  }
0x73: {  	_ =	shalt  }
0x74: {  	_ =	shalt  }
0x75: {  	_ =	shalt  }
0x76: {  	_ =	shalt  }
0x77: {  	_ =	shalt  }
0x78: {  	_ =	shalt  }
0x79: {  	_ =	shalt  }
0x7a: {  	_ =	shalt  }
0x7b: {  	_ =	shalt  }
0x7c: {  	_ =	shalt  }
0x7d: {  	_ =	shalt  }
0x7e: {  	_ =	shalt  }
0x7f: {  	_ =	shalt  }
0x80: {  	_ =	shalt  }
0x81: {  	_ =	shalt  }
0x82: {  	_ =	shalt  }
0x83: {  	_ =	shalt  }
0x84: {  	_ =	shalt  }
0x85: {  	_ =	shalt  }
0x86: {  	_ =	shalt  }
0x87: {  	_ =	shalt  }
.Lfunc_end0:
.L_simem_size_0:
called_computation.2_lowered:
.L_overlay_start_0:
0x88: {  	s2 =	sld [smem:$0x3FD9]  }
0x89: {  	s3 =	sld [smem:$0x3FFE];
	_ =	sdelay $0x1  }
0x8a: {  	s1 =	srdreg.scid  }
0x8b: {  	s0 =	sand.u32 $0x1, s1  }
0x8c: {  	s14 =	sshll.u32 s0, $0xA;
	s2 =	sadd.s32 s3, s2  }
0x8d: {  	s2 =	sadd.s32 s2, s14  }
0x8e: {  	[smem:$0x3FC5] =	sst s2  }
0x8f: {  	_ = 	snop  }
0x90: {  	s2 =	sld [smem:$0x3FD0];
	_ =	sdelay $0x2  }
0x91: {  	s15 =	simm.s32 $0xB;
	s4 =	simm.s32 $0x10  }
0x92: {  	[smem:s4], [sflag:s15] =	dma.local [hbm:s2], $0x1  }
0x93: {  	_ =	swait.eq [sflag:s15], $0x1  }
0x94: {  	[sflag:s15] =	ssyncset.done $0x0  }
0x95: {  	[sflag:s15] =	ssyncadd.s32 $0xFFFFFFFF  }
0x96: {  	s16 =	sld [smem:$0x10];
	(tm) =	ssettm $0x1  }
0x97: {  	s17 =	sld [smem:$0x3FFB];
	_ =	sdelay $0x3  }
0x98: {  	_ =	strace s17  }
0x99: {  	s3 =	sld [smem:$0x3FFC];
	_ =	sdelay $0x3  }
0x9a: {  	_ =	strace s3  }
0x9b: {  	s3 =	sld [smem:$0x3FFD];
	_ =	sdelay $0x3  }
0x9c: {  	_ =	strace s3  }
0x9d: {  	_ =	strace $0x8FFFFFFF  }
0x9e: {  	s18 =	sld [smem:$0x3FDB];
	_ =	sdelay $0x1  }
0x9f: {  	s19 =	simm.s32 $_scs_section_size  }
0xa0: {  	s5 =	simm.s32 $_size__tile_overlayer_lowered;
	s6 =	simm.s32 $_tile_overlayer_lowered  }
0xa1: {  	s22 =	simm.s32 $0x1BFF;
	s21 =	sshll.u32 s6, $0x1;
	s3 =	sadd.s32 s19, s18  }
0xa2: {  	s7 =	simm.s32 $0x0;
	s20 =	sshll.u32 s5, $0x1;
	s5 =	sadd.s32 s21, s3  }
0xa3: {  	[timem:s7], [sflag:s22] =	dma.local [hbm:s5], s20  }
0xa4: {  	_ =	swait.ge [sflag:s22], s20  }
0xa5: {  	s4 =	ssub.s32 $0x0, s20;
	[sflag:s22] =	ssyncset.done $0x0  }
0xa6: {  	[sflag:s22] =	ssyncadd.s32 s4;
	_ =	sdelay $0x1  }
0xa7: {  	s23 =	simm.s32 $0x1B8B  }
0xa8: {  	_ =	swait.ge [sflag:s23], $0x1  }
0xa9: {  	[sflag:s23] =	ssyncset.done $0x0  }
0xaa: {  	s25 =	simm.s32 $0x1B8E;
	s24 =	sld [smem:$0x3FFE];
	[sflag:s23] =	ssyncadd.s32 $0xFFFFFFFF  }
0xab: {  	s26 =	simm.s32 $execute0_lowered;
	[smem:$0x3FD2] =	sst s25  }
0xac: {  	s5 =	sshll.u32 s26, $0x1;
	_ =	strace $0x80000046;
	[dreg:$0x1] =	wrdreg $0xFFFFFFFF  }
0xad: {  	s28 =	simm.s32 $_size_execute0_lowered;
	s3 =	sadd.s32 s3, s5;
	[dreg:$0x0] =	wrdreg $0x0  }
0xae: {  	s5 =	sshll.u32 s28, $0x1;
	[dreg:$0x2] =	wrdreg s3  }
0xaf: {  	[dreg:$0x3] =	wrdreg s5  }
0xb0: {  	[dreg:$0x4] =	wrdreg $0xC0  }
0xb1: {  	_ =	task [dreg:s7], $0x5FFFF  }
0xb2: {  	[dreg:$0x1] =	wrdreg $0xFFFFFFFF  }
0xb3: {  	[dreg:$0x0] =	wrdreg $0x60  }
0xb4: {  	[dreg:$0x2] =	wrdreg s24  }
0xb5: {  	[dreg:$0x3] =	wrdreg s16  }
0xb6: {  	[dreg:$0x4] =	wrdreg $0x9  }
0xb7: {  	_ =	task.clear_ibuf [dreg:s7], $0x5FFFF;
	_ =	strace $0x90000046  }
0xb8: {  	s29 =	simm.s32 $0x9;
	_ =	strace $0x80000048  }
0xb9: {  	_ =	swait.ge [sflag:s29], $0x1  }
0xba: {  	[sflag:s29] =	ssyncadd.s32 $0xFFFFFFFF  }
0xbb: {  	_ =	strace $0x90000048  }
0xbc: {  	_ =	sfence  }
0xbd: {  	s30 =	sld [smem:$0x0];
	_ =	sdelay $0x2  }
0xbe: {  	s31 =	sshll.u32 s1, $0xD;
	s1 =	sshrl.u32 s1, $0x2  }
0xbf: {  	s3 =	sand.u32 $0x4000, s31;
	s1 =	sadd.s32 s1, s30  }
0xc0: {  	s0 =	sor.u32 s3, s0;
	s1 =	sshll.u32 s1, $0x11  }
0xc1: {  	s0 =	sor.u32 s1, s0  }
0xc2: {  	s0 =	sadd.s32 $0x8F2B, s0  }
0xc3: {  	[sflag:s0] =	ssyncadd.remote.s32 $0x1  }
0xc4: {  	_ =	sfence.sel $0xFFFF  }
0xc5: {  	[dreg:$0x0] =	wrdreg $0xFFFFFFFF;
	(pc) =	sbr.abs _section_cstart, $3  }
0xc6: {  	[dreg:$0x1] =	wrdreg $0xFFFFFFFF  }
0xc7: {  	_ =	task.clear_ibuf [dreg:s7], $0x2FFFF;
	_ =	strace $0x9FFFFFFF  }
0xc8: {  	(tm) =	ssettm $0x7FFFFFFF  }
0xc9: {  	_ =	shalt  }
tec
execute0_lowered:
.L_overlay_start_1:
0x0: {  	(tag) =	ssettag $0x1  }
0x1: {  	s0 =	srdreg.scid;
	s1 =	rddreg [dreg:$0x0]  }
0x2: {  	s8 =	stileid.u32;
	s5 =	rddreg [dreg:$0x1]  }
0x3: {  	s10 =	simm.s32 $0x32;
	s11 =	simm.s32 $0x7000;
	s28 =	simm.s32 $0xA200  }
0x4: {  	s15 =	simm.s32 $0x2D8;
	s16 =	simm.s32 $0xC140;
	s17 =	simm.s32 $0x310  }
0x5: {  	s18 =	simm.s32 $0xC780;
	s19 =	simm.s32 $0x348;
	s20 =	simm.s32 $0xCDC0  }
0x6: {  	s21 =	simm.s32 $0x1;
	s22 =	simm.s32 $0x2;
	s23 =	simm.s32 $0x0  }
0x7: {  	s0 =	sand.u32 $0x1, s0;
	s2 =	sshll.u32 s8, $0xA;
	s8 =	smul.u32 $0x32000, s8  }
0x8: {  	s3 =	sshll.u32 s0, $0x9;
	s7 =	ssub.s32 $0x2, s0;
	s0 =	smul.u32 $0x19000, s0  }
0x9: {  	s3 =	sor.u32 s3, s2;
	s2 =	simm.s32 $0x0;
	s9 =	sshrl.u32 s7, $0x1  }
0xa: {  	s31 =	sadd.s32 s8, s5;
	s4 =	smul.u32 $0x7, s3;
	[smem:$0x7FF] =	sst s2  }
0xb: {  	s6 =	smul.u32 $0xC8, s3;
	s3 =	sadd.s32 $0x1D000, s1;
	s29 =	ssub.s32 s7, s9  }
0xc: {  	s0 =	sadd.s32 s0, s31;
	s9 =	simm.s32 $0x3;
	_ =	strace $0x80000047  }
0xd: {  	s30 =	sadd.s32 $0x640, s0;
	s4 =	sadd.s32 s4, s1;
	s5 =	sadd.s32 s5, s6  }
0xe: {  	s6 =	smax.u32 s29, $0x1;
	s4 =	sadd.s32 $0x1000, s4;
	s7 =	sadd.s32 $0x189C0, s5  }
.LBB2_1:
0xf: {  	[tilespmem:s2], [sflag:$0x3] =	stream.linear.gather [hbm4b:s4+s2], $0x7000, $0x38;
	[tilespmem:$0xD400] =	vst v63  }
0x10: {  	_ =	swait.ge [sflag:s9], $0x7000  }
0x11: {  	[sflag:s9] =	ssyncset.done $0x0  }
0x12: {  	[sflag:s9] =	ssyncadd.s32 $0xFFFF9000  }
0x13: {  	[tilespmem:s11], [sflag:$0x1] =	stream.indirect.gather [hbm4b:s3+s10], $0x20, s2, s10, $0xb8;
	[tilespmem:$0xD400] =	vst v63  }
0x14: {  	s0 =	simm.s32 $0x38;
	s1 =	simm.s32 $0x7640  }
0x15: {  	[tilespmem:s1], [sflag:$0x1] =	stream.indirect.gather [hbm4b:s3+s10], $0x20, s0, s10, $0xb8;
	[tilespmem:$0xD400] =	vst v63  }
0x16: {  	s25 =	simm.s32 $0x70;
	s26 =	simm.s32 $0x7C80  }
0x17: {  	[tilespmem:s26], [sflag:$0x1] =	stream.indirect.gather [hbm4b:s3+s10], $0x20, s25, s10, $0xb8;
	[tilespmem:$0xD400] =	vst v63  }
0x18: {  	s8 =	simm.s32 $0x82C0;
	s1 =	simm.s32 $0xA8  }
0x19: {  	[tilespmem:s8], [sflag:$0x1] =	stream.indirect.gather [hbm4b:s3+s10], $0x20, s1, s10, $0xb8;
	[tilespmem:$0xD400] =	vst v63  }
0x1a: {  	s12 =	simm.s32 $0xE0;
	s13 =	simm.s32 $0x8900  }
0x1b: {  	[tilespmem:s13], [sflag:$0x1] =	stream.indirect.gather [hbm4b:s3+s10], $0x20, s12, s10, $0xb8;
	[tilespmem:$0xD400] =	vst v63  }
0x1c: {  	s14 =	simm.s32 $0x118;
	s24 =	simm.s32 $0x8F40  }
0x1d: {  	[tilespmem:s24], [sflag:$0x1] =	stream.indirect.gather [hbm4b:s3+s10], $0x20, s14, s10, $0xb8;
	[tilespmem:$0xD400] =	vst v63  }
0x1e: {  	s25 =	simm.s32 $0x150;
	s26 =	simm.s32 $0x9580  }
0x1f: {  	[tilespmem:s26], [sflag:$0x1] =	stream.indirect.gather [hbm4b:s3+s10], $0x20, s25, s10, $0xb8;
	[tilespmem:$0xD400] =	vst v63  }
0x20: {  	s8 =	simm.s32 $0x188;
	s12 =	simm.s32 $0x9BC0  }
0x21: {  	[tilespmem:s12], [sflag:$0x1] =	stream.indirect.gather [hbm4b:s3+s10], $0x20, s8, s10, $0xb8;
	[tilespmem:$0xD400] =	vst v63  }
0x22: {  	s13 =	simm.s32 $0x1C0  }
0x23: {  	[tilespmem:s28], [sflag:$0x1] =	stream.indirect.gather [hbm4b:s3+s10], $0x20, s13, s10, $0xb8;
	[tilespmem:$0xD400] =	vst v63  }
0x24: {  	s14 =	simm.s32 $0x1F8;
	s24 =	simm.s32 $0xA840  }
0x25: {  	[tilespmem:s24], [sflag:$0x1] =	stream.indirect.gather [hbm4b:s3+s10], $0x20, s14, s10, $0xb8;
	[tilespmem:$0xD400] =	vst v63  }
0x26: {  	s25 =	simm.s32 $0x230;
	s26 =	simm.s32 $0xAE80  }
0x27: {  	[tilespmem:s26], [sflag:$0x1] =	stream.indirect.gather [hbm4b:s3+s10], $0x20, s25, s10, $0xb8;
	[tilespmem:$0xD400] =	vst v63  }
0x28: {  	s8 =	simm.s32 $0x268;
	s12 =	simm.s32 $0xB4C0  }
0x29: {  	[tilespmem:s12], [sflag:$0x1] =	stream.indirect.gather [hbm4b:s3+s10], $0x20, s8, s10, $0xb8;
	[tilespmem:$0xD400] =	vst v63  }
0x2a: {  	s13 =	simm.s32 $0x2A0;
	s14 =	simm.s32 $0xBB00  }
0x2b: {  	[tilespmem:s14], [sflag:$0x1] =	stream.indirect.gather [hbm4b:s3+s10], $0x20, s13, s10, $0xb8;
	[tilespmem:$0xD400] =	vst v63  }
0x2c: {  	_ = 	snop  }
0x2d: {  	[tilespmem:s16], [sflag:$0x1] =	stream.indirect.gather [hbm4b:s3+s10], $0x20, s15, s10, $0xb8;
	[tilespmem:$0xD400] =	vst v63  }
0x2e: {  	_ = 	snop  }
0x2f: {  	[tilespmem:s18], [sflag:$0x1] =	stream.indirect.gather [hbm4b:s3+s10], $0x20, s17, s10, $0xb8;
	[tilespmem:$0xD400] =	vst v63  }
0x30: {  	_ = 	snop  }
0x31: {  	[tilespmem:s20], [sflag:$0x1] =	stream.indirect.gather [hbm4b:s3+s10], $0x20, s19, s10, $0xb8;
	[tilespmem:$0xD400] =	vst v63  }
0x32: {  	_ =	swait.ge [sflag:s21], $0x640  }
0x33: {  	[sflag:s21] =	ssyncset.done $0x0  }
0x34: {  	[sflag:s21] =	ssyncadd.s32 $0xFFFFF9C0  }
0x35: {  	_ =	swait.ge [sflag:s21], $0x640  }
0x36: {  	[sflag:s21] =	ssyncset.done $0x0  }
0x37: {  	[sflag:s21] =	ssyncadd.s32 $0xFFFFF9C0  }
0x38: {  	_ =	swait.ge [sflag:s21], $0x640  }
0x39: {  	[sflag:s21] =	ssyncset.done $0x0  }
0x3a: {  	[sflag:s21] =	ssyncadd.s32 $0xFFFFF9C0  }
0x3b: {  	_ =	swait.ge [sflag:s21], $0x640  }
0x3c: {  	[sflag:s21] =	ssyncset.done $0x0  }
0x3d: {  	[sflag:s21] =	ssyncadd.s32 $0xFFFFF9C0  }
0x3e: {  	_ =	swait.ge [sflag:s21], $0x640  }
0x3f: {  	[sflag:s21] =	ssyncset.done $0x0  }
0x40: {  	[sflag:s21] =	ssyncadd.s32 $0xFFFFF9C0  }
0x41: {  	_ =	swait.ge [sflag:s21], $0x640  }
0x42: {  	[sflag:s21] =	ssyncset.done $0x0  }
0x43: {  	[sflag:s21] =	ssyncadd.s32 $0xFFFFF9C0  }
0x44: {  	_ =	swait.ge [sflag:s21], $0x640  }
0x45: {  	[sflag:s21] =	ssyncset.done $0x0  }
0x46: {  	[sflag:s21] =	ssyncadd.s32 $0xFFFFF9C0  }
0x47: {  	_ =	swait.ge [sflag:s21], $0x640  }
0x48: {  	[sflag:s21] =	ssyncset.done $0x0  }
0x49: {  	s24 =	sand.u32 $0x1, s22;
	[sflag:s21] =	ssyncadd.s32 $0xFFFFF9C0  }
0x4a: {  	[hbm4b:s5+s2] =	stream.linear.scatter [tilespmem:s11], [sflag:$0x2], $0x3200, $0x38;
	[tilespmem:$0xD400] =	vst v63  }
0x4b: {  	s1 =	simm.s32 $0x3200;
	p0 =	seq.s32 s24, $0x1;
	_ =	swait.ge [sflag:s22], $0x3200  }
0x4c: {  	s1 =	simm.s32 @!p0 $0x0;
	[sflag:s22] =	ssyncset.done $0x0  }
0x4d: {  	s24 =	simm.s32 $0x380;
	s8 =	sadd.s32 $0x7000, s1;
	[sflag:s22] =	ssyncadd.s32 $0xFFFFCE00  }
0x4e: {  	[tilespmem:s8], [sflag:$0x1] =	stream.indirect.gather [hbm4b:s3+s10], $0x20, s24, s10, $0xb8;
	[tilespmem:$0xD400] =	vst v63  }
0x4f: {  	s26 =	simm.s32 $0x3B8;
	s25 =	sadd.s32 $0x7640, s1  }
0x50: {  	[tilespmem:s25], [sflag:$0x1] =	stream.indirect.gather [hbm4b:s3+s10], $0x20, s26, s10, $0xb8;
	[tilespmem:$0xD400] =	vst v63  }
0x51: {  	s0 =	sadd.s32 $0x7C80, s1;
	s12 =	simm.s32 $0x3F0  }
0x52: {  	[tilespmem:s0], [sflag:$0x1] =	stream.indirect.gather [hbm4b:s3+s10], $0x20, s12, s10, $0xb8;
	[tilespmem:$0xD400] =	vst v63  }
0x53: {  	s13 =	sadd.s32 $0x82C0, s1;
	s14 =	simm.s32 $0x428  }
0x54: {  	[tilespmem:s13], [sflag:$0x1] =	stream.indirect.gather [hbm4b:s3+s10], $0x20, s14, s10, $0xb8;
	[tilespmem:$0xD400] =	vst v63  }
0x55: {  	s25 =	sor.u32 $0x8900, s1;
	s26 =	simm.s32 $0x460  }
0x56: {  	[tilespmem:s25], [sflag:$0x1] =	stream.indirect.gather [hbm4b:s3+s10], $0x20, s26, s10, $0xb8;
	[tilespmem:$0xD400] =	vst v63  }
0x57: {  	s0 =	sadd.s32 $0x8F40, s1;
	s12 =	simm.s32 $0x498  }
0x58: {  	[tilespmem:s0], [sflag:$0x1] =	stream.indirect.gather [hbm4b:s3+s10], $0x20, s12, s10, $0xb8;
	[tilespmem:$0xD400] =	vst v63  }
0x59: {  	s13 =	sadd.s32 $0x9580, s1;
	s14 =	simm.s32 $0x4D0  }
0x5a: {  	[tilespmem:s13], [sflag:$0x1] =	stream.indirect.gather [hbm4b:s3+s10], $0x20, s14, s10, $0xb8;
	[tilespmem:$0xD400] =	vst v63  }
0x5b: {  	s1 =	sadd.s32 $0x9BC0, s1;
	s25 =	simm.s32 $0x508  }
0x5c: {  	[tilespmem:s1], [sflag:$0x1] =	stream.indirect.gather [hbm4b:s3+s10], $0x20, s25, s10, $0xb8;
	[tilespmem:$0xD400] =	vst v63  }
0x5d: {  	_ =	swait.ge [sflag:s21], $0x640  }
0x5e: {  	[sflag:s21] =	ssyncset.done $0x0  }
0x5f: {  	[sflag:s21] =	ssyncadd.s32 $0xFFFFF9C0  }
0x60: {  	_ =	swait.ge [sflag:s21], $0x640  }
0x61: {  	[sflag:s21] =	ssyncset.done $0x0  }
0x62: {  	[sflag:s21] =	ssyncadd.s32 $0xFFFFF9C0  }
0x63: {  	_ =	swait.ge [sflag:s21], $0x640  }
0x64: {  	[sflag:s21] =	ssyncset.done $0x0  }
0x65: {  	[sflag:s21] =	ssyncadd.s32 $0xFFFFF9C0  }
0x66: {  	_ =	swait.ge [sflag:s21], $0x640  }
0x67: {  	[sflag:s21] =	ssyncset.done $0x0  }
0x68: {  	[sflag:s21] =	ssyncadd.s32 $0xFFFFF9C0  }
0x69: {  	_ =	swait.ge [sflag:s21], $0x640  }
0x6a: {  	[sflag:s21] =	ssyncset.done $0x0  }
0x6b: {  	[sflag:s21] =	ssyncadd.s32 $0xFFFFF9C0  }
0x6c: {  	_ =	swait.ge [sflag:s21], $0x640  }
0x6d: {  	[sflag:s21] =	ssyncset.done $0x0  }
0x6e: {  	[sflag:s21] =	ssyncadd.s32 $0xFFFFF9C0  }
0x6f: {  	_ =	swait.ge [sflag:s21], $0x640  }
0x70: {  	s31 =	simm.s32 $0x700;
	[sflag:s21] =	ssyncset.done $0x0  }
0x71: {  	s29 =	simm.s32 $0x4;
	s24 =	sadd.s32 $0x640, s30;
	[sflag:s21] =	ssyncadd.s32 $0xFFFFF9C0  }
0x72: {  	s8 =	smov.u32 s30;
	s26 =	simm.s32 $0x3;
	_ =	swait.ge [sflag:s21], $0x640  }
0x73: {  	s25 =	sand.u32 $0x1, s26;
	s1 =	simm.s32 $0x7000;
	[sflag:s21] =	ssyncset.done $0x0  }
0x74: {  	s26 =	simm.s32 $0xE00;
	s1 =	simm.s32 @!p0 $0xA200;
	[sflag:s21] =	ssyncadd.s32 $0xFFFFF9C0  }
.LBB2_2:
0x75: {  	[hbm4b:s8+s2] =	stream.linear.scatter [tilespmem:s1], [sflag:$0x2], $0x3200, $0x38;
	[tilespmem:$0xD400] =	vst v63  }
0x76: {  	s1 =	smov.u32 s26;
	s8 =	smov.u32 s24;
	p0 =	seq.s32 s25, $0x1  }
0x77: {  	s25 =	sand.u32 $0x1, s29;
	s0 =	simm.s32 $0x3200;
	_ =	swait.ge [sflag:s22], $0x3200  }
0x78: {  	s12 =	sshra.s32 s31, $0x2;
	s0 =	simm.s32 @!p0 $0x0;
	[sflag:s22] =	ssyncset.done $0x0  }
0x79: {  	s13 =	sadd.s32 $0x380, s12;
	s31 =	sadd.s32 $0x7000, s0;
	[sflag:s22] =	ssyncadd.s32 $0xFFFFCE00  }
0x7a: {  	[tilespmem:s31], [sflag:$0x1] =	stream.indirect.gather [hbm4b:s3+s10], $0x20, s13, s10, $0xb8;
	[tilespmem:$0xD400] =	vst v63  }
0x7b: {  	p1 =	sne.s32 s26, $0x1AB00;
	s13 =	sadd.s32 $0x7640, s0;
	s31 =	sadd.s32 $0x3B8, s12  }
0x7c: {  	[tilespmem:s13], [sflag:$0x1] =	stream.indirect.gather [hbm4b:s3+s10], $0x20, s31, s10, $0xb8;
	[tilespmem:$0xD400] =	vst v63  }
0x7d: {  	s26 =	sadd.s32 $0x700, s26;
	s13 =	sadd.s32 $0x7C80, s0;
	s31 =	sadd.s32 $0x3F0, s12  }
0x7e: {  	[tilespmem:s13], [sflag:$0x1] =	stream.indirect.gather [hbm4b:s3+s10], $0x20, s31, s10, $0xb8;
	[tilespmem:$0xD400] =	vst v63  }
0x7f: {  	s14 =	sadd.s32 $0x428, s12;
	s13 =	sadd.s32 $0x82C0, s0;
	s31 =	smov.u32 s1  }
0x80: {  	[tilespmem:s13], [sflag:$0x1] =	stream.indirect.gather [hbm4b:s3+s10], $0x20, s14, s10, $0xb8;
	[tilespmem:$0xD400] =	vst v63  }
0x81: {  	s1 =	sor.u32 $0x8900, s0;
	s13 =	sadd.s32 $0x460, s12  }
0x82: {  	[tilespmem:s1], [sflag:$0x1] =	stream.indirect.gather [hbm4b:s3+s10], $0x20, s13, s10, $0xb8;
	[tilespmem:$0xD400] =	vst v63  }
0x83: {  	s1 =	sadd.s32 $0x8F40, s0;
	s13 =	sadd.s32 $0x498, s12  }
0x84: {  	[tilespmem:s1], [sflag:$0x1] =	stream.indirect.gather [hbm4b:s3+s10], $0x20, s13, s10, $0xb8;
	[tilespmem:$0xD400] =	vst v63  }
0x85: {  	s1 =	sadd.s32 $0x9580, s0;
	s13 =	sadd.s32 $0x4D0, s12  }
0x86: {  	[tilespmem:s1], [sflag:$0x1] =	stream.indirect.gather [hbm4b:s3+s10], $0x20, s13, s10, $0xb8;
	[tilespmem:$0xD400] =	vst v63  }
0x87: {  	s0 =	sadd.s32 $0x9BC0, s0;
	s1 =	sadd.s32 $0x508, s12  }
0x88: {  	[tilespmem:s0], [sflag:$0x1] =	stream.indirect.gather [hbm4b:s3+s10], $0x20, s1, s10, $0xb8;
	[tilespmem:$0xD400] =	vst v63  }
0x89: {  	_ =	swait.ge [sflag:s21], $0x640  }
0x8a: {  	[sflag:s21] =	ssyncset.done $0x0  }
0x8b: {  	[sflag:s21] =	ssyncadd.s32 $0xFFFFF9C0  }
0x8c: {  	_ =	swait.ge [sflag:s21], $0x640  }
0x8d: {  	[sflag:s21] =	ssyncset.done $0x0  }
0x8e: {  	[sflag:s21] =	ssyncadd.s32 $0xFFFFF9C0  }
0x8f: {  	_ =	swait.ge [sflag:s21], $0x640  }
0x90: {  	[sflag:s21] =	ssyncset.done $0x0  }
0x91: {  	[sflag:s21] =	ssyncadd.s32 $0xFFFFF9C0  }
0x92: {  	_ =	swait.ge [sflag:s21], $0x640  }
0x93: {  	[sflag:s21] =	ssyncset.done $0x0  }
0x94: {  	[sflag:s21] =	ssyncadd.s32 $0xFFFFF9C0  }
0x95: {  	_ =	swait.ge [sflag:s21], $0x640  }
0x96: {  	[sflag:s21] =	ssyncset.done $0x0  }
0x97: {  	[sflag:s21] =	ssyncadd.s32 $0xFFFFF9C0  }
0x98: {  	_ =	swait.ge [sflag:s21], $0x640  }
0x99: {  	[sflag:s21] =	ssyncset.done $0x0  }
0x9a: {  	[sflag:s21] =	ssyncadd.s32 $0xFFFFF9C0  }
0x9b: {  	_ =	swait.ge [sflag:s21], $0x640  }
.Ltmp0:
0x9c: {  	[sflag:s21] =	ssyncset.done $0x0;
	(pc) =	sbr.rel @p1 .LBB2_2-.Ltmp0, $4  }
0x9d: {  	[sflag:s21] =	ssyncadd.s32 $0xFFFFF9C0  }
0x9e: {  	_ =	swait.ge [sflag:s21], $0x640  }
0x9f: {  	s24 =	sadd.s32 $0x640, s24;
	s1 =	simm.s32 $0x7000;
	[sflag:s21] =	ssyncset.done $0x0  }
0xa0: {  	s29 =	sadd.s32 $0x1, s29;
	s1 =	simm.s32 @!p0 $0xA200;
	[sflag:s21] =	ssyncadd.s32 $0xFFFFF9C0  }
0xa1: {  	[hbm4b:s8+s2] =	stream.linear.scatter [tilespmem:s1], [sflag:$0x2], $0x3200, $0x38;
	[tilespmem:$0xD400] =	vst v63  }
0xa2: {  	p0 =	seq.s32 s25, $0x1;
	s0 =	simm.s32 $0x3200;
	_ =	swait.ge [sflag:s22], $0x3200  }
0xa3: {  	s1 =	sshra.s32 s31, $0x2;
	s0 =	simm.s32 @!p0 $0x0;
	[sflag:s22] =	ssyncset.done $0x0  }
0xa4: {  	s12 =	sadd.s32 $0x380, s1;
	s31 =	sadd.s32 $0x7000, s0;
	[sflag:s22] =	ssyncadd.s32 $0xFFFFCE00  }
0xa5: {  	[tilespmem:s31], [sflag:$0x1] =	stream.indirect.gather [hbm4b:s3+s10], $0x20, s12, s10, $0xb8;
	[tilespmem:$0xD400] =	vst v63  }
0xa6: {  	s14 =	sadd.s32 $0x3B8, s1;
	s13 =	sadd.s32 $0x7640, s0  }
0xa7: {  	[tilespmem:s13], [sflag:$0x1] =	stream.indirect.gather [hbm4b:s3+s10], $0x20, s14, s10, $0xb8;
	[tilespmem:$0xD400] =	vst v63  }
0xa8: {  	s26 =	sadd.s32 $0x3F0, s1;
	s25 =	sadd.s32 $0x7C80, s0  }
0xa9: {  	[tilespmem:s25], [sflag:$0x1] =	stream.indirect.gather [hbm4b:s3+s10], $0x20, s26, s10, $0xb8;
	[tilespmem:$0xD400] =	vst v63  }
0xaa: {  	s29 =	sadd.s32 $0x82C0, s0;
	s31 =	sadd.s32 $0x428, s1  }
0xab: {  	[tilespmem:s29], [sflag:$0x1] =	stream.indirect.gather [hbm4b:s3+s10], $0x20, s31, s10, $0xb8;
	[tilespmem:$0xD400] =	vst v63  }
0xac: {  	s13 =	sor.u32 $0x8900, s0;
	s14 =	sadd.s32 $0x460, s1  }
0xad: {  	[tilespmem:s13], [sflag:$0x1] =	stream.indirect.gather [hbm4b:s3+s10], $0x20, s14, s10, $0xb8;
	[tilespmem:$0xD400] =	vst v63  }
0xae: {  	s25 =	sadd.s32 $0x8F40, s0;
	s26 =	sadd.s32 $0x498, s1  }
0xaf: {  	[tilespmem:s25], [sflag:$0x1] =	stream.indirect.gather [hbm4b:s3+s10], $0x20, s26, s10, $0xb8;
	[tilespmem:$0xD400] =	vst v63  }
0xb0: {  	s29 =	sadd.s32 $0x9580, s0;
	s31 =	sadd.s32 $0x4D0, s1  }
0xb1: {  	[tilespmem:s29], [sflag:$0x1] =	stream.indirect.gather [hbm4b:s3+s10], $0x20, s31, s10, $0xb8;
	[tilespmem:$0xD400] =	vst v63  }
0xb2: {  	s0 =	sadd.s32 $0x9BC0, s0;
	s1 =	sadd.s32 $0x508, s1  }
0xb3: {  	[tilespmem:s0], [sflag:$0x1] =	stream.indirect.gather [hbm4b:s3+s10], $0x20, s1, s10, $0xb8;
	[tilespmem:$0xD400] =	vst v63  }
0xb4: {  	_ =	swait.ge [sflag:s21], $0x640  }
0xb5: {  	[sflag:s21] =	ssyncset.done $0x0  }
0xb6: {  	[sflag:s21] =	ssyncadd.s32 $0xFFFFF9C0  }
0xb7: {  	_ =	swait.ge [sflag:s21], $0x640  }
0xb8: {  	[sflag:s21] =	ssyncset.done $0x0  }
0xb9: {  	[sflag:s21] =	ssyncadd.s32 $0xFFFFF9C0  }
0xba: {  	_ =	swait.ge [sflag:s21], $0x640  }
0xbb: {  	[sflag:s21] =	ssyncset.done $0x0  }
0xbc: {  	[sflag:s21] =	ssyncadd.s32 $0xFFFFF9C0  }
0xbd: {  	_ =	swait.ge [sflag:s21], $0x640  }
0xbe: {  	[sflag:s21] =	ssyncset.done $0x0  }
0xbf: {  	[sflag:s21] =	ssyncadd.s32 $0xFFFFF9C0  }
0xc0: {  	_ =	swait.ge [sflag:s21], $0x640  }
0xc1: {  	[sflag:s21] =	ssyncset.done $0x0  }
0xc2: {  	[sflag:s21] =	ssyncadd.s32 $0xFFFFF9C0  }
0xc3: {  	_ =	swait.ge [sflag:s21], $0x640  }
0xc4: {  	[sflag:s21] =	ssyncset.done $0x0  }
0xc5: {  	[sflag:s21] =	ssyncadd.s32 $0xFFFFF9C0  }
0xc6: {  	_ =	swait.ge [sflag:s21], $0x640  }
0xc7: {  	[sflag:s21] =	ssyncset.done $0x0  }
0xc8: {  	[sflag:s21] =	ssyncadd.s32 $0xFFFFF9C0  }
0xc9: {  	_ =	swait.ge [sflag:s21], $0x640  }
0xca: {  	s0 =	simm.s32 $0x7000;
	[sflag:s21] =	ssyncset.done $0x0  }
0xcb: {  	s0 =	simm.s32 @!p0 $0xA200;
	[sflag:s21] =	ssyncadd.s32 $0xFFFFF9C0  }
0xcc: {  	[hbm4b:s24+s2] =	stream.linear.scatter [tilespmem:s0], [sflag:$0x2], $0x3200, $0x38;
	[tilespmem:$0xD400] =	vst v63  }
0xcd: {  	_ =	swait.ge [sflag:s22], $0x3200  }
0xce: {  	[sflag:s22] =	ssyncset.done $0x0  }
0xcf: {  	[sflag:s22] =	ssyncadd.s32 $0xFFFFCE00  }
0xd0: {  	_ =	swait.ge [sflag:s21], $0x640  }
0xd1: {  	[sflag:s21] =	ssyncset.done $0x0  }
0xd2: {  	[sflag:s21] =	ssyncadd.s32 $0xFFFFF9C0  }
0xd3: {  	_ =	swait.ge [sflag:s21], $0x640  }
0xd4: {  	[sflag:s21] =	ssyncset.done $0x0  }
0xd5: {  	[sflag:s21] =	ssyncadd.s32 $0xFFFFF9C0  }
0xd6: {  	_ =	swait.ge [sflag:s21], $0x640  }
0xd7: {  	[sflag:s21] =	ssyncset.done $0x0  }
0xd8: {  	[sflag:s21] =	ssyncadd.s32 $0xFFFFF9C0  }
0xd9: {  	_ =	swait.ge [sflag:s21], $0x640  }
0xda: {  	[sflag:s21] =	ssyncset.done $0x0  }
0xdb: {  	[sflag:s21] =	ssyncadd.s32 $0xFFFFF9C0  }
0xdc: {  	_ =	swait.ge [sflag:s21], $0x640  }
0xdd: {  	[sflag:s21] =	ssyncset.done $0x0  }
0xde: {  	[sflag:s21] =	ssyncadd.s32 $0xFFFFF9C0  }
0xdf: {  	_ =	swait.ge [sflag:s21], $0x640  }
0xe0: {  	[sflag:s21] =	ssyncset.done $0x0  }
0xe1: {  	[sflag:s21] =	ssyncadd.s32 $0xFFFFF9C0  }
0xe2: {  	_ =	swait.ge [sflag:s21], $0x640  }
0xe3: {  	[sflag:s21] =	ssyncset.done $0x0  }
0xe4: {  	[sflag:s21] =	ssyncadd.s32 $0xFFFFF9C0  }
0xe5: {  	s23 =	sadd.s32 $0x1, s23;
	_ =	swait.ge [sflag:s21], $0x640  }
0xe6: {  	p0 =	sne.s32 s23, s6;
	[sflag:s21] =	ssyncset.done $0x0  }
.Ltmp1:
0xe7: {  	[sflag:s21] =	ssyncadd.s32 $0xFFFFF9C0;
	(pc) =	sbr.rel @p0 .LBB2_1-.Ltmp1, $4  }
0xe8: {  	[hbm4b:s7+s2] =	stream.linear.scatter [tilespmem:s28], [sflag:$0x2], $0x3200, $0x38;
	[tilespmem:$0xD400] =	vst v63  }
0xe9: {  	_ =	swait.ge [sflag:s22], $0x3200  }
0xea: {  	[sflag:s22] =	ssyncset.done $0x0  }
0xeb: {  	[sflag:s22] =	ssyncadd.s32 $0xFFFFCE00  }
0xec: {  	_ =	sfence.sel $0x180000  }
0xed: {  	[bflag:$0x0] =	sbarrier.arrive $0xFFFF  }
0xee: {  	_ =	strace $0x90000047  }
0xef: {  	s0 =	stileid.u32;
	[bflag:$0x2] =	sbarrier.arrive $0xFFFF  }
0xf0: {  	p0 =	sne.s32 s0, $0x0;
	s0 =	rddreg [dreg:$0x2]  }
0xf1: {  	s0 =	sadd.s32 @!p0 $0x100000, s0  }
0xf2: {  	[sflag:s0] =	ssyncadd.tile.s32 @!p0 $0x1;
	_ =	shalt  }
.Lfunc_end2:
_tile_overlayer_lowered:
.L_overlay_start_2:
0xf3: {  	(tag) =	ssettag $0x2  }
0xf4: {  	s0 =	rddreg [dreg:$0x0];
	s2 =	stileid.u32  }
0xf5: {  	s1 =	rddreg [dreg:$0x1];
	p0 =	sne.s32 s2, $0x0  }
0xf6: {  	s3 =	rddreg [dreg:$0x2];
	[bflag:$0x3] =	sbarrier.arrive $0xFFFF;
	s2 =	simm.s32 @!p0 $0x1C03  }
0xf7: {  	[timem:s3], [sflag:s2] =	dma.local @!p0 [hbm:s0], s1  }
0xf8: {  	s0 =	simm.s32 @!p0 $0x3  }
0xf9: {  	_ =	swait.ge @!p0 [sflag:s0], s1  }
0xfa: {  	s1 =	ssub.s32 @!p0 $0x0, s1;
	[sflag:s0] =	ssyncset.done @!p0 $0x0  }
0xfb: {  	[sflag:s0] =	ssyncadd.s32 @!p0 s1  }
0xfc: {  	[bflag:$0x3] =	sbarrier.arrive $0xFFFF  }
0xfd: {  	_ =	shalt  }

// kernel: kernel.9.cloned.1.call-start
scs
__scs_entry_jumppad:
0x0: {  	(pc) =	sbr.rel $0x88, $3  }
0x1: {  	(tag) =	ssettag $0x0;
	lr =	simm.s32 $0x1  }
0x2: {  	[smem:$0x3F9E] =	sst lr;
	_ =	strace $0xD0000000  }
0x3: {  	_ = 	snop  }
0x4: {  	_ = 	snop  }
0x5: {  	_ = 	snop  }
0x6: {  	_ = 	snop  }
0x7: {  	_ = 	snop  }
__scs_overlays_trampoline_lowered:
0x8: {  	[smem:$0x3FAD] =	sst s0  }
0x9: {  	[smem:$0x3FAE] =	sst s1  }
0xa: {  	[smem:$0x3FAF] =	sst s2  }
0xb: {  	[smem:$0x3FB0] =	sst s3  }
0xc: {  	[smem:$0x3FB1] =	sst s4  }
0xd: {  	[smem:$0x3FB2] =	sst s5  }
0xe: {  	[smem:$0x3FB3] =	sst s6  }
0xf: {  	[smem:$0x3FB4] =	sst s7  }
0x10: {  	[smem:$0x3FB5] =	sst s8  }
0x11: {  	[smem:$0x3FB6] =	sst s9;
	s0 =	simm.s32 @!p0 $0x0  }
0x12: {  	s1 =	sld [smem:$0x3F9C];
	s0 =	simm.s32 @p0 $0x1  }
0x13: {  	[smem:$0x3FB7] =	sst s0;
	s0 =	simm.s32 @!p1 $0x0  }
0x14: {  	s2 =	sld [smem:$0x3F9B];
	s0 =	simm.s32 @p1 $0x1  }
0x15: {  	[smem:$0x3FB8] =	sst s0;
	s0 =	simm.s32 @!p2 $0x0  }
0x16: {  	s3 =	sld [smem:$0x3FDB];
	s0 =	simm.s32 @p2 $0x1  }
0x17: {  	s4 =	simm.s32 $0x1BF5;
	[smem:$0x3FBA] =	sst s0  }
0x18: {  	s0 =	sld [smem:$0x3F9D];
	_ =	swait.ge [sflag:s4], $0x0  }
0x19: {  	s7 =	sld [smem:$0x3F9E]  }
0x1a: {  	s8 =	sadd.s32 $0xFFFFE003, lr  }
0x1b: {  	s9 =	sadd.s32 $0xFFFFFEF7, lr;
	s5 =	simm.s32 $0xFFFFFFFF;
	p2 =	slt.u32 s8, $0xFFFFF086  }
0x1c: {  	p1 =	slt.u32 s9, $0xF7A;
	s5 =	simm.s32 @!p2 $0x0  }
0x1d: {  	s5 =	simm.s32 @p1 $0x1;
	p0 =	seq.s32 s7, s2  }
0x1e: {  	s7 =	smul.u32 @!p0 $0xF7A, s2;
	p2 =	seq.s32 @!p0 s5, $0x0  }
0x1f: {  	s9 =	smul.u32 $0xF7A, s1;
	s8 =	simm.s32 @!p0 $0x1BF5;
	p2 =	por !p2, p0  }
0x20: {  	[sflag:s8] =	ssyncset.s32 @!p0 $0xFFFFF086;
	s6 =	sadd.s32 @!p0 s3, s7;
	s7 =	simm.s32 @!p0 $0x108  }
0x21: {  	s3 =	sadd.s32 s3, s9;
	s6 =	sadd.s32 @!p0 $0x88, s6;
	s7 =	simm.s32 @p2 $0x1082  }
0x22: {  	[simem:s7], [sflag:s8] =	dma.local @!p0 [hbm:s6], $0xF7A  }
0x23: {  	s9 =	sor.u32 $0xD0000000, s2;
	s6 =	simm.s32 $0x108;
	_ =	swait.ge @!p0 [sflag:s8], $0x0  }
0x24: {  	s3 =	sadd.s32 $0x88, s3;
	s6 =	simm.s32 @!p1 $0x1082;
	[sflag:s4] =	ssyncset.s32 $0xFFFFF086  }
0x25: {  	[simem:s6], [sflag:s4] =	dma.local [hbm:s3], $0xF7A  }
0x26: {  	[smem:$0x3F9E] =	sst s1;
	(tag) =	ssettag s2;
	_ =	strace s9  }
0x27: {  	s1 =	sld [smem:$0x3FAE]  }
0x28: {  	s2 =	sld [smem:$0x3FAF]  }
0x29: {  	s4 =	sld [smem:$0x3FB1]  }
0x2a: {  	p0 =	seq.s32 s5, $0x0;
	s5 =	sld [smem:$0x3FB2]  }
0x2b: {  	s6 =	sld [smem:$0x3FB3]  }
0x2c: {  	s7 =	sld [smem:$0x3FB4]  }
0x2d: {  	s3 =	simm.s32 $0x108;
	s8 =	sld [smem:$0x3FB5]  }
0x2e: {  	s3 =	simm.s32 @!p0 $0x1082;
	s9 =	sld [smem:$0x3FB6]  }
0x2f: {  	lr =	sadd.s32 s0, s3;
	s0 =	sld [smem:$0x3FAD]  }
0x30: {  	s3 =	sld [smem:$0x3FB0]  }
0x31: {  	[smem:$0x3FB9] =	sst s10  }
0x32: {  	s10 =	sld [smem:$0x3FB7];
	_ =	sdelay $0x3  }
0x33: {  	p0 =	seq.s32 s10, $0x1;
	s10 =	sld [smem:$0x3FB9];
	_ =	sdelay $0x3  }
0x34: {  	[smem:$0x3FB9] =	sst s10  }
0x35: {  	s10 =	sld [smem:$0x3FB8];
	_ =	sdelay $0x3  }
0x36: {  	p1 =	seq.s32 s10, $0x1;
	s10 =	sld [smem:$0x3FB9];
	_ =	sdelay $0x3  }
0x37: {  	[smem:$0x3FB9] =	sst s10  }
0x38: {  	s10 =	sld [smem:$0x3FBA]  }
0x39: {  	_ = 	snop;
	(pc) =	sbr.ind lr, $3  }
0x3a: {  	_ = 	snop  }
0x3b: {  	_ = 	snop  }
0x3c: {  	p2 =	seq.s32 s10, $0x1;
	s10 =	sld [smem:$0x3FB9]  }
0x3d: {  	_ =	shalt  }
0x3e: {  	_ =	shalt  }
0x3f: {  	_ =	shalt  }
0x40: {  	_ =	shalt  }
0x41: {  	_ =	shalt  }
0x42: {  	_ =	shalt  }
0x43: {  	_ =	shalt  }
0x44: {  	_ =	shalt  }
0x45: {  	_ =	shalt  }
0x46: {  	_ =	shalt  }
0x47: {  	_ =	shalt  }
0x48: {  	_ =	shalt  }
0x49: {  	_ =	shalt  }
0x4a: {  	_ =	shalt  }
0x4b: {  	_ =	shalt  }
0x4c: {  	_ =	shalt  }
0x4d: {  	_ =	shalt  }
0x4e: {  	_ =	shalt  }
0x4f: {  	_ =	shalt  }
0x50: {  	_ =	shalt  }
0x51: {  	_ =	shalt  }
0x52: {  	_ =	shalt  }
0x53: {  	_ =	shalt  }
0x54: {  	_ =	shalt  }
0x55: {  	_ =	shalt  }
0x56: {  	_ =	shalt  }
0x57: {  	_ =	shalt  }
0x58: {  	_ =	shalt  }
0x59: {  	_ =	shalt  }
0x5a: {  	_ =	shalt  }
0x5b: {  	_ =	shalt  }
0x5c: {  	_ =	shalt  }
0x5d: {  	_ =	shalt  }
0x5e: {  	_ =	shalt  }
0x5f: {  	_ =	shalt  }
0x60: {  	_ =	shalt  }
0x61: {  	_ =	shalt  }
0x62: {  	_ =	shalt  }
0x63: {  	_ =	shalt  }
0x64: {  	_ =	shalt  }
0x65: {  	_ =	shalt  }
0x66: {  	_ =	shalt  }
0x67: {  	_ =	shalt  }
0x68: {  	_ =	shalt  }
0x69: {  	_ =	shalt  }
0x6a: {  	_ =	shalt  }
0x6b: {  	_ =	shalt  }
0x6c: {  	_ =	shalt  }
0x6d: {  	_ =	shalt  }
0x6e: {  	_ =	shalt  }
0x6f: {  	_ =	shalt  }
0x70: {  	_ =	shalt  }
0x71: {  	_ =	shalt  }
0x72: {  	_ =	shalt  }
0x73: {  	_ =	shalt  }
0x74: {  	_ =	shalt  }
0x75: {  	_ =	shalt  }
0x76: {  	_ =	shalt  }
0x77: {  	_ =	shalt  }
0x78: {  	_ =	shalt  }
0x79: {  	_ =	shalt  }
0x7a: {  	_ =	shalt  }
0x7b: {  	_ =	shalt  }
0x7c: {  	_ =	shalt  }
0x7d: {  	_ =	shalt  }
0x7e: {  	_ =	shalt  }
0x7f: {  	_ =	shalt  }
0x80: {  	_ =	shalt  }
0x81: {  	_ =	shalt  }
0x82: {  	_ =	shalt  }
0x83: {  	_ =	shalt  }
0x84: {  	_ =	shalt  }
0x85: {  	_ =	shalt  }
0x86: {  	_ =	shalt  }
0x87: {  	_ =	shalt  }
.Lfunc_end0:
.L_simem_size_0:
called_computation.3_lowered:
.L_overlay_start_0:
0x88: {  	s2 =	sld [smem:$0x3FD9]  }
0x89: {  	s3 =	sld [smem:$0x3FFE];
	_ =	sdelay $0x1  }
0x8a: {  	s1 =	srdreg.scid  }
0x8b: {  	s0 =	sand.u32 $0x1, s1  }
0x8c: {  	s15 =	sshll.u32 s0, $0xA;
	s2 =	sadd.s32 s3, s2  }
0x8d: {  	s2 =	sadd.s32 s2, s15  }
0x8e: {  	[smem:$0x3FC5] =	sst s2  }
0x8f: {  	_ = 	snop  }
0x90: {  	s2 =	sld [smem:$0x3FD0];
	_ =	sdelay $0x2  }
0x91: {  	s16 =	simm.s32 $0xB;
	s4 =	simm.s32 $0x10  }
0x92: {  	[smem:s4], [sflag:s16] =	dma.local [hbm:s2], $0x1  }
0x93: {  	_ =	swait.eq [sflag:s16], $0x1  }
0x94: {  	[sflag:s16] =	ssyncset.done $0x0  }
0x95: {  	[sflag:s16] =	ssyncadd.s32 $0xFFFFFFFF  }
0x96: {  	s17 =	sld [smem:$0x11];
	(tm) =	ssettm $0x1  }
0x97: {  	s18 =	sld [smem:$0x3FFB];
	_ =	sdelay $0x3  }
0x98: {  	_ =	strace s18  }
0x99: {  	s2 =	sld [smem:$0x3FFC];
	_ =	sdelay $0x3  }
0x9a: {  	_ =	strace s2  }
0x9b: {  	s2 =	sld [smem:$0x3FFD];
	_ =	sdelay $0x3  }
0x9c: {  	_ =	strace s2  }
0x9d: {  	_ =	strace $0x8FFFFFFF  }
0x9e: {  	s19 =	sld [smem:$0x3FDB];
	_ =	sdelay $0x1  }
0x9f: {  	s20 =	simm.s32 $_scs_section_size  }
0xa0: {  	s5 =	simm.s32 $_size__tile_overlayer_lowered;
	s6 =	simm.s32 $_tile_overlayer_lowered  }
0xa1: {  	s7 =	simm.s32 $0x1BFF;
	s21 =	sshll.u32 s6, $0x1;
	s4 =	sadd.s32 s20, s19  }
0xa2: {  	s22 =	simm.s32 $0x0;
	s5 =	sshll.u32 s5, $0x1;
	s6 =	sadd.s32 s21, s4  }
0xa3: {  	[timem:s22], [sflag:s7] =	dma.local [hbm:s6], s5  }
0xa4: {  	_ =	swait.ge [sflag:s7], s5  }
0xa5: {  	s5 =	ssub.s32 $0x0, s5;
	[sflag:s7] =	ssyncset.done $0x0  }
0xa6: {  	[sflag:s7] =	ssyncadd.s32 s5;
	_ =	sdelay $0x1  }
0xa7: {  	s23 =	simm.s32 $0x1B8B  }
0xa8: {  	_ =	swait.ge [sflag:s23], $0x1  }
0xa9: {  	[sflag:s23] =	ssyncset.done $0x0  }
0xaa: {  	[sflag:s23] =	ssyncadd.s32 $0xFFFFFFFF  }
0xab: {  	s5 =	sld [smem:$0x0]  }
0xac: {  	s6 =	sand.u32 $0xFFFFFFFE, s1  }
0xad: {  	p0 =	sne.s32 s1, s6  }
0xae: {  	s6 =	sshll.u32 @p0 s6, $0xE  }
0xaf: {  	s6 =	sadd.s32 @p0 $0x11B8D, s6;
	s7 =	sshll.u32 @p0 s5, $0x11  }
0xb0: {  	s6 =	sor.u32 @p0 s7, s6  }
0xb1: {  	[sflag:s6] =	ssyncadd.remote.s32 @p0 $0x1;
	_ =	sdelay $0x1  }
0xb2: {  	s6 =	simm.s32 @p0 $0x1B8D  }
0xb3: {  	_ =	swait.eq @p0 [sflag:s6], $0x1  }
0xb4: {  	[sflag:s6] =	ssyncadd.s32 @p0 $0xFFFFFFFF  }
0xb5: {  	s7 =	sshll.u32 @!p0 s1, $0xE  }
0xb6: {  	s7 =	sor.u32 @!p0 $0x4000, s7;
	s6 =	simm.s32 @!p0 $0x1B8D  }
0xb7: {  	s5 =	sshll.u32 @!p0 s5, $0x11;
	s7 =	sadd.s32 @!p0 $0x11B8D, s7;
	_ =	swait.eq @!p0 [sflag:s6], $0x1  }
0xb8: {  	s5 =	sor.u32 @!p0 s5, s7;
	[sflag:s6] =	ssyncadd.s32 @!p0 $0xFFFFFFFF  }
0xb9: {  	s25 =	simm.s32 $0x1B8E;
	s24 =	sld [smem:$0x3FFE];
	[sflag:s5] =	ssyncadd.remote.s32 @!p0 $0x1  }
0xba: {  	s26 =	simm.s32 $execute0_lowered;
	[smem:$0x3FD2] =	sst s25  }
0xbb: {  	s6 =	sshll.u32 s26, $0x1;
	_ =	strace $0x80000049;
	[dreg:$0x1] =	wrdreg $0xFFFFFFFF  }
0xbc: {  	s28 =	simm.s32 $_size_execute0_lowered;
	s4 =	sadd.s32 s4, s6;
	[dreg:$0x0] =	wrdreg $0x0  }
0xbd: {  	s6 =	sshll.u32 s28, $0x1;
	[dreg:$0x2] =	wrdreg s4  }
0xbe: {  	[dreg:$0x3] =	wrdreg s6  }
0xbf: {  	[dreg:$0x4] =	wrdreg $0xC0  }
0xc0: {  	_ =	task [dreg:s22], $0x5FFFF  }
0xc1: {  	[dreg:$0x1] =	wrdreg $0xFFFFFFFF  }
0xc2: {  	[dreg:$0x0] =	wrdreg $0x60  }
0xc3: {  	[dreg:$0x2] =	wrdreg s24  }
0xc4: {  	[dreg:$0x3] =	wrdreg s17  }
0xc5: {  	[dreg:$0x4] =	wrdreg $0xA  }
0xc6: {  	_ =	task.clear_ibuf [dreg:s22], $0x5FFFF;
	_ =	strace $0x90000049  }
0xc7: {  	s29 =	simm.s32 $0xA;
	_ =	strace $0x8000004B  }
0xc8: {  	_ =	swait.ge [sflag:s29], $0x1  }
0xc9: {  	[sflag:s29] =	ssyncadd.s32 $0xFFFFFFFF  }
0xca: {  	_ =	strace $0x9000004B  }
0xcb: {  	_ =	sfence  }
0xcc: {  	s30 =	sld [smem:$0x0];
	_ =	sdelay $0x2  }
0xcd: {  	s31 =	sshll.u32 s1, $0xD;
	s1 =	sshrl.u32 s1, $0x2  }
0xce: {  	s4 =	sand.u32 $0x4000, s31;
	s1 =	sadd.s32 s1, s30  }
0xcf: {  	s0 =	sor.u32 s4, s0;
	s1 =	sshll.u32 s1, $0x11  }
0xd0: {  	s0 =	sor.u32 s1, s0  }
0xd1: {  	s0 =	sadd.s32 $0x8F2B, s0  }
0xd2: {  	[sflag:s0] =	ssyncadd.remote.s32 $0x1  }
0xd3: {  	_ =	sfence.sel $0xFFFF  }
0xd4: {  	[dreg:$0x0] =	wrdreg $0xFFFFFFFF;
	(pc) =	sbr.abs _section_cstart, $3  }
0xd5: {  	[dreg:$0x1] =	wrdreg $0xFFFFFFFF  }
0xd6: {  	_ =	task.clear_ibuf [dreg:s22], $0x2FFFF;
	_ =	strace $0x9FFFFFFF  }
0xd7: {  	(tm) =	ssettm $0x7FFFFFFF  }
tec
execute0_lowered:
.L_overlay_start_1:
0x0: {  	(tag) =	ssettag $0x1  }
0x1: {  	s0 =	srdreg.scid;
	s1 =	rddreg [dreg:$0x0]  }
0x2: {  	s8 =	stileid.u32;
	s5 =	rddreg [dreg:$0x1]  }
0x3: {  	s10 =	simm.s32 $0x32;
	s11 =	simm.s32 $0x7000;
	s28 =	simm.s32 $0xA200  }
0x4: {  	s15 =	simm.s32 $0x2D8;
	s16 =	simm.s32 $0xC140;
	s17 =	simm.s32 $0x310  }
0x5: {  	s18 =	simm.s32 $0xC780;
	s19 =	simm.s32 $0x348;
	s20 =	simm.s32 $0xCDC0  }
0x6: {  	s21 =	simm.s32 $0x1;
	s22 =	simm.s32 $0x2;
	s23 =	simm.s32 $0x0  }
0x7: {  	s0 =	sand.u32 $0x1, s0;
	s2 =	sshll.u32 s8, $0xA;
	s8 =	smul.u32 $0x32000, s8  }
0x8: {  	s3 =	sshll.u32 s0, $0x9;
	s7 =	ssub.s32 $0x2, s0;
	s0 =	smul.u32 $0x19000, s0  }
0x9: {  	s3 =	sor.u32 s3, s2;
	s2 =	simm.s32 $0x0;
	s9 =	sshrl.u32 s7, $0x1  }
0xa: {  	s31 =	sadd.s32 s8, s5;
	s4 =	smul.u32 $0x7, s3;
	[smem:$0x7FF] =	sst s2  }
0xb: {  	s6 =	smul.u32 $0xC8, s3;
	s3 =	sadd.s32 $0x3F5000, s1;
	s29 =	ssub.s32 s7, s9  }
0xc: {  	s0 =	sadd.s32 s0, s31;
	s9 =	simm.s32 $0x3;
	_ =	strace $0x8000004A  }
0xd: {  	s30 =	sadd.s32 $0x640, s0;
	s4 =	sadd.s32 s4, s1;
	s5 =	sadd.s32 s5, s6  }
0xe: {  	s6 =	smax.u32 s29, $0x1;
	s4 =	sadd.s32 $0x1000, s4;
	s7 =	sadd.s32 $0x189C0, s5  }
.LBB2_1:
0xf: {  	[tilespmem:s2], [sflag:$0x3] =	stream.linear.gather [hbm4b:s4+s2], $0x7000, $0x38;
	[tilespmem:$0xD400] =	vst v63  }
0x10: {  	_ =	swait.ge [sflag:s9], $0x7000  }
0x11: {  	[sflag:s9] =	ssyncset.done $0x0  }
0x12: {  	[sflag:s9] =	ssyncadd.s32 $0xFFFF9000  }
0x13: {  	[tilespmem:s11], [sflag:$0x1] =	stream.indirect.gather [hbm4b:s3+s10], $0x20, s2, s10, $0xb8;
	[tilespmem:$0xD400] =	vst v63  }
0x14: {  	s0 =	simm.s32 $0x38;
	s1 =	simm.s32 $0x7640  }
0x15: {  	[tilespmem:s1], [sflag:$0x1] =	stream.indirect.gather [hbm4b:s3+s10], $0x20, s0, s10, $0xb8;
	[tilespmem:$0xD400] =	vst v63  }
0x16: {  	s25 =	simm.s32 $0x70;
	s26 =	simm.s32 $0x7C80  }
0x17: {  	[tilespmem:s26], [sflag:$0x1] =	stream.indirect.gather [hbm4b:s3+s10], $0x20, s25, s10, $0xb8;
	[tilespmem:$0xD400] =	vst v63  }
0x18: {  	s8 =	simm.s32 $0x82C0;
	s1 =	simm.s32 $0xA8  }
0x19: {  	[tilespmem:s8], [sflag:$0x1] =	stream.indirect.gather [hbm4b:s3+s10], $0x20, s1, s10, $0xb8;
	[tilespmem:$0xD400] =	vst v63  }
0x1a: {  	s12 =	simm.s32 $0xE0;
	s13 =	simm.s32 $0x8900  }
0x1b: {  	[tilespmem:s13], [sflag:$0x1] =	stream.indirect.gather [hbm4b:s3+s10], $0x20, s12, s10, $0xb8;
	[tilespmem:$0xD400] =	vst v63  }
0x1c: {  	s14 =	simm.s32 $0x118;
	s24 =	simm.s32 $0x8F40  }
0x1d: {  	[tilespmem:s24], [sflag:$0x1] =	stream.indirect.gather [hbm4b:s3+s10], $0x20, s14, s10, $0xb8;
	[tilespmem:$0xD400] =	vst v63  }
0x1e: {  	s25 =	simm.s32 $0x150;
	s26 =	simm.s32 $0x9580  }
0x1f: {  	[tilespmem:s26], [sflag:$0x1] =	stream.indirect.gather [hbm4b:s3+s10], $0x20, s25, s10, $0xb8;
	[tilespmem:$0xD400] =	vst v63  }
0x20: {  	s8 =	simm.s32 $0x188;
	s12 =	simm.s32 $0x9BC0  }
0x21: {  	[tilespmem:s12], [sflag:$0x1] =	stream.indirect.gather [hbm4b:s3+s10], $0x20, s8, s10, $0xb8;
	[tilespmem:$0xD400] =	vst v63  }
0x22: {  	s13 =	simm.s32 $0x1C0  }
0x23: {  	[tilespmem:s28], [sflag:$0x1] =	stream.indirect.gather [hbm4b:s3+s10], $0x20, s13, s10, $0xb8;
	[tilespmem:$0xD400] =	vst v63  }
0x24: {  	s14 =	simm.s32 $0x1F8;
	s24 =	simm.s32 $0xA840  }
0x25: {  	[tilespmem:s24], [sflag:$0x1] =	stream.indirect.gather [hbm4b:s3+s10], $0x20, s14, s10, $0xb8;
	[tilespmem:$0xD400] =	vst v63  }
0x26: {  	s25 =	simm.s32 $0x230;
	s26 =	simm.s32 $0xAE80  }
0x27: {  	[tilespmem:s26], [sflag:$0x1] =	stream.indirect.gather [hbm4b:s3+s10], $0x20, s25, s10, $0xb8;
	[tilespmem:$0xD400] =	vst v63  }
0x28: {  	s8 =	simm.s32 $0x268;
	s12 =	simm.s32 $0xB4C0  }
0x29: {  	[tilespmem:s12], [sflag:$0x1] =	stream.indirect.gather [hbm4b:s3+s10], $0x20, s8, s10, $0xb8;
	[tilespmem:$0xD400] =	vst v63  }
0x2a: {  	s13 =	simm.s32 $0x2A0;
	s14 =	simm.s32 $0xBB00  }
0x2b: {  	[tilespmem:s14], [sflag:$0x1] =	stream.indirect.gather [hbm4b:s3+s10], $0x20, s13, s10, $0xb8;
	[tilespmem:$0xD400] =	vst v63  }
0x2c: {  	_ = 	snop  }
0x2d: {  	[tilespmem:s16], [sflag:$0x1] =	stream.indirect.gather [hbm4b:s3+s10], $0x20, s15, s10, $0xb8;
	[tilespmem:$0xD400] =	vst v63  }
0x2e: {  	_ = 	snop  }
0x2f: {  	[tilespmem:s18], [sflag:$0x1] =	stream.indirect.gather [hbm4b:s3+s10], $0x20, s17, s10, $0xb8;
	[tilespmem:$0xD400] =	vst v63  }
0x30: {  	_ = 	snop  }
0x31: {  	[tilespmem:s20], [sflag:$0x1] =	stream.indirect.gather [hbm4b:s3+s10], $0x20, s19, s10, $0xb8;
	[tilespmem:$0xD400] =	vst v63  }
0x32: {  	_ =	swait.ge [sflag:s21], $0x640  }
0x33: {  	[sflag:s21] =	ssyncset.done $0x0  }
0x34: {  	[sflag:s21] =	ssyncadd.s32 $0xFFFFF9C0  }
0x35: {  	_ =	swait.ge [sflag:s21], $0x640  }
0x36: {  	[sflag:s21] =	ssyncset.done $0x0  }
0x37: {  	[sflag:s21] =	ssyncadd.s32 $0xFFFFF9C0  }
0x38: {  	_ =	swait.ge [sflag:s21], $0x640  }
0x39: {  	[sflag:s21] =	ssyncset.done $0x0  }
0x3a: {  	[sflag:s21] =	ssyncadd.s32 $0xFFFFF9C0  }
0x3b: {  	_ =	swait.ge [sflag:s21], $0x640  }
0x3c: {  	[sflag:s21] =	ssyncset.done $0x0  }
0x3d: {  	[sflag:s21] =	ssyncadd.s32 $0xFFFFF9C0  }
0x3e: {  	_ =	swait.ge [sflag:s21], $0x640  }
0x3f: {  	[sflag:s21] =	ssyncset.done $0x0  }
0x40: {  	[sflag:s21] =	ssyncadd.s32 $0xFFFFF9C0  }
0x41: {  	_ =	swait.ge [sflag:s21], $0x640  }
0x42: {  	[sflag:s21] =	ssyncset.done $0x0  }
0x43: {  	[sflag:s21] =	ssyncadd.s32 $0xFFFFF9C0  }
0x44: {  	_ =	swait.ge [sflag:s21], $0x640  }
0x45: {  	[sflag:s21] =	ssyncset.done $0x0  }
0x46: {  	[sflag:s21] =	ssyncadd.s32 $0xFFFFF9C0  }
0x47: {  	_ =	swait.ge [sflag:s21], $0x640  }
0x48: {  	[sflag:s21] =	ssyncset.done $0x0  }
0x49: {  	s24 =	sand.u32 $0x1, s22;
	[sflag:s21] =	ssyncadd.s32 $0xFFFFF9C0  }
0x4a: {  	[hbm4b:s5+s2] =	stream.linear.scatter [tilespmem:s11], [sflag:$0x2], $0x3200, $0x38;
	[tilespmem:$0xD400] =	vst v63  }
0x4b: {  	s1 =	simm.s32 $0x3200;
	p0 =	seq.s32 s24, $0x1;
	_ =	swait.ge [sflag:s22], $0x3200  }
0x4c: {  	s1 =	simm.s32 @!p0 $0x0;
	[sflag:s22] =	ssyncset.done $0x0  }
0x4d: {  	s24 =	simm.s32 $0x380;
	s8 =	sadd.s32 $0x7000, s1;
	[sflag:s22] =	ssyncadd.s32 $0xFFFFCE00  }
0x4e: {  	[tilespmem:s8], [sflag:$0x1] =	stream.indirect.gather [hbm4b:s3+s10], $0x20, s24, s10, $0xb8;
	[tilespmem:$0xD400] =	vst v63  }
0x4f: {  	s26 =	simm.s32 $0x3B8;
	s25 =	sadd.s32 $0x7640, s1  }
0x50: {  	[tilespmem:s25], [sflag:$0x1] =	stream.indirect.gather [hbm4b:s3+s10], $0x20, s26, s10, $0xb8;
	[tilespmem:$0xD400] =	vst v63  }
0x51: {  	s0 =	sadd.s32 $0x7C80, s1;
	s12 =	simm.s32 $0x3F0  }
0x52: {  	[tilespmem:s0], [sflag:$0x1] =	stream.indirect.gather [hbm4b:s3+s10], $0x20, s12, s10, $0xb8;
	[tilespmem:$0xD400] =	vst v63  }
0x53: {  	s13 =	sadd.s32 $0x82C0, s1;
	s14 =	simm.s32 $0x428  }
0x54: {  	[tilespmem:s13], [sflag:$0x1] =	stream.indirect.gather [hbm4b:s3+s10], $0x20, s14, s10, $0xb8;
	[tilespmem:$0xD400] =	vst v63  }
0x55: {  	s25 =	sor.u32 $0x8900, s1;
	s26 =	simm.s32 $0x460  }
0x56: {  	[tilespmem:s25], [sflag:$0x1] =	stream.indirect.gather [hbm4b:s3+s10], $0x20, s26, s10, $0xb8;
	[tilespmem:$0xD400] =	vst v63  }
0x57: {  	s0 =	sadd.s32 $0x8F40, s1;
	s12 =	simm.s32 $0x498  }
0x58: {  	[tilespmem:s0], [sflag:$0x1] =	stream.indirect.gather [hbm4b:s3+s10], $0x20, s12, s10, $0xb8;
	[tilespmem:$0xD400] =	vst v63  }
0x59: {  	s13 =	sadd.s32 $0x9580, s1;
	s14 =	simm.s32 $0x4D0  }
0x5a: {  	[tilespmem:s13], [sflag:$0x1] =	stream.indirect.gather [hbm4b:s3+s10], $0x20, s14, s10, $0xb8;
	[tilespmem:$0xD400] =	vst v63  }
0x5b: {  	s1 =	sadd.s32 $0x9BC0, s1;
	s25 =	simm.s32 $0x508  }
0x5c: {  	[tilespmem:s1], [sflag:$0x1] =	stream.indirect.gather [hbm4b:s3+s10], $0x20, s25, s10, $0xb8;
	[tilespmem:$0xD400] =	vst v63  }
0x5d: {  	_ =	swait.ge [sflag:s21], $0x640  }
0x5e: {  	[sflag:s21] =	ssyncset.done $0x0  }
0x5f: {  	[sflag:s21] =	ssyncadd.s32 $0xFFFFF9C0  }
0x60: {  	_ =	swait.ge [sflag:s21], $0x640  }
0x61: {  	[sflag:s21] =	ssyncset.done $0x0  }
0x62: {  	[sflag:s21] =	ssyncadd.s32 $0xFFFFF9C0  }
0x63: {  	_ =	swait.ge [sflag:s21], $0x640  }
0x64: {  	[sflag:s21] =	ssyncset.done $0x0  }
0x65: {  	[sflag:s21] =	ssyncadd.s32 $0xFFFFF9C0  }
0x66: {  	_ =	swait.ge [sflag:s21], $0x640  }
0x67: {  	[sflag:s21] =	ssyncset.done $0x0  }
0x68: {  	[sflag:s21] =	ssyncadd.s32 $0xFFFFF9C0  }
0x69: {  	_ =	swait.ge [sflag:s21], $0x640  }
0x6a: {  	[sflag:s21] =	ssyncset.done $0x0  }
0x6b: {  	[sflag:s21] =	ssyncadd.s32 $0xFFFFF9C0  }
0x6c: {  	_ =	swait.ge [sflag:s21], $0x640  }
0x6d: {  	[sflag:s21] =	ssyncset.done $0x0  }
0x6e: {  	[sflag:s21] =	ssyncadd.s32 $0xFFFFF9C0  }
0x6f: {  	_ =	swait.ge [sflag:s21], $0x640  }
0x70: {  	s31 =	simm.s32 $0x700;
	[sflag:s21] =	ssyncset.done $0x0  }
0x71: {  	s29 =	simm.s32 $0x4;
	s24 =	sadd.s32 $0x640, s30;
	[sflag:s21] =	ssyncadd.s32 $0xFFFFF9C0  }
0x72: {  	s8 =	smov.u32 s30;
	s26 =	simm.s32 $0x3;
	_ =	swait.ge [sflag:s21], $0x640  }
0x73: {  	s25 =	sand.u32 $0x1, s26;
	s1 =	simm.s32 $0x7000;
	[sflag:s21] =	ssyncset.done $0x0  }
0x74: {  	s26 =	simm.s32 $0xE00;
	s1 =	simm.s32 @!p0 $0xA200;
	[sflag:s21] =	ssyncadd.s32 $0xFFFFF9C0  }
.LBB2_2:
0x75: {  	[hbm4b:s8+s2] =	stream.linear.scatter [tilespmem:s1], [sflag:$0x2], $0x3200, $0x38;
	[tilespmem:$0xD400] =	vst v63  }
0x76: {  	s1 =	smov.u32 s26;
	s8 =	smov.u32 s24;
	p0 =	seq.s32 s25, $0x1  }
0x77: {  	s25 =	sand.u32 $0x1, s29;
	s0 =	simm.s32 $0x3200;
	_ =	swait.ge [sflag:s22], $0x3200  }
0x78: {  	s12 =	sshra.s32 s31, $0x2;
	s0 =	simm.s32 @!p0 $0x0;
	[sflag:s22] =	ssyncset.done $0x0  }
0x79: {  	s13 =	sadd.s32 $0x380, s12;
	s31 =	sadd.s32 $0x7000, s0;
	[sflag:s22] =	ssyncadd.s32 $0xFFFFCE00  }
0x7a: {  	[tilespmem:s31], [sflag:$0x1] =	stream.indirect.gather [hbm4b:s3+s10], $0x20, s13, s10, $0xb8;
	[tilespmem:$0xD400] =	vst v63  }
0x7b: {  	p1 =	sne.s32 s26, $0x1AB00;
	s13 =	sadd.s32 $0x7640, s0;
	s31 =	sadd.s32 $0x3B8, s12  }
0x7c: {  	[tilespmem:s13], [sflag:$0x1] =	stream.indirect.gather [hbm4b:s3+s10], $0x20, s31, s10, $0xb8;
	[tilespmem:$0xD400] =	vst v63  }
0x7d: {  	s26 =	sadd.s32 $0x700, s26;
	s13 =	sadd.s32 $0x7C80, s0;
	s31 =	sadd.s32 $0x3F0, s12  }
0x7e: {  	[tilespmem:s13], [sflag:$0x1] =	stream.indirect.gather [hbm4b:s3+s10], $0x20, s31, s10, $0xb8;
	[tilespmem:$0xD400] =	vst v63  }
0x7f: {  	s14 =	sadd.s32 $0x428, s12;
	s13 =	sadd.s32 $0x82C0, s0;
	s31 =	smov.u32 s1  }
0x80: {  	[tilespmem:s13], [sflag:$0x1] =	stream.indirect.gather [hbm4b:s3+s10], $0x20, s14, s10, $0xb8;
	[tilespmem:$0xD400] =	vst v63  }
0x81: {  	s1 =	sor.u32 $0x8900, s0;
	s13 =	sadd.s32 $0x460, s12  }
0x82: {  	[tilespmem:s1], [sflag:$0x1] =	stream.indirect.gather [hbm4b:s3+s10], $0x20, s13, s10, $0xb8;
	[tilespmem:$0xD400] =	vst v63  }
0x83: {  	s1 =	sadd.s32 $0x8F40, s0;
	s13 =	sadd.s32 $0x498, s12  }
0x84: {  	[tilespmem:s1], [sflag:$0x1] =	stream.indirect.gather [hbm4b:s3+s10], $0x20, s13, s10, $0xb8;
	[tilespmem:$0xD400] =	vst v63  }
0x85: {  	s1 =	sadd.s32 $0x9580, s0;
	s13 =	sadd.s32 $0x4D0, s12  }
0x86: {  	[tilespmem:s1], [sflag:$0x1] =	stream.indirect.gather [hbm4b:s3+s10], $0x20, s13, s10, $0xb8;
	[tilespmem:$0xD400] =	vst v63  }
0x87: {  	s0 =	sadd.s32 $0x9BC0, s0;
	s1 =	sadd.s32 $0x508, s12  }
0x88: {  	[tilespmem:s0], [sflag:$0x1] =	stream.indirect.gather [hbm4b:s3+s10], $0x20, s1, s10, $0xb8;
	[tilespmem:$0xD400] =	vst v63  }
0x89: {  	_ =	swait.ge [sflag:s21], $0x640  }
0x8a: {  	[sflag:s21] =	ssyncset.done $0x0  }
0x8b: {  	[sflag:s21] =	ssyncadd.s32 $0xFFFFF9C0  }
0x8c: {  	_ =	swait.ge [sflag:s21], $0x640  }
0x8d: {  	[sflag:s21] =	ssyncset.done $0x0  }
0x8e: {  	[sflag:s21] =	ssyncadd.s32 $0xFFFFF9C0  }
0x8f: {  	_ =	swait.ge [sflag:s21], $0x640  }
0x90: {  	[sflag:s21] =	ssyncset.done $0x0  }
0x91: {  	[sflag:s21] =	ssyncadd.s32 $0xFFFFF9C0  }
0x92: {  	_ =	swait.ge [sflag:s21], $0x640  }
0x93: {  	[sflag:s21] =	ssyncset.done $0x0  }
0x94: {  	[sflag:s21] =	ssyncadd.s32 $0xFFFFF9C0  }
0x95: {  	_ =	swait.ge [sflag:s21], $0x640  }
0x96: {  	[sflag:s21] =	ssyncset.done $0x0  }
0x97: {  	[sflag:s21] =	ssyncadd.s32 $0xFFFFF9C0  }
0x98: {  	_ =	swait.ge [sflag:s21], $0x640  }
0x99: {  	[sflag:s21] =	ssyncset.done $0x0  }
0x9a: {  	[sflag:s21] =	ssyncadd.s32 $0xFFFFF9C0  }
0x9b: {  	_ =	swait.ge [sflag:s21], $0x640  }
.Ltmp0:
0x9c: {  	[sflag:s21] =	ssyncset.done $0x0;
	(pc) =	sbr.rel @p1 .LBB2_2-.Ltmp0, $4  }
0x9d: {  	[sflag:s21] =	ssyncadd.s32 $0xFFFFF9C0  }
0x9e: {  	_ =	swait.ge [sflag:s21], $0x640  }
0x9f: {  	s24 =	sadd.s32 $0x640, s24;
	s1 =	simm.s32 $0x7000;
	[sflag:s21] =	ssyncset.done $0x0  }
0xa0: {  	s29 =	sadd.s32 $0x1, s29;
	s1 =	simm.s32 @!p0 $0xA200;
	[sflag:s21] =	ssyncadd.s32 $0xFFFFF9C0  }
0xa1: {  	[hbm4b:s8+s2] =	stream.linear.scatter [tilespmem:s1], [sflag:$0x2], $0x3200, $0x38;
	[tilespmem:$0xD400] =	vst v63  }
0xa2: {  	p0 =	seq.s32 s25, $0x1;
	s0 =	simm.s32 $0x3200;
	_ =	swait.ge [sflag:s22], $0x3200  }
0xa3: {  	s1 =	sshra.s32 s31, $0x2;
	s0 =	simm.s32 @!p0 $0x0;
	[sflag:s22] =	ssyncset.done $0x0  }
0xa4: {  	s12 =	sadd.s32 $0x380, s1;
	s31 =	sadd.s32 $0x7000, s0;
	[sflag:s22] =	ssyncadd.s32 $0xFFFFCE00  }
0xa5: {  	[tilespmem:s31], [sflag:$0x1] =	stream.indirect.gather [hbm4b:s3+s10], $0x20, s12, s10, $0xb8;
	[tilespmem:$0xD400] =	vst v63  }
0xa6: {  	s14 =	sadd.s32 $0x3B8, s1;
	s13 =	sadd.s32 $0x7640, s0  }
0xa7: {  	[tilespmem:s13], [sflag:$0x1] =	stream.indirect.gather [hbm4b:s3+s10], $0x20, s14, s10, $0xb8;
	[tilespmem:$0xD400] =	vst v63  }
0xa8: {  	s26 =	sadd.s32 $0x3F0, s1;
	s25 =	sadd.s32 $0x7C80, s0  }
0xa9: {  	[tilespmem:s25], [sflag:$0x1] =	stream.indirect.gather [hbm4b:s3+s10], $0x20, s26, s10, $0xb8;
	[tilespmem:$0xD400] =	vst v63  }
0xaa: {  	s29 =	sadd.s32 $0x82C0, s0;
	s31 =	sadd.s32 $0x428, s1  }
0xab: {  	[tilespmem:s29], [sflag:$0x1] =	stream.indirect.gather [hbm4b:s3+s10], $0x20, s31, s10, $0xb8;
	[tilespmem:$0xD400] =	vst v63  }
0xac: {  	s13 =	sor.u32 $0x8900, s0;
	s14 =	sadd.s32 $0x460, s1  }
0xad: {  	[tilespmem:s13], [sflag:$0x1] =	stream.indirect.gather [hbm4b:s3+s10], $0x20, s14, s10, $0xb8;
	[tilespmem:$0xD400] =	vst v63  }
0xae: {  	s25 =	sadd.s32 $0x8F40, s0;
	s26 =	sadd.s32 $0x498, s1  }
0xaf: {  	[tilespmem:s25], [sflag:$0x1] =	stream.indirect.gather [hbm4b:s3+s10], $0x20, s26, s10, $0xb8;
	[tilespmem:$0xD400] =	vst v63  }
0xb0: {  	s29 =	sadd.s32 $0x9580, s0;
	s31 =	sadd.s32 $0x4D0, s1  }
0xb1: {  	[tilespmem:s29], [sflag:$0x1] =	stream.indirect.gather [hbm4b:s3+s10], $0x20, s31, s10, $0xb8;
	[tilespmem:$0xD400] =	vst v63  }
0xb2: {  	s0 =	sadd.s32 $0x9BC0, s0;
	s1 =	sadd.s32 $0x508, s1  }
0xb3: {  	[tilespmem:s0], [sflag:$0x1] =	stream.indirect.gather [hbm4b:s3+s10], $0x20, s1, s10, $0xb8;
	[tilespmem:$0xD400] =	vst v63  }
0xb4: {  	_ =	swait.ge [sflag:s21], $0x640  }
0xb5: {  	[sflag:s21] =	ssyncset.done $0x0  }
0xb6: {  	[sflag:s21] =	ssyncadd.s32 $0xFFFFF9C0  }
0xb7: {  	_ =	swait.ge [sflag:s21], $0x640  }
0xb8: {  	[sflag:s21] =	ssyncset.done $0x0  }
0xb9: {  	[sflag:s21] =	ssyncadd.s32 $0xFFFFF9C0  }
0xba: {  	_ =	swait.ge [sflag:s21], $0x640  }
0xbb: {  	[sflag:s21] =	ssyncset.done $0x0  }
0xbc: {  	[sflag:s21] =	ssyncadd.s32 $0xFFFFF9C0  }
0xbd: {  	_ =	swait.ge [sflag:s21], $0x640  }
0xbe: {  	[sflag:s21] =	ssyncset.done $0x0  }
0xbf: {  	[sflag:s21] =	ssyncadd.s32 $0xFFFFF9C0  }
0xc0: {  	_ =	swait.ge [sflag:s21], $0x640  }
0xc1: {  	[sflag:s21] =	ssyncset.done $0x0  }
0xc2: {  	[sflag:s21] =	ssyncadd.s32 $0xFFFFF9C0  }
0xc3: {  	_ =	swait.ge [sflag:s21], $0x640  }
0xc4: {  	[sflag:s21] =	ssyncset.done $0x0  }
0xc5: {  	[sflag:s21] =	ssyncadd.s32 $0xFFFFF9C0  }
0xc6: {  	_ =	swait.ge [sflag:s21], $0x640  }
0xc7: {  	[sflag:s21] =	ssyncset.done $0x0  }
0xc8: {  	[sflag:s21] =	ssyncadd.s32 $0xFFFFF9C0  }
0xc9: {  	_ =	swait.ge [sflag:s21], $0x640  }
0xca: {  	s0 =	simm.s32 $0x7000;
	[sflag:s21] =	ssyncset.done $0x0  }
0xcb: {  	s0 =	simm.s32 @!p0 $0xA200;
	[sflag:s21] =	ssyncadd.s32 $0xFFFFF9C0  }
0xcc: {  	[hbm4b:s24+s2] =	stream.linear.scatter [tilespmem:s0], [sflag:$0x2], $0x3200, $0x38;
	[tilespmem:$0xD400] =	vst v63  }
0xcd: {  	_ =	swait.ge [sflag:s22], $0x3200  }
0xce: {  	[sflag:s22] =	ssyncset.done $0x0  }
0xcf: {  	[sflag:s22] =	ssyncadd.s32 $0xFFFFCE00  }
0xd0: {  	_ =	swait.ge [sflag:s21], $0x640  }
0xd1: {  	[sflag:s21] =	ssyncset.done $0x0  }
0xd2: {  	[sflag:s21] =	ssyncadd.s32 $0xFFFFF9C0  }
0xd3: {  	_ =	swait.ge [sflag:s21], $0x640  }
0xd4: {  	[sflag:s21] =	ssyncset.done $0x0  }
0xd5: {  	[sflag:s21] =	ssyncadd.s32 $0xFFFFF9C0  }
0xd6: {  	_ =	swait.ge [sflag:s21], $0x640  }
0xd7: {  	[sflag:s21] =	ssyncset.done $0x0  }
0xd8: {  	[sflag:s21] =	ssyncadd.s32 $0xFFFFF9C0  }
0xd9: {  	_ =	swait.ge [sflag:s21], $0x640  }
0xda: {  	[sflag:s21] =	ssyncset.done $0x0  }
0xdb: {  	[sflag:s21] =	ssyncadd.s32 $0xFFFFF9C0  }
0xdc: {  	_ =	swait.ge [sflag:s21], $0x640  }
0xdd: {  	[sflag:s21] =	ssyncset.done $0x0  }
0xde: {  	[sflag:s21] =	ssyncadd.s32 $0xFFFFF9C0  }
0xdf: {  	_ =	swait.ge [sflag:s21], $0x640  }
0xe0: {  	[sflag:s21] =	ssyncset.done $0x0  }
0xe1: {  	[sflag:s21] =	ssyncadd.s32 $0xFFFFF9C0  }
0xe2: {  	_ =	swait.ge [sflag:s21], $0x640  }
0xe3: {  	[sflag:s21] =	ssyncset.done $0x0  }
0xe4: {  	[sflag:s21] =	ssyncadd.s32 $0xFFFFF9C0  }
0xe5: {  	s23 =	sadd.s32 $0x1, s23;
	_ =	swait.ge [sflag:s21], $0x640  }
0xe6: {  	p0 =	sne.s32 s23, s6;
	[sflag:s21] =	ssyncset.done $0x0  }
.Ltmp1:
0xe7: {  	[sflag:s21] =	ssyncadd.s32 $0xFFFFF9C0;
	(pc) =	sbr.rel @p0 .LBB2_1-.Ltmp1, $4  }
0xe8: {  	[hbm4b:s7+s2] =	stream.linear.scatter [tilespmem:s28], [sflag:$0x2], $0x3200, $0x38;
	[tilespmem:$0xD400] =	vst v63  }
0xe9: {  	_ =	swait.ge [sflag:s22], $0x3200  }
0xea: {  	[sflag:s22] =	ssyncset.done $0x0  }
0xeb: {  	[sflag:s22] =	ssyncadd.s32 $0xFFFFCE00  }
0xec: {  	_ =	sfence.sel $0x180000  }
0xed: {  	[bflag:$0x0] =	sbarrier.arrive $0xFFFF  }
0xee: {  	_ =	strace $0x9000004A  }
0xef: {  	s0 =	stileid.u32;
	[bflag:$0x2] =	sbarrier.arrive $0xFFFF  }
0xf0: {  	p0 =	sne.s32 s0, $0x0;
	s0 =	rddreg [dreg:$0x2]  }
0xf1: {  	s0 =	sadd.s32 @!p0 $0x100000, s0  }
0xf2: {  	[sflag:s0] =	ssyncadd.tile.s32 @!p0 $0x1;
	_ =	shalt  }
.Lfunc_end2:
_tile_overlayer_lowered:
.L_overlay_start_2:
0xf3: {  	(tag) =	ssettag $0x2  }
0xf4: {  	s0 =	rddreg [dreg:$0x0];
	s2 =	stileid.u32  }
0xf5: {  	s1 =	rddreg [dreg:$0x1];
	p0 =	sne.s32 s2, $0x0  }
0xf6: {  	s3 =	rddreg [dreg:$0x2];
	[bflag:$0x3] =	sbarrier.arrive $0xFFFF;
	s2 =	simm.s32 @!p0 $0x1C03  }
0xf7: {  	[timem:s3], [sflag:s2] =	dma.local @!p0 [hbm:s0], s1  }
0xf8: {  	s0 =	simm.s32 @!p0 $0x3  }
0xf9: {  	_ =	swait.ge @!p0 [sflag:s0], s1  }
0xfa: {  	s1 =	ssub.s32 @!p0 $0x0, s1;
	[sflag:s0] =	ssyncset.done @!p0 $0x0  }
0xfb: {  	[sflag:s0] =	ssyncadd.s32 @!p0 s1  }
0xfc: {  	[bflag:$0x3] =	sbarrier.arrive $0xFFFF  }
0xfd: {  	_ =	shalt  }

// kernel: sparse-core-data-format-call.1.cloned.1.call-start
scs
called_computation.1_lowered:
.L_overlay_start_0:
0x0: {  	s2 =	sld [smem:$0x3FD9]  }
0x1: {  	s3 =	sld [smem:$0x3FFE];
	_ =	sdelay $0x1  }
0x2: {  	s1 =	srdreg.scid  }
0x3: {  	s0 =	sand.u32 $0x1, s1  }
0x4: {  	s16 =	sshll.u32 s0, $0xA;
	s2 =	sadd.s32 s3, s2  }
0x5: {  	s2 =	sadd.s32 s2, s16  }
0x6: {  	[smem:$0x3FC5] =	sst s2  }
0x7: {  	_ = 	snop  }
0x8: {  	s2 =	sld [smem:$0x3FD0];
	_ =	sdelay $0x2  }
0x9: {  	s17 =	simm.s32 $0xB;
	s4 =	simm.s32 $0x10  }
0xa: {  	[smem:s4], [sflag:s17] =	dma.local [hbm:s2], $0x1  }
0xb: {  	_ =	swait.eq [sflag:s17], $0x1  }
0xc: {  	[sflag:s17] =	ssyncset.done $0x0  }
0xd: {  	[sflag:s17] =	ssyncadd.s32 $0xFFFFFFFF  }
0xe: {  	s18 =	sld [smem:$0x10];
	(tm) =	ssettm $0x1  }
0xf: {  	s19 =	sld [smem:$0x3FFB];
	_ =	sdelay $0x3  }
0x10: {  	_ =	strace s19  }
0x11: {  	s2 =	sld [smem:$0x3FFC];
	_ =	sdelay $0x3  }
0x12: {  	_ =	strace s2  }
0x13: {  	s2 =	sld [smem:$0x3FFD];
	_ =	sdelay $0x3  }
0x14: {  	_ =	strace s2  }
0x15: {  	_ =	strace $0x8FFFFFFF  }
0x16: {  	s20 =	sld [smem:$0x3FDB];
	_ =	sdelay $0x1  }
0x17: {  	s21 =	simm.s32 $_scs_section_size  }
0x18: {  	s5 =	simm.s32 $_size__tile_overlayer_lowered;
	s6 =	simm.s32 $_tile_overlayer_lowered  }
0x19: {  	s7 =	simm.s32 $0x1BFF;
	s22 =	sshll.u32 s6, $0x1;
	s4 =	sadd.s32 s21, s20  }
0x1a: {  	s23 =	simm.s32 $0x0;
	s5 =	sshll.u32 s5, $0x1;
	s6 =	sadd.s32 s22, s4  }
0x1b: {  	[timem:s23], [sflag:s7] =	dma.local [hbm:s6], s5  }
0x1c: {  	_ =	swait.ge [sflag:s7], s5  }
0x1d: {  	s5 =	ssub.s32 $0x0, s5;
	[sflag:s7] =	ssyncset.done $0x0  }
0x1e: {  	[sflag:s7] =	ssyncadd.s32 s5;
	_ =	sdelay $0x1  }
0x1f: {  	s24 =	simm.s32 $0x1B8B  }
0x20: {  	_ =	swait.ge [sflag:s24], $0x1  }
0x21: {  	[sflag:s24] =	ssyncset.done $0x0  }
0x22: {  	[sflag:s24] =	ssyncadd.s32 $0xFFFFFFFF  }
0x23: {  	s5 =	sld [smem:$0x0]  }
0x24: {  	s6 =	sand.u32 $0xFFFFFFFE, s1  }
0x25: {  	p0 =	sne.s32 s1, s6  }
0x26: {  	s6 =	sshll.u32 @p0 s6, $0xE  }
0x27: {  	s6 =	sadd.s32 @p0 $0x11B8D, s6;
	s7 =	sshll.u32 @p0 s5, $0x11  }
0x28: {  	s6 =	sor.u32 @p0 s7, s6  }
0x29: {  	[sflag:s6] =	ssyncadd.remote.s32 @p0 $0x1;
	_ =	sdelay $0x1  }
0x2a: {  	s6 =	simm.s32 @p0 $0x1B8D  }
0x2b: {  	_ =	swait.eq @p0 [sflag:s6], $0x1  }
0x2c: {  	[sflag:s6] =	ssyncadd.s32 @p0 $0xFFFFFFFF  }
0x2d: {  	s7 =	sshll.u32 @!p0 s1, $0xE  }
0x2e: {  	s7 =	sor.u32 @!p0 $0x4000, s7;
	s6 =	simm.s32 @!p0 $0x1B8D  }
0x2f: {  	s5 =	sshll.u32 @!p0 s5, $0x11;
	s7 =	sadd.s32 @!p0 $0x11B8D, s7;
	_ =	swait.eq @!p0 [sflag:s6], $0x1  }
0x30: {  	s5 =	sor.u32 @!p0 s5, s7;
	[sflag:s6] =	ssyncadd.s32 @!p0 $0xFFFFFFFF  }
0x31: {  	s26 =	simm.s32 $0x1B8E;
	s25 =	sld [smem:$0x3FFE];
	[sflag:s5] =	ssyncadd.remote.s32 @!p0 $0x1  }
0x32: {  	s27 =	simm.s32 $execute0_lowered;
	[smem:$0x3FD2] =	sst s26  }
0x33: {  	s6 =	sshll.u32 s27, $0x1;
	_ =	strace $0x8000004C;
	[dreg:$0x1] =	wrdreg $0xFFFFFFFF  }
0x34: {  	s28 =	simm.s32 $_size_execute0_lowered;
	s4 =	sadd.s32 s4, s6;
	[dreg:$0x0] =	wrdreg $0x0  }
0x35: {  	s6 =	sshll.u32 s28, $0x1;
	[dreg:$0x2] =	wrdreg s4  }
0x36: {  	[dreg:$0x3] =	wrdreg s6  }
0x37: {  	[dreg:$0x4] =	wrdreg $0xC0  }
0x38: {  	_ =	task [dreg:s23], $0x5FFFF  }
0x39: {  	[dreg:$0x1] =	wrdreg $0xFFFFFFFF  }
0x3a: {  	[dreg:$0x0] =	wrdreg $0x60  }
0x3b: {  	[dreg:$0x2] =	wrdreg s25  }
0x3c: {  	[dreg:$0x3] =	wrdreg s18  }
0x3d: {  	[dreg:$0x4] =	wrdreg $0x9  }
0x3e: {  	_ =	task.clear_ibuf [dreg:s23], $0x5FFFF;
	_ =	strace $0x9000004C  }
0x3f: {  	s29 =	simm.s32 $0x9;
	_ =	strace $0x8000004E  }
0x40: {  	_ =	swait.ge [sflag:s29], $0x1  }
0x41: {  	[sflag:s29] =	ssyncadd.s32 $0xFFFFFFFF  }
0x42: {  	_ =	strace $0x9000004E  }
0x43: {  	_ =	sfence  }
0x44: {  	s30 =	sld [smem:$0x0];
	_ =	sdelay $0x2  }
0x45: {  	s31 =	sshll.u32 s1, $0xD;
	s1 =	sshrl.u32 s1, $0x2  }
0x46: {  	s4 =	sand.u32 $0x4000, s31;
	s1 =	sadd.s32 s1, s30  }
0x47: {  	s0 =	sor.u32 s4, s0;
	s1 =	sshll.u32 s1, $0x11  }
0x48: {  	s0 =	sor.u32 s1, s0  }
0x49: {  	s0 =	sadd.s32 $0x8F2B, s0  }
0x4a: {  	[sflag:s0] =	ssyncadd.remote.s32 $0x1  }
0x4b: {  	_ =	sfence.sel $0xFFFF  }
0x4c: {  	[dreg:$0x0] =	wrdreg $0xFFFFFFFF;
	(pc) =	sbr.abs _section_cstart, $3  }
0x4d: {  	[dreg:$0x1] =	wrdreg $0xFFFFFFFF  }
0x4e: {  	_ =	task.clear_ibuf [dreg:s23], $0x2FFFF;
	_ =	strace $0x9FFFFFFF  }
0x4f: {  	(tm) =	ssettm $0x7FFFFFFF  }
tec
execute0_lowered:
.L_overlay_start_1:
0x0: {  	(tag) =	ssettag $0x1  }
0x1: {  	s0 =	srdreg.scid  }
0x2: {  	s1 =	sshll.u32 s0, $0x4  }
0x3: {  	s0 =	stileid.u32;
	s1 =	sand.u32 $0x10, s1  }
0x4: {  	s1 =	sor.u32 s0, s1  }
0x5: {  	s6 =	rddreg [dreg:$0x0];
	s4 =	simm.s32 $0x1;
	s2 =	sshll.u32 s1, $0x7  }
0x6: {  	s7 =	simm.s32 $0x2;
	s12 =	simm.s32 $0x0;
	s1 =	ssub.s32 $0x4000, s2  }
0x7: {  	s8 =	simm.s32 $0x20000;
	s13 =	simm.s32 $0x0;
	s3 =	sand.u32 $0xF80, s1  }
0x8: {  	s9 =	simm.s32 $0x0;
	s5 =	sshrl.u32 s1, $0xC;
	p0 =	sne.s32 s3, $0x0  }
.Ltmp0:
0x9: {  	s1 =	rddreg [dreg:$0x2];
	s4 =	simm.s32 @!p0 $0x0;
	(pc) =	sbr.rel .LBB1_1-.Ltmp0, $4  }
0xa: {  	s11 =	simm.s32 $0x0;
	s3 =	rddreg [dreg:$0x1];
	s5 =	sadd.s32 s4, s5  }
0xb: {  	_ =	strace $0x8000004D;
	s4 =	simm.s32 $0x1;
	s5 =	smul.u32 $0x32, s5  }
0xc: {  	s6 =	sadd.s32 $0x7CD000, s6;
	s10 =	smov.u32 s2;
	[sflag:s4] =	ssyncpa.u1 $0x0  }
0xd: {  	p0 =	por $0x0, $0x0;
	[sflag:s7] =	ssyncpa.u1 $0x0;
	s7 =	sor.u32 $0x1, s5  }
.LBB1_4:
0xe: {  	s16 =	sshll.u32 s13, $0x3;
	s17 =	sand.u32 $0x78, s13  }
0xf: {  	s30 =	sand.u32 $0xF800, s13;
	s12 =	sshll.u32 s12, $0x10;
	s16 =	sand.u32 $0x3C00, s16  }
0x10: {  	s31 =	sand.u32 $0x7, s13;
	s16 =	sor.u32 s17, s16;
	s17 =	sadd.s32 s3, s30  }
0x11: {  	s13 =	sshll.u32 s31, $0x12;
	s16 =	sshrl.u32 s16, $0x3;
	s12 =	sadd.s32 s12, s17  }
0x12: {  	[tilespmem:s15+$0x0 ss:$0x81] =	vst.msk $0xffff, v0;
	s13 =	sor.u32 $0x400, s13;
	s12 =	sadd.s32 s16, s12  }
0x13: {  	[hbm4b:s12+s13] =	stream.strided.scatter [tilespmem:s14], [sflag:$0x2], $0x1000, s8, s13, $0x20;
	[tilespmem:$0x4040] =	vst v63  }
.LBB1_5:
0x14: {  	s14 =	sadd.s32 $0x1, s9  }
0x15: {  	s12 =	sadd.s32 $0x1000, s10;
	s16 =	smov.u32 s10;
	p2 =	sgt.s32 s14, $0x31  }
0x16: {  	s16 =	smov.u32 @p2 s12  }
0x17: {  	s14 =	simm.s32 @p2 $0x0;
	p2 =	sgt.s32 s16, $0x3FFF  }
0x18: {  	s16 =	smov.u32 @p2 s2;
	p2 =	sne.s32 s11, s7  }
.Ltmp1:
0x19: {  	p1 =	slt.u32 s11, $0x2;
	(pc) =	sbr.rel @!p2 .LBB1_6-.Ltmp1, $4  }
0x1a: {  	s15 =	simm.s32 @!p1 $0x2  }
0x1b: {  	s13 =	smov.u32 s10;
	p0 =	por !p0, !p0;
	_ =	swait.ge @!p1 [sflag:s15], $0x1000  }
0x1c: {  	s12 =	smov.u32 s9;
	[sflag:s15] =	ssyncset.done @!p1 $0x0;
	s9 =	smov.u32 s14  }
0x1d: {  	s11 =	sadd.s32 $0x1, s11;
	[sflag:s15] =	ssyncadd.s32 @!p1 $0xFFFFF000;
	s10 =	smov.u32 s16  }
.LBB1_1:
0x1e: {  	p1 =	sge.u32 s11, s5  }
0x1f: {  	s14 =	sand.u32 @!p1 $0x1FFFFFF, s9  }
0x20: {  	s15 =	smulhi.u32 @!p1 $0x4924925, s14;
	_ =	sdelay $0x1  }
0x21: {  	s15 =	smul.u32 @!p1 $0x38, s15  }
0x22: {  	s16 =	sxor.u32 @!p1 $0xFFFFFFFF, s11;
	s17 =	smul.u32 @!p1 $0x380, s10  }
0x23: {  	s31 =	sadd.s32 $0xFFFFFFFF, s11;
	s16 =	sshll.u32 @!p1 s16, $0xC;
	s14 =	ssub.s32 @!p1 s14, s15  }
0x24: {  	s15 =	sand.u32 @!p1 $0x1000, s16;
	s16 =	sadd.s32 @!p1 s6, s17;
	s14 =	sshll.u32 @!p1 s14, $0x4  }
0x25: {  	s17 =	simm.s32 @!p1 $0x1C00;
	s14 =	sadd.s32 @!p1 s14, s16;
	s16 =	simm.s32 @!p1 $0x20  }
0x26: {  	[tilespmem:s15], [sflag:$0x1] =	stream.strided.gather @!p1 [hbm4b:s14+s16], $0x1000, s17, s16, $0x38;
	[tilespmem:$0x4040] =	vst v63  }
0x27: {  	p1 =	sge.u32 s31, s5  }
.Ltmp2:
0x28: {  	_ = 	snop;
	(pc) =	sbr.rel @p1 .LBB1_5-.Ltmp2, $1  }
0x29: {  	_ =	sdelay $0x3  }
0x2a: {  	s14 =	simm.s32 $0x1  }
0x2b: {  	_ =	swait.ge [sflag:s4], $0x1000;
	s14 =	simm.s32 @!p0 $0x0  }
0x2c: {  	[sflag:s4] =	ssyncset.done $0x0;
	s15 =	sshll.u32 s14, $0xC  }
0x2d: {  	[sflag:s4] =	ssyncadd.s32 $0xFFFFF000;
	s18 =	sor.u32 $0x10, s15  }
0x2e: {  	s14 =	smul.u32 $0x4080, s14;
	v1 =	vld [tilespmem:s18+$0x0]  }
0x2f: {  	s30 =	sand.u32 $0x1, s11;
	v0 =	vld [tilespmem:s18+$0xFFFFFFF0]  }
0x30: {  	s15 =	smul.u32 $0x4080, s30;
	s14 =	sshrl.u32 s14, $0x2  }
0x31: {  	s16 =	sor.u32 $0x2000, s14  }
0x32: {  	s31 =	sshrl.u32 s15, $0x2;
	s15 =	sadd.s32 $0x0, s16  }
0x33: {  	s17 =	simm.s32 $0x4;
	s18 =	sadd.s32 $0x20, s18;
	s14 =	sor.u32 $0x2000, s31;
	[tilespmem:s15+$0x810 ss:$0x81] =	vst.msk $0xffff, v1  }
.LBB1_3:
0x34: {  	v1 =	vld [tilespmem:s18+$0x0];
	p1 =	sne.s32 s17, $0x1FC;
	[tilespmem:s15+$0x0 ss:$0x81] =	vst.msk $0xffff, v0;
	s15 =	smov.u32 s17;
	s17 =	sadd.s32 $0x4, s17  }
.Ltmp3:
0x35: {  	v0 =	vld [tilespmem:s18+$0xFFFFFFF0];
	(pc) =	sbr.rel @p1 .LBB1_3-.Ltmp3, $4  }
0x36: {  	_ = 	snop  }
0x37: {  	s15 =	sshra.s32 s15, $0x2  }
0x38: {  	s15 =	sadd.s32 s15, s16  }
0x39: {  	s18 =	sadd.s32 $0x20, s18;
	[tilespmem:s15+$0x810 ss:$0x81] =	vst.msk $0xffff, v1  }
.Ltmp4:
0x3a: {  	_ = 	snop;
	(pc) =	sbr.rel .LBB1_4-.Ltmp4, $1  }
0x3b: {  	_ =	sdelay $0x3  }
.LBB1_6:
0x3c: {  	_ =	sfence.sel $0x180000  }
0x3d: {  	s2 =	simm.s32 $0x1;
	[bflag:$0x0] =	sbarrier.arrive $0xFFFF  }
0x3e: {  	s31 =	simm.s32 $0x2;
	[sflag:s2] =	ssyncpa.u1 $0x1  }
0x3f: {  	[sflag:s31] =	ssyncpa.u1 $0x1  }
0x40: {  	p0 =	sne.s32 s0, $0x0;
	_ =	strace $0x9000004D  }
0x41: {  	s0 =	sadd.s32 @!p0 $0x100000, s1;
	[bflag:$0x2] =	sbarrier.arrive $0xFFFF  }
0x42: {  	[sflag:s0] =	ssyncadd.tile.s32 @!p0 $0x1;
	_ =	shalt  }
.Lfunc_end1:
_tile_overlayer_lowered:
.L_overlay_start_2:
0x43: {  	(tag) =	ssettag $0x2  }
0x44: {  	s0 =	rddreg [dreg:$0x0];
	s2 =	stileid.u32  }
0x45: {  	s1 =	rddreg [dreg:$0x1];
	p0 =	sne.s32 s2, $0x0  }
0x46: {  	s3 =	rddreg [dreg:$0x2];
	[bflag:$0x3] =	sbarrier.arrive $0xFFFF;
	s2 =	simm.s32 @!p0 $0x1C01  }
0x47: {  	[timem:s3], [sflag:s2] =	dma.local @!p0 [hbm:s0], s1  }
0x48: {  	s0 =	simm.s32 @!p0 $0x1  }
0x49: {  	_ =	swait.ge @!p0 [sflag:s0], s1  }
0x4a: {  	s1 =	ssub.s32 @!p0 $0x0, s1;
	[sflag:s0] =	ssyncset.done @!p0 $0x0  }
0x4b: {  	[sflag:s0] =	ssyncadd.s32 @!p0 s1  }
0x4c: {  	[bflag:$0x3] =	sbarrier.arrive $0xFFFF  }
0x4d: {  	_ =	shalt  }

// kernel: sparse-core-data-format-call.cloned.1.call-start
scs
called_computation_lowered:
.L_overlay_start_0:
0x0: {  	s2 =	sld [smem:$0x3FD9]  }
0x1: {  	s3 =	sld [smem:$0x3FFE];
	_ =	sdelay $0x1  }
0x2: {  	s1 =	srdreg.scid  }
0x3: {  	s0 =	sand.u32 $0x1, s1  }
0x4: {  	s16 =	sshll.u32 s0, $0xA;
	s2 =	sadd.s32 s3, s2  }
0x5: {  	s2 =	sadd.s32 s2, s16  }
0x6: {  	[smem:$0x3FC5] =	sst s2  }
0x7: {  	_ = 	snop  }
0x8: {  	s2 =	sld [smem:$0x3FD0];
	_ =	sdelay $0x2  }
0x9: {  	s17 =	simm.s32 $0xB;
	s4 =	simm.s32 $0x10  }
0xa: {  	[smem:s4], [sflag:s17] =	dma.local [hbm:s2], $0x1  }
0xb: {  	_ =	swait.eq [sflag:s17], $0x1  }
0xc: {  	[sflag:s17] =	ssyncset.done $0x0  }
0xd: {  	[sflag:s17] =	ssyncadd.s32 $0xFFFFFFFF  }
0xe: {  	s18 =	sld [smem:$0x11];
	(tm) =	ssettm $0x1  }
0xf: {  	s19 =	sld [smem:$0x3FFB];
	_ =	sdelay $0x3  }
0x10: {  	_ =	strace s19  }
0x11: {  	s2 =	sld [smem:$0x3FFC];
	_ =	sdelay $0x3  }
0x12: {  	_ =	strace s2  }
0x13: {  	s2 =	sld [smem:$0x3FFD];
	_ =	sdelay $0x3  }
0x14: {  	_ =	strace s2  }
0x15: {  	_ =	strace $0x8FFFFFFF  }
0x16: {  	s20 =	sld [smem:$0x3FDB];
	_ =	sdelay $0x1  }
0x17: {  	s21 =	simm.s32 $_scs_section_size  }
0x18: {  	s5 =	simm.s32 $_size__tile_overlayer_lowered;
	s6 =	simm.s32 $_tile_overlayer_lowered  }
0x19: {  	s7 =	simm.s32 $0x1BFF;
	s22 =	sshll.u32 s6, $0x1;
	s4 =	sadd.s32 s21, s20  }
0x1a: {  	s23 =	simm.s32 $0x0;
	s5 =	sshll.u32 s5, $0x1;
	s6 =	sadd.s32 s22, s4  }
0x1b: {  	[timem:s23], [sflag:s7] =	dma.local [hbm:s6], s5  }
0x1c: {  	_ =	swait.ge [sflag:s7], s5  }
0x1d: {  	s5 =	ssub.s32 $0x0, s5;
	[sflag:s7] =	ssyncset.done $0x0  }
0x1e: {  	[sflag:s7] =	ssyncadd.s32 s5;
	_ =	sdelay $0x1  }
0x1f: {  	s24 =	simm.s32 $0x1B8B  }
0x20: {  	_ =	swait.ge [sflag:s24], $0x1  }
0x21: {  	[sflag:s24] =	ssyncset.done $0x0  }
0x22: {  	[sflag:s24] =	ssyncadd.s32 $0xFFFFFFFF  }
0x23: {  	s5 =	sld [smem:$0x0]  }
0x24: {  	s6 =	sand.u32 $0xFFFFFFFE, s1  }
0x25: {  	p0 =	sne.s32 s1, s6  }
0x26: {  	s6 =	sshll.u32 @p0 s6, $0xE  }
0x27: {  	s6 =	sadd.s32 @p0 $0x11B8D, s6;
	s7 =	sshll.u32 @p0 s5, $0x11  }
0x28: {  	s6 =	sor.u32 @p0 s7, s6  }
0x29: {  	[sflag:s6] =	ssyncadd.remote.s32 @p0 $0x1;
	_ =	sdelay $0x1  }
0x2a: {  	s6 =	simm.s32 @p0 $0x1B8D  }
0x2b: {  	_ =	swait.eq @p0 [sflag:s6], $0x1  }
0x2c: {  	[sflag:s6] =	ssyncadd.s32 @p0 $0xFFFFFFFF  }
0x2d: {  	s7 =	sshll.u32 @!p0 s1, $0xE  }
0x2e: {  	s7 =	sor.u32 @!p0 $0x4000, s7;
	s6 =	simm.s32 @!p0 $0x1B8D  }
0x2f: {  	s5 =	sshll.u32 @!p0 s5, $0x11;
	s7 =	sadd.s32 @!p0 $0x11B8D, s7;
	_ =	swait.eq @!p0 [sflag:s6], $0x1  }
0x30: {  	s5 =	sor.u32 @!p0 s5, s7;
	[sflag:s6] =	ssyncadd.s32 @!p0 $0xFFFFFFFF  }
0x31: {  	s26 =	simm.s32 $0x1B8E;
	s25 =	sld [smem:$0x3FFE];
	[sflag:s5] =	ssyncadd.remote.s32 @!p0 $0x1  }
0x32: {  	s27 =	simm.s32 $execute0_lowered;
	[smem:$0x3FD2] =	sst s26  }
0x33: {  	s6 =	sshll.u32 s27, $0x1;
	_ =	strace $0x8000004F;
	[dreg:$0x1] =	wrdreg $0xFFFFFFFF  }
0x34: {  	s28 =	simm.s32 $_size_execute0_lowered;
	s4 =	sadd.s32 s4, s6;
	[dreg:$0x0] =	wrdreg $0x0  }
0x35: {  	s6 =	sshll.u32 s28, $0x1;
	[dreg:$0x2] =	wrdreg s4  }
0x36: {  	[dreg:$0x3] =	wrdreg s6  }
0x37: {  	[dreg:$0x4] =	wrdreg $0xC0  }
0x38: {  	_ =	task [dreg:s23], $0x5FFFF  }
0x39: {  	[dreg:$0x1] =	wrdreg $0xFFFFFFFF  }
0x3a: {  	[dreg:$0x0] =	wrdreg $0x60  }
0x3b: {  	[dreg:$0x2] =	wrdreg s25  }
0x3c: {  	[dreg:$0x3] =	wrdreg s18  }
0x3d: {  	[dreg:$0x4] =	wrdreg $0xA  }
0x3e: {  	_ =	task.clear_ibuf [dreg:s23], $0x5FFFF;
	_ =	strace $0x9000004F  }
0x3f: {  	s29 =	simm.s32 $0xA;
	_ =	strace $0x80000051  }
0x40: {  	_ =	swait.ge [sflag:s29], $0x1  }
0x41: {  	[sflag:s29] =	ssyncadd.s32 $0xFFFFFFFF  }
0x42: {  	_ =	strace $0x90000051  }
0x43: {  	_ =	sfence  }
0x44: {  	s30 =	sld [smem:$0x0];
	_ =	sdelay $0x2  }
0x45: {  	s31 =	sshll.u32 s1, $0xD;
	s1 =	sshrl.u32 s1, $0x2  }
0x46: {  	s4 =	sand.u32 $0x4000, s31;
	s1 =	sadd.s32 s1, s30  }
0x47: {  	s0 =	sor.u32 s4, s0;
	s1 =	sshll.u32 s1, $0x11  }
0x48: {  	s0 =	sor.u32 s1, s0  }
0x49: {  	s0 =	sadd.s32 $0x8F2B, s0  }
0x4a: {  	[sflag:s0] =	ssyncadd.remote.s32 $0x1  }
0x4b: {  	_ =	sfence.sel $0xFFFF  }
0x4c: {  	[dreg:$0x0] =	wrdreg $0xFFFFFFFF;
	(pc) =	sbr.abs _section_cstart, $3  }
0x4d: {  	[dreg:$0x1] =	wrdreg $0xFFFFFFFF  }
0x4e: {  	_ =	task.clear_ibuf [dreg:s23], $0x2FFFF;
	_ =	strace $0x9FFFFFFF  }
0x4f: {  	(tm) =	ssettm $0x7FFFFFFF  }
tec
execute0_lowered:
.L_overlay_start_1:
0x0: {  	(tag) =	ssettag $0x1  }
0x1: {  	s0 =	srdreg.scid  }
0x2: {  	s1 =	sshll.u32 s0, $0x4  }
0x3: {  	s0 =	stileid.u32;
	s1 =	sand.u32 $0x10, s1  }
0x4: {  	s1 =	sor.u32 s0, s1  }
0x5: {  	s6 =	rddreg [dreg:$0x0];
	s4 =	simm.s32 $0x1;
	s2 =	sshll.u32 s1, $0x7  }
0x6: {  	s7 =	simm.s32 $0x2;
	s12 =	simm.s32 $0x0;
	s1 =	ssub.s32 $0x4000, s2  }
0x7: {  	s8 =	simm.s32 $0x20000;
	s13 =	simm.s32 $0x0;
	s3 =	sand.u32 $0xF80, s1  }
0x8: {  	s9 =	simm.s32 $0x0;
	s5 =	sshrl.u32 s1, $0xC;
	p0 =	sne.s32 s3, $0x0  }
.Ltmp0:
0x9: {  	s1 =	rddreg [dreg:$0x2];
	s4 =	simm.s32 @!p0 $0x0;
	(pc) =	sbr.rel .LBB1_1-.Ltmp0, $4  }
0xa: {  	s11 =	simm.s32 $0x0;
	s3 =	rddreg [dreg:$0x1];
	s5 =	sadd.s32 s4, s5  }
0xb: {  	_ =	strace $0x80000050;
	s4 =	simm.s32 $0x1;
	s5 =	smul.u32 $0x32, s5  }
0xc: {  	s6 =	sadd.s32 $0x15CD000, s6;
	s10 =	smov.u32 s2;
	[sflag:s4] =	ssyncpa.u1 $0x0  }
0xd: {  	p0 =	por $0x0, $0x0;
	[sflag:s7] =	ssyncpa.u1 $0x0;
	s7 =	sor.u32 $0x1, s5  }
.LBB1_4:
0xe: {  	s16 =	sshll.u32 s13, $0x3;
	s17 =	sand.u32 $0x78, s13  }
0xf: {  	s30 =	sand.u32 $0xF800, s13;
	s12 =	sshll.u32 s12, $0x10;
	s16 =	sand.u32 $0x3C00, s16  }
0x10: {  	s31 =	sand.u32 $0x7, s13;
	s16 =	sor.u32 s17, s16;
	s17 =	sadd.s32 s3, s30  }
0x11: {  	s13 =	sshll.u32 s31, $0x12;
	s16 =	sshrl.u32 s16, $0x3;
	s12 =	sadd.s32 s12, s17  }
0x12: {  	[tilespmem:s15+$0x0 ss:$0x81] =	vst.msk $0xffff, v0;
	s13 =	sor.u32 $0x400, s13;
	s12 =	sadd.s32 s16, s12  }
0x13: {  	[hbm4b:s12+s13] =	stream.strided.scatter [tilespmem:s14], [sflag:$0x2], $0x1000, s8, s13, $0x20;
	[tilespmem:$0x4040] =	vst v63  }
.LBB1_5:
0x14: {  	s14 =	sadd.s32 $0x1, s9  }
0x15: {  	s12 =	sadd.s32 $0x1000, s10;
	s16 =	smov.u32 s10;
	p2 =	sgt.s32 s14, $0x31  }
0x16: {  	s16 =	smov.u32 @p2 s12  }
0x17: {  	s14 =	simm.s32 @p2 $0x0;
	p2 =	sgt.s32 s16, $0x3FFF  }
0x18: {  	s16 =	smov.u32 @p2 s2;
	p2 =	sne.s32 s11, s7  }
.Ltmp1:
0x19: {  	p1 =	slt.u32 s11, $0x2;
	(pc) =	sbr.rel @!p2 .LBB1_6-.Ltmp1, $4  }
0x1a: {  	s15 =	simm.s32 @!p1 $0x2  }
0x1b: {  	s13 =	smov.u32 s10;
	p0 =	por !p0, !p0;
	_ =	swait.ge @!p1 [sflag:s15], $0x1000  }
0x1c: {  	s12 =	smov.u32 s9;
	[sflag:s15] =	ssyncset.done @!p1 $0x0;
	s9 =	smov.u32 s14  }
0x1d: {  	s11 =	sadd.s32 $0x1, s11;
	[sflag:s15] =	ssyncadd.s32 @!p1 $0xFFFFF000;
	s10 =	smov.u32 s16  }
.LBB1_1:
0x1e: {  	p1 =	sge.u32 s11, s5  }
0x1f: {  	s14 =	sand.u32 @!p1 $0x1FFFFFF, s9  }
0x20: {  	s15 =	smulhi.u32 @!p1 $0x4924925, s14;
	_ =	sdelay $0x1  }
0x21: {  	s15 =	smul.u32 @!p1 $0x38, s15  }
0x22: {  	s16 =	sxor.u32 @!p1 $0xFFFFFFFF, s11;
	s17 =	smul.u32 @!p1 $0x380, s10  }
0x23: {  	s31 =	sadd.s32 $0xFFFFFFFF, s11;
	s16 =	sshll.u32 @!p1 s16, $0xC;
	s14 =	ssub.s32 @!p1 s14, s15  }
0x24: {  	s15 =	sand.u32 @!p1 $0x1000, s16;
	s16 =	sadd.s32 @!p1 s6, s17;
	s14 =	sshll.u32 @!p1 s14, $0x4  }
0x25: {  	s17 =	simm.s32 @!p1 $0x1C00;
	s14 =	sadd.s32 @!p1 s14, s16;
	s16 =	simm.s32 @!p1 $0x20  }
0x26: {  	[tilespmem:s15], [sflag:$0x1] =	stream.strided.gather @!p1 [hbm4b:s14+s16], $0x1000, s17, s16, $0x38;
	[tilespmem:$0x4040] =	vst v63  }
0x27: {  	p1 =	sge.u32 s31, s5  }
.Ltmp2:
0x28: {  	_ = 	snop;
	(pc) =	sbr.rel @p1 .LBB1_5-.Ltmp2, $1  }
0x29: {  	_ =	sdelay $0x3  }
0x2a: {  	s14 =	simm.s32 $0x1  }
0x2b: {  	_ =	swait.ge [sflag:s4], $0x1000;
	s14 =	simm.s32 @!p0 $0x0  }
0x2c: {  	[sflag:s4] =	ssyncset.done $0x0;
	s15 =	sshll.u32 s14, $0xC  }
0x2d: {  	[sflag:s4] =	ssyncadd.s32 $0xFFFFF000;
	s18 =	sor.u32 $0x10, s15  }
0x2e: {  	s14 =	smul.u32 $0x4080, s14;
	v1 =	vld [tilespmem:s18+$0x0]  }
0x2f: {  	s30 =	sand.u32 $0x1, s11;
	v0 =	vld [tilespmem:s18+$0xFFFFFFF0]  }
0x30: {  	s15 =	smul.u32 $0x4080, s30;
	s14 =	sshrl.u32 s14, $0x2  }
0x31: {  	s16 =	sor.u32 $0x2000, s14  }
0x32: {  	s31 =	sshrl.u32 s15, $0x2;
	s15 =	sadd.s32 $0x0, s16  }
0x33: {  	s17 =	simm.s32 $0x4;
	s18 =	sadd.s32 $0x20, s18;
	s14 =	sor.u32 $0x2000, s31;
	[tilespmem:s15+$0x810 ss:$0x81] =	vst.msk $0xffff, v1  }
.LBB1_3:
0x34: {  	v1 =	vld [tilespmem:s18+$0x0];
	p1 =	sne.s32 s17, $0x1FC;
	[tilespmem:s15+$0x0 ss:$0x81] =	vst.msk $0xffff, v0;
	s15 =	smov.u32 s17;
	s17 =	sadd.s32 $0x4, s17  }
.Ltmp3:
0x35: {  	v0 =	vld [tilespmem:s18+$0xFFFFFFF0];
	(pc) =	sbr.rel @p1 .LBB1_3-.Ltmp3, $4  }
0x36: {  	_ = 	snop  }
0x37: {  	s15 =	sshra.s32 s15, $0x2  }
0x38: {  	s15 =	sadd.s32 s15, s16  }
0x39: {  	s18 =	sadd.s32 $0x20, s18;
	[tilespmem:s15+$0x810 ss:$0x81] =	vst.msk $0xffff, v1  }
.Ltmp4:
0x3a: {  	_ = 	snop;
	(pc) =	sbr.rel .LBB1_4-.Ltmp4, $1  }
0x3b: {  	_ =	sdelay $0x3  }
.LBB1_6:
0x3c: {  	_ =	sfence.sel $0x180000  }
0x3d: {  	s2 =	simm.s32 $0x1;
	[bflag:$0x0] =	sbarrier.arrive $0xFFFF  }
0x3e: {  	s31 =	simm.s32 $0x2;
	[sflag:s2] =	ssyncpa.u1 $0x1  }
0x3f: {  	[sflag:s31] =	ssyncpa.u1 $0x1  }
0x40: {  	p0 =	sne.s32 s0, $0x0;
	_ =	strace $0x90000050  }
0x41: {  	s0 =	sadd.s32 @!p0 $0x100000, s1;
	[bflag:$0x2] =	sbarrier.arrive $0xFFFF  }
0x42: {  	[sflag:s0] =	ssyncadd.tile.s32 @!p0 $0x1;
	_ =	shalt  }
.Lfunc_end1:
_tile_overlayer_lowered:
.L_overlay_start_2:
0x43: {  	(tag) =	ssettag $0x2  }
0x44: {  	s0 =	rddreg [dreg:$0x0];
	s2 =	stileid.u32  }
0x45: {  	s1 =	rddreg [dreg:$0x1];
	p0 =	sne.s32 s2, $0x0  }
0x46: {  	s3 =	rddreg [dreg:$0x2];
	[bflag:$0x3] =	sbarrier.arrive $0xFFFF;
	s2 =	simm.s32 @!p0 $0x1C01  }
0x47: {  	[timem:s3], [sflag:s2] =	dma.local @!p0 [hbm:s0], s1  }
0x48: {  	s0 =	simm.s32 @!p0 $0x1  }
0x49: {  	_ =	swait.ge @!p0 [sflag:s0], s1  }
0x4a: {  	s1 =	ssub.s32 @!p0 $0x0, s1;
	[sflag:s0] =	ssyncset.done @!p0 $0x0  }
0x4b: {  	[sflag:s0] =	ssyncadd.s32 @!p0 s1  }
0x4c: {  	[bflag:$0x3] =	sbarrier.arrive $0xFFFF  }
0x4d: {  	_ =	shalt  }

</sc_bundles>
